<compile_context>
chip_gen: v7x
topology: tpu7x:2x2x1
jax: 0.10.2.dev20260603
libtpu: 0.0.44.dev20260713+nightly
codegen_flags: <defaults>
</compile_context>

<pallas_src>
import jax
import jax.numpy as jnp
from jax import lax
from jax.experimental import pallas as pl
from jax.experimental.pallas import tpu as pltpu
from jax.experimental.pallas import tpu_sc as plsc

NUM_ROWS = 128
NUM_COLS = 32768
LANES = 16
CHUNKS = NUM_COLS // LANES
NUM_WORKERS = 32
ROWS_PER_WORKER = NUM_ROWS // NUM_WORKERS
PATCH = 128
U = 8
INT_MAX = 2**31 - 1


def _argmax_row(xrow, lane_iota):

    def scan_body(i, accs):
        accs = list(accs)
        for h in range(2):
            g = i * 2 + h
            base = g * (U * LANES)
            bi = jnp.full((LANES,), 0, jnp.int32) + g
            for u in range(U):
                vmax, viter = accs[2 * u], accs[2 * u + 1]
                v = xrow[pl.ds(base + u * LANES, LANES)]
                cond = v > vmax
                accs[2 * u] = jnp.where(cond, v, vmax)
                accs[2 * u + 1] = jnp.where(cond, bi, viter)
        return tuple(accs)

    init = []
    for _ in range(U):
        init.append(jnp.full((LANES,), -jnp.inf, jnp.float32))
        init.append(jnp.zeros((LANES,), jnp.int32))
    accs = lax.fori_loop(0, CHUNKS // (2 * U), scan_body, tuple(init))

    best_v = accs[0]
    best_i = accs[1] * (U * LANES) + lane_iota
    for u in range(1, U):
        v = accs[2 * u]
        idx = accs[2 * u + 1] * (U * LANES) + (u * LANES) + lane_iota
        better = (v > best_v) | ((v == best_v) & (idx < best_i))
        best_v = jnp.where(better, v, best_v)
        best_i = jnp.where(better, idx, best_i)

    gmax = jnp.max(best_v)
    cand = jnp.where(best_v == gmax, best_i, jnp.int32(INT_MAX))
    return jnp.min(cand)


def _body(x_hbm, out_hbm, xbuf0, xbuf1, zeros_buf, patch_buf, sem_in,
          sem_zero, sem_patch):
    xbufs = [xbuf0, xbuf1]
    wid = lax.axis_index("s") * 2 + lax.axis_index("c")
    row0 = wid * ROWS_PER_WORKER

    in_copies = [pltpu.async_copy(x_hbm.at[row0], xbuf0, sem_in),
                 pltpu.async_copy(x_hbm.at[row0 + 1], xbuf1, sem_in)]

    @plsc.parallel_loop(0, CHUNKS, unroll=U)
    def _zero(i):
        zeros_buf[pl.ds(i * LANES, LANES)] = jnp.zeros((LANES,), jnp.int32)

    zero_copies = []
    for r in range(ROWS_PER_WORKER):
        zero_copies.append(
            pltpu.async_copy(zeros_buf, out_hbm.at[row0 + r], sem_zero))

    lane_iota = lax.broadcasted_iota(jnp.int32, (LANES,), 0)
    bases = []

    for r in range(ROWS_PER_WORKER):
        in_copies[r % 2].wait()

        idx = _argmax_row(xbufs[r % 2], lane_iota)

        if r + 2 < ROWS_PER_WORKER:
            in_copies[r % 2] = pltpu.async_copy(
                x_hbm.at[row0 + r + 2], xbufs[r % 2], sem_in)

        base = pl.multiple_of(jnp.int32(-PATCH) & idx, PATCH)
        off = idx - base
        for j in range(PATCH // LANES):
            patch_buf[pl.ds(r * PATCH + j * LANES, LANES)] = (
                lane_iota == (off - j * LANES)).astype(jnp.int32)
        bases.append(base)

    for c in zero_copies:
        c.wait()
    patch_copies = []
    for r in range(ROWS_PER_WORKER):
        patch_copies.append(pltpu.async_copy(
            patch_buf.at[pl.ds(r * PATCH, PATCH)],
            out_hbm.at[row0 + r].at[pl.ds(bases[r], PATCH)],
            sem_patch))
    for c in patch_copies:
        c.wait()


@jax.jit
def _hardmax_sc(x):
    mesh = plsc.VectorSubcoreMesh(core_axis_name="c", subcore_axis_name="s",
                                  num_cores=2, num_subcores=16)
    return pl.kernel(
        _body,
        out_type=jax.ShapeDtypeStruct((NUM_ROWS, NUM_COLS), jnp.int32),
        mesh=mesh,
        scratch_types=[
            pltpu.VMEM((NUM_COLS,), jnp.float32),
            pltpu.VMEM((NUM_COLS,), jnp.float32),
            pltpu.VMEM((NUM_COLS,), jnp.int32),
            pltpu.VMEM((ROWS_PER_WORKER * PATCH,), jnp.int32),
            pltpu.SemaphoreType.DMA,
            pltpu.SemaphoreType.DMA,
            pltpu.SemaphoreType.DMA,
        ],
        compiler_params=pltpu.CompilerParams(needs_layout_passes=False),
    )(x)


def kernel(x):
    return _hardmax_sc(x)

# --- scband reference (transcript-rebuilt; emitter-appended) ---
"""Pipeline reference for scband-hardmax-57354993271410 (READ-ONLY COPY).

The authoritative reference and input builder live on the scoring server;
editing this copy changes nothing except your own understanding.
"""

import jax, jax.numpy as jnp
import numpy as np

NUM_CLASSES = 32768

def setup_inputs(seed: int = 0) -> dict:
    key = jax.random.key(seed)
    x = jax.random.normal(key, (128, NUM_CLASSES), dtype=jnp.float32)
    return {"x": x}

def reference(x):
    # idx = torch.argmax(x, dim=1)
    idx = jnp.argmax(x, axis=1)
    # y = F.one_hot(idx, num_classes=NUM_CLASSES) -> integer one-hot
    y = (jnp.arange(NUM_CLASSES, dtype=jnp.int32)[None, :] == idx[:, None]).astype(jnp.int32)
    return y

if __name__ == "__main__":
    import jax
    _d = setup_inputs()
    print(jax.jit(kernel)(*tuple(_d.values())))

</pallas_src>

<mosaic_0001>
#map = affine_map<(d0, d1) -> (0, 0)>
module attributes {stable_mosaic.version = 14 : i64} {
  func.func @_body(%arg0: i32, %arg1: i32, %arg2: memref<128x32768xf32, #tpu.memory_space<hbm>>, %arg3: memref<128x32768xi32, #tpu.memory_space<hbm>>, %arg4: memref<32768xf32, #tpu.memory_space<vmem>>, %arg5: memref<32768xf32, #tpu.memory_space<vmem>>, %arg6: memref<32768xi32, #tpu.memory_space<vmem>>, %arg7: memref<512xi32, #tpu.memory_space<vmem>>, %arg8: memref<!tpu.dma_semaphore, #tpu.memory_space<semaphore_mem>>, %arg9: memref<!tpu.dma_semaphore, #tpu.memory_space<semaphore_mem>>, %arg10: memref<!tpu.dma_semaphore, #tpu.memory_space<semaphore_mem>>) attributes {dimension_semantics = [#tpu.dimension_semantics<core_parallel>, #tpu.dimension_semantics<subcore_parallel>], iteration_bounds = array<i64: 2, 16>, scalar_prefetch = 0 : i64, scratch_operands = 7 : i64, tpu.core_type = #tpu.core_type<sc_vector_subcore>, window_params = [{transform_indices = #map}, {transform_indices = #map}]} {
    %mul3A = arith.constant 2 : i32
    %mul3A_0 = arith.muli %arg1, %mul3A : i32
    %add3A = arith.addi %mul3A_0, %arg0 : i32
    %mul3A_1 = arith.constant 4 : i32
    %mul3A_2 = arith.muli %add3A, %mul3A_1 : i32
    %dma_start3A = arith.constant 0 : i32
    %dma_start3A_3 = tpu.memref_slice %arg2[%mul3A_2, %dma_start3A] : memref<128x32768xf32, #tpu.memory_space<hbm>> -> memref<1x32768xf32, #tpu.memory_space<hbm>>
    %dma_start3A_4 = tpu.memref_squeeze %dma_start3A_3 : memref<1x32768xf32, #tpu.memory_space<hbm>> -> memref<32768xf32, #tpu.memory_space<hbm>>
    %dma_start3A_5 = arith.constant 0 : i32
    %dma_start3A_6 = tpu.memref_slice %arg2[%mul3A_2, %dma_start3A_5] : memref<128x32768xf32, #tpu.memory_space<hbm>> -> memref<1x32768xf32, #tpu.memory_space<hbm>>
    %dma_start3A_7 = tpu.memref_squeeze %dma_start3A_6 : memref<1x32768xf32, #tpu.memory_space<hbm>> -> memref<32768xf32, #tpu.memory_space<hbm>>
    tpu.enqueue_dma source(%dma_start3A_7 : memref<32768xf32, #tpu.memory_space<hbm>>) target(%arg4 : memref<32768xf32, #tpu.memory_space<vmem>>) target_semaphore(%arg8 : memref<!tpu.dma_semaphore, #tpu.memory_space<semaphore_mem>>)
    %add3A_8 = arith.constant 1 : i32
    %add3A_9 = arith.addi %mul3A_2, %add3A_8 : i32
    %dma_start3A_10 = arith.constant 0 : i32
    %dma_start3A_11 = tpu.memref_slice %arg2[%add3A_9, %dma_start3A_10] : memref<128x32768xf32, #tpu.memory_space<hbm>> -> memref<1x32768xf32, #tpu.memory_space<hbm>>
    %dma_start3A_12 = tpu.memref_squeeze %dma_start3A_11 : memref<1x32768xf32, #tpu.memory_space<hbm>> -> memref<32768xf32, #tpu.memory_space<hbm>>
    %dma_start3A_13 = arith.constant 0 : i32
    %dma_start3A_14 = tpu.memref_slice %arg2[%add3A_9, %dma_start3A_13] : memref<128x32768xf32, #tpu.memory_space<hbm>> -> memref<1x32768xf32, #tpu.memory_space<hbm>>
    %dma_start3A_15 = tpu.memref_squeeze %dma_start3A_14 : memref<1x32768xf32, #tpu.memory_space<hbm>> -> memref<32768xf32, #tpu.memory_space<hbm>>
    tpu.enqueue_dma source(%dma_start3A_15 : memref<32768xf32, #tpu.memory_space<hbm>>) target(%arg5 : memref<32768xf32, #tpu.memory_space<vmem>>) target_semaphore(%arg8 : memref<!tpu.dma_semaphore, #tpu.memory_space<semaphore_mem>>)
    %parallel_loop3A = arith.constant 0 : i32
    %parallel_loop3A_16 = arith.constant 2048 : i32
    %parallel_loop3A_17 = arith.constant 1 : i32
    scf.for %parallel_loop3A_1074 = %parallel_loop3A to %parallel_loop3A_16 step %parallel_loop3A_17  : i32 {
      %parallel_loop3A_1075 = arith.constant 0 : i32
      %parallel_loop3A_1076 = vector.broadcast %parallel_loop3A_1075 : i32 to vector<16xi32>
      %parallel_loop3A_1077 = arith.constant 16 : i32
      %parallel_loop3A_1078 = arith.muli %parallel_loop3A_1074, %parallel_loop3A_1077 : i32
      %parallel_loop3A_1079 = arith.index_cast %parallel_loop3A_1078 : i32 to index
      %parallel_loop3A_1080 = tpu.vector_load %arg6[%parallel_loop3A_1079] {strides = array<i32>} : memref<32768xi32, #tpu.memory_space<vmem>>, vector<16xi32>,
      tpu.vector_store %arg6[%parallel_loop3A_1079], %parallel_loop3A_1076 {strides = array<i32>} : memref<32768xi32, #tpu.memory_space<vmem>>, vector<16xi32>,
    } {sc.loop_unroll_factor = 8 : i64, sc.parallel_access}
    %add3A_18 = arith.constant 0 : i32
    %add3A_19 = arith.addi %mul3A_2, %add3A_18 : i32
    %dma_start3A_20 = arith.constant 0 : i32
    %dma_start3A_21 = tpu.memref_slice %arg3[%add3A_19, %dma_start3A_20] : memref<128x32768xi32, #tpu.memory_space<hbm>> -> memref<1x32768xi32, #tpu.memory_space<hbm>>
    %dma_start3A_22 = tpu.memref_squeeze %dma_start3A_21 : memref<1x32768xi32, #tpu.memory_space<hbm>> -> memref<32768xi32, #tpu.memory_space<hbm>>
    %dma_start3A_23 = arith.constant 0 : i32
    %dma_start3A_24 = tpu.memref_slice %arg3[%add3A_19, %dma_start3A_23] : memref<128x32768xi32, #tpu.memory_space<hbm>> -> memref<1x32768xi32, #tpu.memory_space<hbm>>
    %dma_start3A_25 = tpu.memref_squeeze %dma_start3A_24 : memref<1x32768xi32, #tpu.memory_space<hbm>> -> memref<32768xi32, #tpu.memory_space<hbm>>
    tpu.enqueue_dma source(%arg6 : memref<32768xi32, #tpu.memory_space<vmem>>) target(%dma_start3A_25 : memref<32768xi32, #tpu.memory_space<hbm>>) target_semaphore(%arg9 : memref<!tpu.dma_semaphore, #tpu.memory_space<semaphore_mem>>)
    %add3A_26 = arith.constant 1 : i32
    %add3A_27 = arith.addi %mul3A_2, %add3A_26 : i32
    %dma_start3A_28 = arith.constant 0 : i32
    %dma_start3A_29 = tpu.memref_slice %arg3[%add3A_27, %dma_start3A_28] : memref<128x32768xi32, #tpu.memory_space<hbm>> -> memref<1x32768xi32, #tpu.memory_space<hbm>>
    %dma_start3A_30 = tpu.memref_squeeze %dma_start3A_29 : memref<1x32768xi32, #tpu.memory_space<hbm>> -> memref<32768xi32, #tpu.memory_space<hbm>>
    %dma_start3A_31 = arith.constant 0 : i32
    %dma_start3A_32 = tpu.memref_slice %arg3[%add3A_27, %dma_start3A_31] : memref<128x32768xi32, #tpu.memory_space<hbm>> -> memref<1x32768xi32, #tpu.memory_space<hbm>>
    %dma_start3A_33 = tpu.memref_squeeze %dma_start3A_32 : memref<1x32768xi32, #tpu.memory_space<hbm>> -> memref<32768xi32, #tpu.memory_space<hbm>>
    tpu.enqueue_dma source(%arg6 : memref<32768xi32, #tpu.memory_space<vmem>>) target(%dma_start3A_33 : memref<32768xi32, #tpu.memory_space<hbm>>) target_semaphore(%arg9 : memref<!tpu.dma_semaphore, #tpu.memory_space<semaphore_mem>>)
    %add3A_34 = arith.constant 2 : i32
    %add3A_35 = arith.addi %mul3A_2, %add3A_34 : i32
    %dma_start3A_36 = arith.constant 0 : i32
    %dma_start3A_37 = tpu.memref_slice %arg3[%add3A_35, %dma_start3A_36] : memref<128x32768xi32, #tpu.memory_space<hbm>> -> memref<1x32768xi32, #tpu.memory_space<hbm>>
    %dma_start3A_38 = tpu.memref_squeeze %dma_start3A_37 : memref<1x32768xi32, #tpu.memory_space<hbm>> -> memref<32768xi32, #tpu.memory_space<hbm>>
    %dma_start3A_39 = arith.constant 0 : i32
    %dma_start3A_40 = tpu.memref_slice %arg3[%add3A_35, %dma_start3A_39] : memref<128x32768xi32, #tpu.memory_space<hbm>> -> memref<1x32768xi32, #tpu.memory_space<hbm>>
    %dma_start3A_41 = tpu.memref_squeeze %dma_start3A_40 : memref<1x32768xi32, #tpu.memory_space<hbm>> -> memref<32768xi32, #tpu.memory_space<hbm>>
    tpu.enqueue_dma source(%arg6 : memref<32768xi32, #tpu.memory_space<vmem>>) target(%dma_start3A_41 : memref<32768xi32, #tpu.memory_space<hbm>>) target_semaphore(%arg9 : memref<!tpu.dma_semaphore, #tpu.memory_space<semaphore_mem>>)
    %add3A_42 = arith.constant 3 : i32
    %add3A_43 = arith.addi %mul3A_2, %add3A_42 : i32
    %dma_start3A_44 = arith.constant 0 : i32
    %dma_start3A_45 = tpu.memref_slice %arg3[%add3A_43, %dma_start3A_44] : memref<128x32768xi32, #tpu.memory_space<hbm>> -> memref<1x32768xi32, #tpu.memory_space<hbm>>
    %dma_start3A_46 = tpu.memref_squeeze %dma_start3A_45 : memref<1x32768xi32, #tpu.memory_space<hbm>> -> memref<32768xi32, #tpu.memory_space<hbm>>
    %dma_start3A_47 = arith.constant 0 : i32
    %dma_start3A_48 = tpu.memref_slice %arg3[%add3A_43, %dma_start3A_47] : memref<128x32768xi32, #tpu.memory_space<hbm>> -> memref<1x32768xi32, #tpu.memory_space<hbm>>
    %dma_start3A_49 = tpu.memref_squeeze %dma_start3A_48 : memref<1x32768xi32, #tpu.memory_space<hbm>> -> memref<32768xi32, #tpu.memory_space<hbm>>
    tpu.enqueue_dma source(%arg6 : memref<32768xi32, #tpu.memory_space<vmem>>) target(%dma_start3A_49 : memref<32768xi32, #tpu.memory_space<hbm>>) target_semaphore(%arg9 : memref<!tpu.dma_semaphore, #tpu.memory_space<semaphore_mem>>)
    %iota3A = tpu.iota {dimensions = array<i32: 0>} : vector<16xi32>
    %dma_wait3A = arith.constant 0 : i32
    %dma_wait3A_50 = tpu.memref_slice %arg2[%mul3A_2, %dma_wait3A] : memref<128x32768xf32, #tpu.memory_space<hbm>> -> memref<1x32768xf32, #tpu.memory_space<hbm>>
    %dma_wait3A_51 = tpu.memref_squeeze %dma_wait3A_50 : memref<1x32768xf32, #tpu.memory_space<hbm>> -> memref<32768xf32, #tpu.memory_space<hbm>>
    %dma_wait3A_52 = arith.constant 0 : i32
    %dma_wait3A_53 = tpu.memref_slice %arg2[%mul3A_2, %dma_wait3A_52] : memref<128x32768xf32, #tpu.memory_space<hbm>> -> memref<1x32768xf32, #tpu.memory_space<hbm>>
    %dma_wait3A_54 = tpu.memref_squeeze %dma_wait3A_53 : memref<1x32768xf32, #tpu.memory_space<hbm>> -> memref<32768xf32, #tpu.memory_space<hbm>>
    tpu.wait_dma2 semaphore(%arg8 : memref<!tpu.dma_semaphore, #tpu.memory_space<semaphore_mem>>) src(%dma_wait3A_54 : memref<32768xf32, #tpu.memory_space<hbm>>) dst(%arg4 : memref<32768xf32, #tpu.memory_space<vmem>>)
    %broadcast_in_dim3A = arith.constant 0xFF800000 : f32
    %broadcast_in_dim3A_55 = vector.broadcast %broadcast_in_dim3A : f32 to vector<16xf32>
    %broadcast_in_dim3A_56 = arith.constant 0 : i32
    %broadcast_in_dim3A_57 = vector.broadcast %broadcast_in_dim3A_56 : i32 to vector<16xi32>
    %broadcast_in_dim3A_58 = arith.constant 0xFF800000 : f32
    %broadcast_in_dim3A_59 = vector.broadcast %broadcast_in_dim3A_58 : f32 to vector<16xf32>
    %broadcast_in_dim3A_60 = arith.constant 0 : i32
    %broadcast_in_dim3A_61 = vector.broadcast %broadcast_in_dim3A_60 : i32 to vector<16xi32>
    %broadcast_in_dim3A_62 = arith.constant 0xFF800000 : f32
    %broadcast_in_dim3A_63 = vector.broadcast %broadcast_in_dim3A_62 : f32 to vector<16xf32>
    %broadcast_in_dim3A_64 = arith.constant 0 : i32
    %broadcast_in_dim3A_65 = vector.broadcast %broadcast_in_dim3A_64 : i32 to vector<16xi32>
    %broadcast_in_dim3A_66 = arith.constant 0xFF800000 : f32
    %broadcast_in_dim3A_67 = vector.broadcast %broadcast_in_dim3A_66 : f32 to vector<16xf32>
    %broadcast_in_dim3A_68 = arith.constant 0 : i32
    %broadcast_in_dim3A_69 = vector.broadcast %broadcast_in_dim3A_68 : i32 to vector<16xi32>
    %broadcast_in_dim3A_70 = arith.constant 0xFF800000 : f32
    %broadcast_in_dim3A_71 = vector.broadcast %broadcast_in_dim3A_70 : f32 to vector<16xf32>
    %broadcast_in_dim3A_72 = arith.constant 0 : i32
    %broadcast_in_dim3A_73 = vector.broadcast %broadcast_in_dim3A_72 : i32 to vector<16xi32>
    %broadcast_in_dim3A_74 = arith.constant 0xFF800000 : f32
    %broadcast_in_dim3A_75 = vector.broadcast %broadcast_in_dim3A_74 : f32 to vector<16xf32>
    %broadcast_in_dim3A_76 = arith.constant 0 : i32
    %broadcast_in_dim3A_77 = vector.broadcast %broadcast_in_dim3A_76 : i32 to vector<16xi32>
    %broadcast_in_dim3A_78 = arith.constant 0xFF800000 : f32
    %broadcast_in_dim3A_79 = vector.broadcast %broadcast_in_dim3A_78 : f32 to vector<16xf32>
    %broadcast_in_dim3A_80 = arith.constant 0 : i32
    %broadcast_in_dim3A_81 = vector.broadcast %broadcast_in_dim3A_80 : i32 to vector<16xi32>
    %broadcast_in_dim3A_82 = arith.constant 0xFF800000 : f32
    %broadcast_in_dim3A_83 = vector.broadcast %broadcast_in_dim3A_82 : f32 to vector<16xf32>
    %broadcast_in_dim3A_84 = arith.constant 0 : i32
    %broadcast_in_dim3A_85 = vector.broadcast %broadcast_in_dim3A_84 : i32 to vector<16xi32>
    %scan3A = arith.constant 0 : i32
    %scan3A_86 = arith.constant 128 : i32
    %scan3A_87 = arith.addi %scan3A, %scan3A_86 : i32
    %scan3A_88 = arith.constant 1 : i32
    %scan3A_89:16 = scf.for %scan3A_1074 = %scan3A to %scan3A_87 step %scan3A_88 iter_args(%scan3A_1075 = %broadcast_in_dim3A_55, %scan3A_1076 = %broadcast_in_dim3A_57, %scan3A_1077 = %broadcast_in_dim3A_59, %scan3A_1078 = %broadcast_in_dim3A_61, %scan3A_1079 = %broadcast_in_dim3A_63, %scan3A_1080 = %broadcast_in_dim3A_65, %scan3A_1081 = %broadcast_in_dim3A_67, %scan3A_1082 = %broadcast_in_dim3A_69, %scan3A_1083 = %broadcast_in_dim3A_71, %scan3A_1084 = %broadcast_in_dim3A_73, %scan3A_1085 = %broadcast_in_dim3A_75, %scan3A_1086 = %broadcast_in_dim3A_77, %scan3A_1087 = %broadcast_in_dim3A_79, %scan3A_1088 = %broadcast_in_dim3A_81, %scan3A_1089 = %broadcast_in_dim3A_83, %scan3A_1090 = %broadcast_in_dim3A_85) -> (vector<16xf32>, vector<16xi32>, vector<16xf32>, vector<16xi32>, vector<16xf32>, vector<16xi32>, vector<16xf32>, vector<16xi32>, vector<16xf32>, vector<16xi32>, vector<16xf32>, vector<16xi32>, vector<16xf32>, vector<16xi32>, vector<16xf32>, vector<16xi32>)  : i32 {
      %mul3A_1091 = arith.constant 2 : i32
      %mul3A_1092 = arith.muli %scan3A_1074, %mul3A_1091 : i32
      %add3A_1093 = arith.constant 0 : i32
      %add3A_1094 = arith.addi %mul3A_1092, %add3A_1093 : i32
      %mul3A_1095 = arith.constant 128 : i32
      %mul3A_1096 = arith.muli %add3A_1094, %mul3A_1095 : i32
      %broadcast_in_dim3A_1097 = arith.constant 0 : i32
      %broadcast_in_dim3A_1098 = vector.broadcast %broadcast_in_dim3A_1097 : i32 to vector<16xi32>
      %add3A_1099 = vector.broadcast %add3A_1094 : i32 to vector<16xi32>
      %add3A_1100 = arith.addi %broadcast_in_dim3A_1098, %add3A_1099 : vector<16xi32>
      %add3A_1101 = arith.constant 0 : i32
      %add3A_1102 = arith.addi %mul3A_1096, %add3A_1101 : i32
      %get3A = arith.index_cast %add3A_1102 : i32 to index
      %get3A_1103 = tpu.vector_load %arg4[%get3A] {strides = array<i32>} : memref<32768xf32, #tpu.memory_space<vmem>>, vector<16xf32>,
      %gt3A_1104 = arith.cmpf ogt, %get3A_1103, %scan3A_1075 : vector<16xf32>
      %select_n3A_1105 = arith.select %gt3A_1104, %get3A_1103, %scan3A_1075 : vector<16xi1>, vector<16xf32>
      %select_n3A_1106 = arith.select %gt3A_1104, %add3A_1100, %scan3A_1076 : vector<16xi1>, vector<16xi32>
      %add3A_1107 = arith.constant 16 : i32
      %add3A_1108 = arith.addi %mul3A_1096, %add3A_1107 : i32
      %get3A_1109 = arith.index_cast %add3A_1108 : i32 to index
      %get3A_1110 = tpu.vector_load %arg4[%get3A_1109] {strides = array<i32>} : memref<32768xf32, #tpu.memory_space<vmem>>, vector<16xf32>,
      %gt3A_1111 = arith.cmpf ogt, %get3A_1110, %scan3A_1077 : vector<16xf32>
      %select_n3A_1112 = arith.select %gt3A_1111, %get3A_1110, %scan3A_1077 : vector<16xi1>, vector<16xf32>
      %select_n3A_1113 = arith.select %gt3A_1111, %add3A_1100, %scan3A_1078 : vector<16xi1>, vector<16xi32>
      %add3A_1114 = arith.constant 32 : i32
      %add3A_1115 = arith.addi %mul3A_1096, %add3A_1114 : i32
      %get3A_1116 = arith.index_cast %add3A_1115 : i32 to index
      %get3A_1117 = tpu.vector_load %arg4[%get3A_1116] {strides = array<i32>} : memref<32768xf32, #tpu.memory_space<vmem>>, vector<16xf32>,
      %gt3A_1118 = arith.cmpf ogt, %get3A_1117, %scan3A_1079 : vector<16xf32>
      %select_n3A_1119 = arith.select %gt3A_1118, %get3A_1117, %scan3A_1079 : vector<16xi1>, vector<16xf32>
      %select_n3A_1120 = arith.select %gt3A_1118, %add3A_1100, %scan3A_1080 : vector<16xi1>, vector<16xi32>
      %add3A_1121 = arith.constant 48 : i32
      %add3A_1122 = arith.addi %mul3A_1096, %add3A_1121 : i32
      %get3A_1123 = arith.index_cast %add3A_1122 : i32 to index
      %get3A_1124 = tpu.vector_load %arg4[%get3A_1123] {strides = array<i32>} : memref<32768xf32, #tpu.memory_space<vmem>>, vector<16xf32>,
      %gt3A_1125 = arith.cmpf ogt, %get3A_1124, %scan3A_1081 : vector<16xf32>
      %select_n3A_1126 = arith.select %gt3A_1125, %get3A_1124, %scan3A_1081 : vector<16xi1>, vector<16xf32>
      %select_n3A_1127 = arith.select %gt3A_1125, %add3A_1100, %scan3A_1082 : vector<16xi1>, vector<16xi32>
      %add3A_1128 = arith.constant 64 : i32
      %add3A_1129 = arith.addi %mul3A_1096, %add3A_1128 : i32
      %get3A_1130 = arith.index_cast %add3A_1129 : i32 to index
      %get3A_1131 = tpu.vector_load %arg4[%get3A_1130] {strides = array<i32>} : memref<32768xf32, #tpu.memory_space<vmem>>, vector<16xf32>,
      %gt3A_1132 = arith.cmpf ogt, %get3A_1131, %scan3A_1083 : vector<16xf32>
      %select_n3A_1133 = arith.select %gt3A_1132, %get3A_1131, %scan3A_1083 : vector<16xi1>, vector<16xf32>
      %select_n3A_1134 = arith.select %gt3A_1132, %add3A_1100, %scan3A_1084 : vector<16xi1>, vector<16xi32>
      %add3A_1135 = arith.constant 80 : i32
      %add3A_1136 = arith.addi %mul3A_1096, %add3A_1135 : i32
      %get3A_1137 = arith.index_cast %add3A_1136 : i32 to index
      %get3A_1138 = tpu.vector_load %arg4[%get3A_1137] {strides = array<i32>} : memref<32768xf32, #tpu.memory_space<vmem>>, vector<16xf32>,
      %gt3A_1139 = arith.cmpf ogt, %get3A_1138, %scan3A_1085 : vector<16xf32>
      %select_n3A_1140 = arith.select %gt3A_1139, %get3A_1138, %scan3A_1085 : vector<16xi1>, vector<16xf32>
      %select_n3A_1141 = arith.select %gt3A_1139, %add3A_1100, %scan3A_1086 : vector<16xi1>, vector<16xi32>
      %add3A_1142 = arith.constant 96 : i32
      %add3A_1143 = arith.addi %mul3A_1096, %add3A_1142 : i32
      %get3A_1144 = arith.index_cast %add3A_1143 : i32 to index
      %get3A_1145 = tpu.vector_load %arg4[%get3A_1144] {strides = array<i32>} : memref<32768xf32, #tpu.memory_space<vmem>>, vector<16xf32>,
      %gt3A_1146 = arith.cmpf ogt, %get3A_1145, %scan3A_1087 : vector<16xf32>
      %select_n3A_1147 = arith.select %gt3A_1146, %get3A_1145, %scan3A_1087 : vector<16xi1>, vector<16xf32>
      %select_n3A_1148 = arith.select %gt3A_1146, %add3A_1100, %scan3A_1088 : vector<16xi1>, vector<16xi32>
      %add3A_1149 = arith.constant 112 : i32
      %add3A_1150 = arith.addi %mul3A_1096, %add3A_1149 : i32
      %get3A_1151 = arith.index_cast %add3A_1150 : i32 to index
      %get3A_1152 = tpu.vector_load %arg4[%get3A_1151] {strides = array<i32>} : memref<32768xf32, #tpu.memory_space<vmem>>, vector<16xf32>,
      %gt3A_1153 = arith.cmpf ogt, %get3A_1152, %scan3A_1089 : vector<16xf32>
      %select_n3A_1154 = arith.select %gt3A_1153, %get3A_1152, %scan3A_1089 : vector<16xi1>, vector<16xf32>
      %select_n3A_1155 = arith.select %gt3A_1153, %add3A_1100, %scan3A_1090 : vector<16xi1>, vector<16xi32>
      %mul3A_1156 = arith.constant 2 : i32
      %mul3A_1157 = arith.muli %scan3A_1074, %mul3A_1156 : i32
      %add3A_1158 = arith.constant 1 : i32
      %add3A_1159 = arith.addi %mul3A_1157, %add3A_1158 : i32
      %mul3A_1160 = arith.constant 128 : i32
      %mul3A_1161 = arith.muli %add3A_1159, %mul3A_1160 : i32
      %broadcast_in_dim3A_1162 = arith.constant 0 : i32
      %broadcast_in_dim3A_1163 = vector.broadcast %broadcast_in_dim3A_1162 : i32 to vector<16xi32>
      %add3A_1164 = vector.broadcast %add3A_1159 : i32 to vector<16xi32>
      %add3A_1165 = arith.addi %broadcast_in_dim3A_1163, %add3A_1164 : vector<16xi32>
      %add3A_1166 = arith.constant 0 : i32
      %add3A_1167 = arith.addi %mul3A_1161, %add3A_1166 : i32
      %get3A_1168 = arith.index_cast %add3A_1167 : i32 to index
      %get3A_1169 = tpu.vector_load %arg4[%get3A_1168] {strides = array<i32>} : memref<32768xf32, #tpu.memory_space<vmem>>, vector<16xf32>,
      %gt3A_1170 = arith.cmpf ogt, %get3A_1169, %select_n3A_1105 : vector<16xf32>
      %select_n3A_1171 = arith.select %gt3A_1170, %get3A_1169, %select_n3A_1105 : vector<16xi1>, vector<16xf32>
      %select_n3A_1172 = arith.select %gt3A_1170, %add3A_1165, %select_n3A_1106 : vector<16xi1>, vector<16xi32>
      %add3A_1173 = arith.constant 16 : i32
      %add3A_1174 = arith.addi %mul3A_1161, %add3A_1173 : i32
      %get3A_1175 = arith.index_cast %add3A_1174 : i32 to index
      %get3A_1176 = tpu.vector_load %arg4[%get3A_1175] {strides = array<i32>} : memref<32768xf32, #tpu.memory_space<vmem>>, vector<16xf32>,
      %gt3A_1177 = arith.cmpf ogt, %get3A_1176, %select_n3A_1112 : vector<16xf32>
      %select_n3A_1178 = arith.select %gt3A_1177, %get3A_1176, %select_n3A_1112 : vector<16xi1>, vector<16xf32>
      %select_n3A_1179 = arith.select %gt3A_1177, %add3A_1165, %select_n3A_1113 : vector<16xi1>, vector<16xi32>
      %add3A_1180 = arith.constant 32 : i32
      %add3A_1181 = arith.addi %mul3A_1161, %add3A_1180 : i32
      %get3A_1182 = arith.index_cast %add3A_1181 : i32 to index
      %get3A_1183 = tpu.vector_load %arg4[%get3A_1182] {strides = array<i32>} : memref<32768xf32, #tpu.memory_space<vmem>>, vector<16xf32>,
      %gt3A_1184 = arith.cmpf ogt, %get3A_1183, %select_n3A_1119 : vector<16xf32>
      %select_n3A_1185 = arith.select %gt3A_1184, %get3A_1183, %select_n3A_1119 : vector<16xi1>, vector<16xf32>
      %select_n3A_1186 = arith.select %gt3A_1184, %add3A_1165, %select_n3A_1120 : vector<16xi1>, vector<16xi32>
      %add3A_1187 = arith.constant 48 : i32
      %add3A_1188 = arith.addi %mul3A_1161, %add3A_1187 : i32
      %get3A_1189 = arith.index_cast %add3A_1188 : i32 to index
      %get3A_1190 = tpu.vector_load %arg4[%get3A_1189] {strides = array<i32>} : memref<32768xf32, #tpu.memory_space<vmem>>, vector<16xf32>,
      %gt3A_1191 = arith.cmpf ogt, %get3A_1190, %select_n3A_1126 : vector<16xf32>
      %select_n3A_1192 = arith.select %gt3A_1191, %get3A_1190, %select_n3A_1126 : vector<16xi1>, vector<16xf32>
      %select_n3A_1193 = arith.select %gt3A_1191, %add3A_1165, %select_n3A_1127 : vector<16xi1>, vector<16xi32>
      %add3A_1194 = arith.constant 64 : i32
      %add3A_1195 = arith.addi %mul3A_1161, %add3A_1194 : i32
      %get3A_1196 = arith.index_cast %add3A_1195 : i32 to index
      %get3A_1197 = tpu.vector_load %arg4[%get3A_1196] {strides = array<i32>} : memref<32768xf32, #tpu.memory_space<vmem>>, vector<16xf32>,
      %gt3A_1198 = arith.cmpf ogt, %get3A_1197, %select_n3A_1133 : vector<16xf32>
      %select_n3A_1199 = arith.select %gt3A_1198, %get3A_1197, %select_n3A_1133 : vector<16xi1>, vector<16xf32>
      %select_n3A_1200 = arith.select %gt3A_1198, %add3A_1165, %select_n3A_1134 : vector<16xi1>, vector<16xi32>
      %add3A_1201 = arith.constant 80 : i32
      %add3A_1202 = arith.addi %mul3A_1161, %add3A_1201 : i32
      %get3A_1203 = arith.index_cast %add3A_1202 : i32 to index
      %get3A_1204 = tpu.vector_load %arg4[%get3A_1203] {strides = array<i32>} : memref<32768xf32, #tpu.memory_space<vmem>>, vector<16xf32>,
      %gt3A_1205 = arith.cmpf ogt, %get3A_1204, %select_n3A_1140 : vector<16xf32>
      %select_n3A_1206 = arith.select %gt3A_1205, %get3A_1204, %select_n3A_1140 : vector<16xi1>, vector<16xf32>
      %select_n3A_1207 = arith.select %gt3A_1205, %add3A_1165, %select_n3A_1141 : vector<16xi1>, vector<16xi32>
      %add3A_1208 = arith.constant 96 : i32
      %add3A_1209 = arith.addi %mul3A_1161, %add3A_1208 : i32
      %get3A_1210 = arith.index_cast %add3A_1209 : i32 to index
      %get3A_1211 = tpu.vector_load %arg4[%get3A_1210] {strides = array<i32>} : memref<32768xf32, #tpu.memory_space<vmem>>, vector<16xf32>,
      %gt3A_1212 = arith.cmpf ogt, %get3A_1211, %select_n3A_1147 : vector<16xf32>
      %select_n3A_1213 = arith.select %gt3A_1212, %get3A_1211, %select_n3A_1147 : vector<16xi1>, vector<16xf32>
      %select_n3A_1214 = arith.select %gt3A_1212, %add3A_1165, %select_n3A_1148 : vector<16xi1>, vector<16xi32>
      %add3A_1215 = arith.constant 112 : i32
      %add3A_1216 = arith.addi %mul3A_1161, %add3A_1215 : i32
      %get3A_1217 = arith.index_cast %add3A_1216 : i32 to index
      %get3A_1218 = tpu.vector_load %arg4[%get3A_1217] {strides = array<i32>} : memref<32768xf32, #tpu.memory_space<vmem>>, vector<16xf32>,
      %gt3A_1219 = arith.cmpf ogt, %get3A_1218, %select_n3A_1154 : vector<16xf32>
      %select_n3A_1220 = arith.select %gt3A_1219, %get3A_1218, %select_n3A_1154 : vector<16xi1>, vector<16xf32>
      %select_n3A_1221 = arith.select %gt3A_1219, %add3A_1165, %select_n3A_1155 : vector<16xi1>, vector<16xi32>
      scf.yield %select_n3A_1171, %select_n3A_1172, %select_n3A_1178, %select_n3A_1179, %select_n3A_1185, %select_n3A_1186, %select_n3A_1192, %select_n3A_1193, %select_n3A_1199, %select_n3A_1200, %select_n3A_1206, %select_n3A_1207, %select_n3A_1213, %select_n3A_1214, %select_n3A_1220, %select_n3A_1221 : vector<16xf32>, vector<16xi32>, vector<16xf32>, vector<16xi32>, vector<16xf32>, vector<16xi32>, vector<16xf32>, vector<16xi32>, vector<16xf32>, vector<16xi32>, vector<16xf32>, vector<16xi32>, vector<16xf32>, vector<16xi32>, vector<16xf32>, vector<16xi32>
    }
    %scan3A_90 = arith.constant 128 : i32
    %mul3A_91 = arith.constant 128 : i32
    %mul3A_92 = vector.broadcast %mul3A_91 : i32 to vector<16xi32>
    %mul3A_93 = arith.muli %scan3A_89#1, %mul3A_92 : vector<16xi32>
    %add3A_94 = arith.addi %mul3A_93, %iota3A : vector<16xi32>
    %mul3A_95 = arith.constant 128 : i32
    %mul3A_96 = vector.broadcast %mul3A_95 : i32 to vector<16xi32>
    %mul3A_97 = arith.muli %scan3A_89#3, %mul3A_96 : vector<16xi32>
    %add3A_98 = arith.constant 16 : i32
    %add3A_99 = vector.broadcast %add3A_98 : i32 to vector<16xi32>
    %add3A_100 = arith.addi %mul3A_97, %add3A_99 : vector<16xi32>
    %add3A_101 = arith.addi %add3A_100, %iota3A : vector<16xi32>
    %gt3A = arith.cmpf ogt, %scan3A_89#2, %scan3A_89#0 : vector<16xf32>
    %eq3A = arith.cmpf oeq, %scan3A_89#2, %scan3A_89#0 : vector<16xf32>
    %lt3A = arith.cmpi slt, %add3A_101, %add3A_94 : vector<16xi32>
    %and3A = arith.andi %eq3A, %lt3A : vector<16xi1>
    %or3A = arith.ori %gt3A, %and3A : vector<16xi1>
    %select_n3A = arith.select %or3A, %scan3A_89#2, %scan3A_89#0 : vector<16xi1>, vector<16xf32>
    %select_n3A_102 = arith.select %or3A, %add3A_101, %add3A_94 : vector<16xi1>, vector<16xi32>
    %mul3A_103 = arith.constant 128 : i32
    %mul3A_104 = vector.broadcast %mul3A_103 : i32 to vector<16xi32>
    %mul3A_105 = arith.muli %scan3A_89#5, %mul3A_104 : vector<16xi32>
    %add3A_106 = arith.constant 32 : i32
    %add3A_107 = vector.broadcast %add3A_106 : i32 to vector<16xi32>
    %add3A_108 = arith.addi %mul3A_105, %add3A_107 : vector<16xi32>
    %add3A_109 = arith.addi %add3A_108, %iota3A : vector<16xi32>
    %gt3A_110 = arith.cmpf ogt, %scan3A_89#4, %select_n3A : vector<16xf32>
    %eq3A_111 = arith.cmpf oeq, %scan3A_89#4, %select_n3A : vector<16xf32>
    %lt3A_112 = arith.cmpi slt, %add3A_109, %select_n3A_102 : vector<16xi32>
    %and3A_113 = arith.andi %eq3A_111, %lt3A_112 : vector<16xi1>
    %or3A_114 = arith.ori %gt3A_110, %and3A_113 : vector<16xi1>
    %select_n3A_115 = arith.select %or3A_114, %scan3A_89#4, %select_n3A : vector<16xi1>, vector<16xf32>
    %select_n3A_116 = arith.select %or3A_114, %add3A_109, %select_n3A_102 : vector<16xi1>, vector<16xi32>
    %mul3A_117 = arith.constant 128 : i32
    %mul3A_118 = vector.broadcast %mul3A_117 : i32 to vector<16xi32>
    %mul3A_119 = arith.muli %scan3A_89#7, %mul3A_118 : vector<16xi32>
    %add3A_120 = arith.constant 48 : i32
    %add3A_121 = vector.broadcast %add3A_120 : i32 to vector<16xi32>
    %add3A_122 = arith.addi %mul3A_119, %add3A_121 : vector<16xi32>
    %add3A_123 = arith.addi %add3A_122, %iota3A : vector<16xi32>
    %gt3A_124 = arith.cmpf ogt, %scan3A_89#6, %select_n3A_115 : vector<16xf32>
    %eq3A_125 = arith.cmpf oeq, %scan3A_89#6, %select_n3A_115 : vector<16xf32>
    %lt3A_126 = arith.cmpi slt, %add3A_123, %select_n3A_116 : vector<16xi32>
    %and3A_127 = arith.andi %eq3A_125, %lt3A_126 : vector<16xi1>
    %or3A_128 = arith.ori %gt3A_124, %and3A_127 : vector<16xi1>
    %select_n3A_129 = arith.select %or3A_128, %scan3A_89#6, %select_n3A_115 : vector<16xi1>, vector<16xf32>
    %select_n3A_130 = arith.select %or3A_128, %add3A_123, %select_n3A_116 : vector<16xi1>, vector<16xi32>
    %mul3A_131 = arith.constant 128 : i32
    %mul3A_132 = vector.broadcast %mul3A_131 : i32 to vector<16xi32>
    %mul3A_133 = arith.muli %scan3A_89#9, %mul3A_132 : vector<16xi32>
    %add3A_134 = arith.constant 64 : i32
    %add3A_135 = vector.broadcast %add3A_134 : i32 to vector<16xi32>
    %add3A_136 = arith.addi %mul3A_133, %add3A_135 : vector<16xi32>
    %add3A_137 = arith.addi %add3A_136, %iota3A : vector<16xi32>
    %gt3A_138 = arith.cmpf ogt, %scan3A_89#8, %select_n3A_129 : vector<16xf32>
    %eq3A_139 = arith.cmpf oeq, %scan3A_89#8, %select_n3A_129 : vector<16xf32>
    %lt3A_140 = arith.cmpi slt, %add3A_137, %select_n3A_130 : vector<16xi32>
    %and3A_141 = arith.andi %eq3A_139, %lt3A_140 : vector<16xi1>
    %or3A_142 = arith.ori %gt3A_138, %and3A_141 : vector<16xi1>
    %select_n3A_143 = arith.select %or3A_142, %scan3A_89#8, %select_n3A_129 : vector<16xi1>, vector<16xf32>
    %select_n3A_144 = arith.select %or3A_142, %add3A_137, %select_n3A_130 : vector<16xi1>, vector<16xi32>
    %mul3A_145 = arith.constant 128 : i32
    %mul3A_146 = vector.broadcast %mul3A_145 : i32 to vector<16xi32>
    %mul3A_147 = arith.muli %scan3A_89#11, %mul3A_146 : vector<16xi32>
    %add3A_148 = arith.constant 80 : i32
    %add3A_149 = vector.broadcast %add3A_148 : i32 to vector<16xi32>
    %add3A_150 = arith.addi %mul3A_147, %add3A_149 : vector<16xi32>
    %add3A_151 = arith.addi %add3A_150, %iota3A : vector<16xi32>
    %gt3A_152 = arith.cmpf ogt, %scan3A_89#10, %select_n3A_143 : vector<16xf32>
    %eq3A_153 = arith.cmpf oeq, %scan3A_89#10, %select_n3A_143 : vector<16xf32>
    %lt3A_154 = arith.cmpi slt, %add3A_151, %select_n3A_144 : vector<16xi32>
    %and3A_155 = arith.andi %eq3A_153, %lt3A_154 : vector<16xi1>
    %or3A_156 = arith.ori %gt3A_152, %and3A_155 : vector<16xi1>
    %select_n3A_157 = arith.select %or3A_156, %scan3A_89#10, %select_n3A_143 : vector<16xi1>, vector<16xf32>
    %select_n3A_158 = arith.select %or3A_156, %add3A_151, %select_n3A_144 : vector<16xi1>, vector<16xi32>
    %mul3A_159 = arith.constant 128 : i32
    %mul3A_160 = vector.broadcast %mul3A_159 : i32 to vector<16xi32>
    %mul3A_161 = arith.muli %scan3A_89#13, %mul3A_160 : vector<16xi32>
    %add3A_162 = arith.constant 96 : i32
    %add3A_163 = vector.broadcast %add3A_162 : i32 to vector<16xi32>
    %add3A_164 = arith.addi %mul3A_161, %add3A_163 : vector<16xi32>
    %add3A_165 = arith.addi %add3A_164, %iota3A : vector<16xi32>
    %gt3A_166 = arith.cmpf ogt, %scan3A_89#12, %select_n3A_157 : vector<16xf32>
    %eq3A_167 = arith.cmpf oeq, %scan3A_89#12, %select_n3A_157 : vector<16xf32>
    %lt3A_168 = arith.cmpi slt, %add3A_165, %select_n3A_158 : vector<16xi32>
    %and3A_169 = arith.andi %eq3A_167, %lt3A_168 : vector<16xi1>
    %or3A_170 = arith.ori %gt3A_166, %and3A_169 : vector<16xi1>
    %select_n3A_171 = arith.select %or3A_170, %scan3A_89#12, %select_n3A_157 : vector<16xi1>, vector<16xf32>
    %select_n3A_172 = arith.select %or3A_170, %add3A_165, %select_n3A_158 : vector<16xi1>, vector<16xi32>
    %mul3A_173 = arith.constant 128 : i32
    %mul3A_174 = vector.broadcast %mul3A_173 : i32 to vector<16xi32>
    %mul3A_175 = arith.muli %scan3A_89#15, %mul3A_174 : vector<16xi32>
    %add3A_176 = arith.constant 112 : i32
    %add3A_177 = vector.broadcast %add3A_176 : i32 to vector<16xi32>
    %add3A_178 = arith.addi %mul3A_175, %add3A_177 : vector<16xi32>
    %add3A_179 = arith.addi %add3A_178, %iota3A : vector<16xi32>
    %gt3A_180 = arith.cmpf ogt, %scan3A_89#14, %select_n3A_171 : vector<16xf32>
    %eq3A_181 = arith.cmpf oeq, %scan3A_89#14, %select_n3A_171 : vector<16xf32>
    %lt3A_182 = arith.cmpi slt, %add3A_179, %select_n3A_172 : vector<16xi32>
    %and3A_183 = arith.andi %eq3A_181, %lt3A_182 : vector<16xi1>
    %or3A_184 = arith.ori %gt3A_180, %and3A_183 : vector<16xi1>
    %select_n3A_185 = arith.select %or3A_184, %scan3A_89#14, %select_n3A_171 : vector<16xi1>, vector<16xf32>
    %select_n3A_186 = arith.select %or3A_184, %add3A_179, %select_n3A_172 : vector<16xi1>, vector<16xi32>
    %reduce_max3A = arith.constant true
    %reduce_max3A_187 = vector.broadcast %reduce_max3A : i1 to vector<16xi1>
    %reduce_max3A_188 = tpu.scan <max>, %select_n3A_185 masked %reduce_max3A_187 : vector<16xf32>, vector<16xi1> -> vector<16xf32>
    %reduce_max3A_189 = vector.extract %reduce_max3A_188[15] : f32 from vector<16xf32>
    %eq3A_190 = vector.broadcast %reduce_max3A_189 : f32 to vector<16xf32>
    %eq3A_191 = arith.cmpf oeq, %select_n3A_185, %eq3A_190 : vector<16xf32>
    %jit3A = arith.constant 2147483647 : i32
    %broadcast_in_dim3A_192 = vector.broadcast %jit3A : i32 to vector<16xi32>
    %select_n3A_193 = arith.select %eq3A_191, %select_n3A_186, %broadcast_in_dim3A_192 : vector<16xi1>, vector<16xi32>
    %reduce_min3A = arith.constant true
    %reduce_min3A_194 = vector.broadcast %reduce_min3A : i1 to vector<16xi1>
    %reduce_min3A_195 = arith.constant -2147483648 : i32
    %reduce_min3A_196 = vector.broadcast %reduce_min3A_195 : i32 to vector<16xi32>
    %reduce_min3A_197 = arith.xori %select_n3A_193, %reduce_min3A_196 : vector<16xi32>
    %reduce_min3A_198 = tpu.scan <min>, %reduce_min3A_197 masked %reduce_min3A_194 : vector<16xi32>, vector<16xi1> -> vector<16xi32>
    %reduce_min3A_199 = arith.xori %reduce_min3A_198, %reduce_min3A_196 : vector<16xi32>
    %reduce_min3A_200 = vector.extract %reduce_min3A_199[15] : i32 from vector<16xi32>
    %add3A_201 = arith.constant 0 : i32
    %add3A_202 = arith.addi %mul3A_2, %add3A_201 : i32
    %add3A_203 = arith.constant 2 : i32
    %add3A_204 = arith.addi %add3A_202, %add3A_203 : i32
    %dma_start3A_205 = arith.constant 0 : i32
    %dma_start3A_206 = tpu.memref_slice %arg2[%add3A_204, %dma_start3A_205] : memref<128x32768xf32, #tpu.memory_space<hbm>> -> memref<1x32768xf32, #tpu.memory_space<hbm>>
    %dma_start3A_207 = tpu.memref_squeeze %dma_start3A_206 : memref<1x32768xf32, #tpu.memory_space<hbm>> -> memref<32768xf32, #tpu.memory_space<hbm>>
    %dma_start3A_208 = arith.constant 0 : i32
    %dma_start3A_209 = tpu.memref_slice %arg2[%add3A_204, %dma_start3A_208] : memref<128x32768xf32, #tpu.memory_space<hbm>> -> memref<1x32768xf32, #tpu.memory_space<hbm>>
    %dma_start3A_210 = tpu.memref_squeeze %dma_start3A_209 : memref<1x32768xf32, #tpu.memory_space<hbm>> -> memref<32768xf32, #tpu.memory_space<hbm>>
    tpu.enqueue_dma source(%dma_start3A_210 : memref<32768xf32, #tpu.memory_space<hbm>>) target(%arg4 : memref<32768xf32, #tpu.memory_space<vmem>>) target_semaphore(%arg8 : memref<!tpu.dma_semaphore, #tpu.memory_space<semaphore_mem>>)
    %and3A_211 = arith.constant -128 : i32
    %and3A_212 = arith.andi %and3A_211, %reduce_min3A_200 : i32
    %multiple_of3A = tpu.assume_multiple %and3A_212, 128 : i32
    %sub3A = arith.subi %reduce_min3A_200, %multiple_of3A : i32
    %sub3A_213 = arith.constant 0 : i32
    %sub3A_214 = arith.subi %sub3A, %sub3A_213 : i32
    %eq3A_215 = vector.broadcast %sub3A_214 : i32 to vector<16xi32>
    %eq3A_216 = arith.cmpi eq, %iota3A, %eq3A_215 : vector<16xi32>
    %convert_element_type3A = arith.extui %eq3A_216 : vector<16xi1> to vector<16xi32>
    %swap3A = arith.constant 0 : index
    %swap3A_217 = tpu.vector_load %arg7[%swap3A] {strides = array<i32>} : memref<512xi32, #tpu.memory_space<vmem>>, vector<16xi32>,
    tpu.vector_store %arg7[%swap3A], %convert_element_type3A {strides = array<i32>} : memref<512xi32, #tpu.memory_space<vmem>>, vector<16xi32>,
    %sub3A_218 = arith.constant 16 : i32
    %sub3A_219 = arith.subi %sub3A, %sub3A_218 : i32
    %eq3A_220 = vector.broadcast %sub3A_219 : i32 to vector<16xi32>
    %eq3A_221 = arith.cmpi eq, %iota3A, %eq3A_220 : vector<16xi32>
    %convert_element_type3A_222 = arith.extui %eq3A_221 : vector<16xi1> to vector<16xi32>
    %swap3A_223 = arith.constant 16 : index
    %swap3A_224 = tpu.vector_load %arg7[%swap3A_223] {strides = array<i32>} : memref<512xi32, #tpu.memory_space<vmem>>, vector<16xi32>,
    tpu.vector_store %arg7[%swap3A_223], %convert_element_type3A_222 {strides = array<i32>} : memref<512xi32, #tpu.memory_space<vmem>>, vector<16xi32>,
    %sub3A_225 = arith.constant 32 : i32
    %sub3A_226 = arith.subi %sub3A, %sub3A_225 : i32
    %eq3A_227 = vector.broadcast %sub3A_226 : i32 to vector<16xi32>
    %eq3A_228 = arith.cmpi eq, %iota3A, %eq3A_227 : vector<16xi32>
    %convert_element_type3A_229 = arith.extui %eq3A_228 : vector<16xi1> to vector<16xi32>
    %swap3A_230 = arith.constant 32 : index
    %swap3A_231 = tpu.vector_load %arg7[%swap3A_230] {strides = array<i32>} : memref<512xi32, #tpu.memory_space<vmem>>, vector<16xi32>,
    tpu.vector_store %arg7[%swap3A_230], %convert_element_type3A_229 {strides = array<i32>} : memref<512xi32, #tpu.memory_space<vmem>>, vector<16xi32>,
    %sub3A_232 = arith.constant 48 : i32
    %sub3A_233 = arith.subi %sub3A, %sub3A_232 : i32
    %eq3A_234 = vector.broadcast %sub3A_233 : i32 to vector<16xi32>
    %eq3A_235 = arith.cmpi eq, %iota3A, %eq3A_234 : vector<16xi32>
    %convert_element_type3A_236 = arith.extui %eq3A_235 : vector<16xi1> to vector<16xi32>
    %swap3A_237 = arith.constant 48 : index
    %swap3A_238 = tpu.vector_load %arg7[%swap3A_237] {strides = array<i32>} : memref<512xi32, #tpu.memory_space<vmem>>, vector<16xi32>,
    tpu.vector_store %arg7[%swap3A_237], %convert_element_type3A_236 {strides = array<i32>} : memref<512xi32, #tpu.memory_space<vmem>>, vector<16xi32>,
    %sub3A_239 = arith.constant 64 : i32
    %sub3A_240 = arith.subi %sub3A, %sub3A_239 : i32
    %eq3A_241 = vector.broadcast %sub3A_240 : i32 to vector<16xi32>
    %eq3A_242 = arith.cmpi eq, %iota3A, %eq3A_241 : vector<16xi32>
    %convert_element_type3A_243 = arith.extui %eq3A_242 : vector<16xi1> to vector<16xi32>
    %swap3A_244 = arith.constant 64 : index
    %swap3A_245 = tpu.vector_load %arg7[%swap3A_244] {strides = array<i32>} : memref<512xi32, #tpu.memory_space<vmem>>, vector<16xi32>,
    tpu.vector_store %arg7[%swap3A_244], %convert_element_type3A_243 {strides = array<i32>} : memref<512xi32, #tpu.memory_space<vmem>>, vector<16xi32>,
    %sub3A_246 = arith.constant 80 : i32
    %sub3A_247 = arith.subi %sub3A, %sub3A_246 : i32
    %eq3A_248 = vector.broadcast %sub3A_247 : i32 to vector<16xi32>
    %eq3A_249 = arith.cmpi eq, %iota3A, %eq3A_248 : vector<16xi32>
    %convert_element_type3A_250 = arith.extui %eq3A_249 : vector<16xi1> to vector<16xi32>
    %swap3A_251 = arith.constant 80 : index
    %swap3A_252 = tpu.vector_load %arg7[%swap3A_251] {strides = array<i32>} : memref<512xi32, #tpu.memory_space<vmem>>, vector<16xi32>,
    tpu.vector_store %arg7[%swap3A_251], %convert_element_type3A_250 {strides = array<i32>} : memref<512xi32, #tpu.memory_space<vmem>>, vector<16xi32>,
    %sub3A_253 = arith.constant 96 : i32
    %sub3A_254 = arith.subi %sub3A, %sub3A_253 : i32
    %eq3A_255 = vector.broadcast %sub3A_254 : i32 to vector<16xi32>
    %eq3A_256 = arith.cmpi eq, %iota3A, %eq3A_255 : vector<16xi32>
    %convert_element_type3A_257 = arith.extui %eq3A_256 : vector<16xi1> to vector<16xi32>
    %swap3A_258 = arith.constant 96 : index
    %swap3A_259 = tpu.vector_load %arg7[%swap3A_258] {strides = array<i32>} : memref<512xi32, #tpu.memory_space<vmem>>, vector<16xi32>,
    tpu.vector_store %arg7[%swap3A_258], %convert_element_type3A_257 {strides = array<i32>} : memref<512xi32, #tpu.memory_space<vmem>>, vector<16xi32>,
    %sub3A_260 = arith.constant 112 : i32
    %sub3A_261 = arith.subi %sub3A, %sub3A_260 : i32
    %eq3A_262 = vector.broadcast %sub3A_261 : i32 to vector<16xi32>
    %eq3A_263 = arith.cmpi eq, %iota3A, %eq3A_262 : vector<16xi32>
    %convert_element_type3A_264 = arith.extui %eq3A_263 : vector<16xi1> to vector<16xi32>
    %swap3A_265 = arith.constant 112 : index
    %swap3A_266 = tpu.vector_load %arg7[%swap3A_265] {strides = array<i32>} : memref<512xi32, #tpu.memory_space<vmem>>, vector<16xi32>,
    tpu.vector_store %arg7[%swap3A_265], %convert_element_type3A_264 {strides = array<i32>} : memref<512xi32, #tpu.memory_space<vmem>>, vector<16xi32>,
    %dma_wait3A_267 = arith.constant 0 : i32
    %dma_wait3A_268 = tpu.memref_slice %arg2[%add3A_9, %dma_wait3A_267] : memref<128x32768xf32, #tpu.memory_space<hbm>> -> memref<1x32768xf32, #tpu.memory_space<hbm>>
    %dma_wait3A_269 = tpu.memref_squeeze %dma_wait3A_268 : memref<1x32768xf32, #tpu.memory_space<hbm>> -> memref<32768xf32, #tpu.memory_space<hbm>>
    %dma_wait3A_270 = arith.constant 0 : i32
    %dma_wait3A_271 = tpu.memref_slice %arg2[%add3A_9, %dma_wait3A_270] : memref<128x32768xf32, #tpu.memory_space<hbm>> -> memref<1x32768xf32, #tpu.memory_space<hbm>>
    %dma_wait3A_272 = tpu.memref_squeeze %dma_wait3A_271 : memref<1x32768xf32, #tpu.memory_space<hbm>> -> memref<32768xf32, #tpu.memory_space<hbm>>
    tpu.wait_dma2 semaphore(%arg8 : memref<!tpu.dma_semaphore, #tpu.memory_space<semaphore_mem>>) src(%dma_wait3A_272 : memref<32768xf32, #tpu.memory_space<hbm>>) dst(%arg5 : memref<32768xf32, #tpu.memory_space<vmem>>)
    %broadcast_in_dim3A_273 = arith.constant 0xFF800000 : f32
    %broadcast_in_dim3A_274 = vector.broadcast %broadcast_in_dim3A_273 : f32 to vector<16xf32>
    %broadcast_in_dim3A_275 = arith.constant 0 : i32
    %broadcast_in_dim3A_276 = vector.broadcast %broadcast_in_dim3A_275 : i32 to vector<16xi32>
    %broadcast_in_dim3A_277 = arith.constant 0xFF800000 : f32
    %broadcast_in_dim3A_278 = vector.broadcast %broadcast_in_dim3A_277 : f32 to vector<16xf32>
    %broadcast_in_dim3A_279 = arith.constant 0 : i32
    %broadcast_in_dim3A_280 = vector.broadcast %broadcast_in_dim3A_279 : i32 to vector<16xi32>
    %broadcast_in_dim3A_281 = arith.constant 0xFF800000 : f32
    %broadcast_in_dim3A_282 = vector.broadcast %broadcast_in_dim3A_281 : f32 to vector<16xf32>
    %broadcast_in_dim3A_283 = arith.constant 0 : i32
    %broadcast_in_dim3A_284 = vector.broadcast %broadcast_in_dim3A_283 : i32 to vector<16xi32>
    %broadcast_in_dim3A_285 = arith.constant 0xFF800000 : f32
    %broadcast_in_dim3A_286 = vector.broadcast %broadcast_in_dim3A_285 : f32 to vector<16xf32>
    %broadcast_in_dim3A_287 = arith.constant 0 : i32
    %broadcast_in_dim3A_288 = vector.broadcast %broadcast_in_dim3A_287 : i32 to vector<16xi32>
    %broadcast_in_dim3A_289 = arith.constant 0xFF800000 : f32
    %broadcast_in_dim3A_290 = vector.broadcast %broadcast_in_dim3A_289 : f32 to vector<16xf32>
    %broadcast_in_dim3A_291 = arith.constant 0 : i32
    %broadcast_in_dim3A_292 = vector.broadcast %broadcast_in_dim3A_291 : i32 to vector<16xi32>
    %broadcast_in_dim3A_293 = arith.constant 0xFF800000 : f32
    %broadcast_in_dim3A_294 = vector.broadcast %broadcast_in_dim3A_293 : f32 to vector<16xf32>
    %broadcast_in_dim3A_295 = arith.constant 0 : i32
    %broadcast_in_dim3A_296 = vector.broadcast %broadcast_in_dim3A_295 : i32 to vector<16xi32>
    %broadcast_in_dim3A_297 = arith.constant 0xFF800000 : f32
    %broadcast_in_dim3A_298 = vector.broadcast %broadcast_in_dim3A_297 : f32 to vector<16xf32>
    %broadcast_in_dim3A_299 = arith.constant 0 : i32
    %broadcast_in_dim3A_300 = vector.broadcast %broadcast_in_dim3A_299 : i32 to vector<16xi32>
    %broadcast_in_dim3A_301 = arith.constant 0xFF800000 : f32
    %broadcast_in_dim3A_302 = vector.broadcast %broadcast_in_dim3A_301 : f32 to vector<16xf32>
    %broadcast_in_dim3A_303 = arith.constant 0 : i32
    %broadcast_in_dim3A_304 = vector.broadcast %broadcast_in_dim3A_303 : i32 to vector<16xi32>
    %scan3A_305 = arith.constant 0 : i32
    %scan3A_306 = arith.constant 128 : i32
    %scan3A_307 = arith.addi %scan3A_305, %scan3A_306 : i32
    %scan3A_308 = arith.constant 1 : i32
    %scan3A_309:16 = scf.for %scan3A_1074 = %scan3A_305 to %scan3A_307 step %scan3A_308 iter_args(%scan3A_1075 = %broadcast_in_dim3A_274, %scan3A_1076 = %broadcast_in_dim3A_276, %scan3A_1077 = %broadcast_in_dim3A_278, %scan3A_1078 = %broadcast_in_dim3A_280, %scan3A_1079 = %broadcast_in_dim3A_282, %scan3A_1080 = %broadcast_in_dim3A_284, %scan3A_1081 = %broadcast_in_dim3A_286, %scan3A_1082 = %broadcast_in_dim3A_288, %scan3A_1083 = %broadcast_in_dim3A_290, %scan3A_1084 = %broadcast_in_dim3A_292, %scan3A_1085 = %broadcast_in_dim3A_294, %scan3A_1086 = %broadcast_in_dim3A_296, %scan3A_1087 = %broadcast_in_dim3A_298, %scan3A_1088 = %broadcast_in_dim3A_300, %scan3A_1089 = %broadcast_in_dim3A_302, %scan3A_1090 = %broadcast_in_dim3A_304) -> (vector<16xf32>, vector<16xi32>, vector<16xf32>, vector<16xi32>, vector<16xf32>, vector<16xi32>, vector<16xf32>, vector<16xi32>, vector<16xf32>, vector<16xi32>, vector<16xf32>, vector<16xi32>, vector<16xf32>, vector<16xi32>, vector<16xf32>, vector<16xi32>)  : i32 {
      %mul3A_1091 = arith.constant 2 : i32
      %mul3A_1092 = arith.muli %scan3A_1074, %mul3A_1091 : i32
      %add3A_1093 = arith.constant 0 : i32
      %add3A_1094 = arith.addi %mul3A_1092, %add3A_1093 : i32
      %mul3A_1095 = arith.constant 128 : i32
      %mul3A_1096 = arith.muli %add3A_1094, %mul3A_1095 : i32
      %broadcast_in_dim3A_1097 = arith.constant 0 : i32
      %broadcast_in_dim3A_1098 = vector.broadcast %broadcast_in_dim3A_1097 : i32 to vector<16xi32>
      %add3A_1099 = vector.broadcast %add3A_1094 : i32 to vector<16xi32>
      %add3A_1100 = arith.addi %broadcast_in_dim3A_1098, %add3A_1099 : vector<16xi32>
      %add3A_1101 = arith.constant 0 : i32
      %add3A_1102 = arith.addi %mul3A_1096, %add3A_1101 : i32
      %get3A = arith.index_cast %add3A_1102 : i32 to index
      %get3A_1103 = tpu.vector_load %arg5[%get3A] {strides = array<i32>} : memref<32768xf32, #tpu.memory_space<vmem>>, vector<16xf32>,
      %gt3A_1104 = arith.cmpf ogt, %get3A_1103, %scan3A_1075 : vector<16xf32>
      %select_n3A_1105 = arith.select %gt3A_1104, %get3A_1103, %scan3A_1075 : vector<16xi1>, vector<16xf32>
      %select_n3A_1106 = arith.select %gt3A_1104, %add3A_1100, %scan3A_1076 : vector<16xi1>, vector<16xi32>
      %add3A_1107 = arith.constant 16 : i32
      %add3A_1108 = arith.addi %mul3A_1096, %add3A_1107 : i32
      %get3A_1109 = arith.index_cast %add3A_1108 : i32 to index
      %get3A_1110 = tpu.vector_load %arg5[%get3A_1109] {strides = array<i32>} : memref<32768xf32, #tpu.memory_space<vmem>>, vector<16xf32>,
      %gt3A_1111 = arith.cmpf ogt, %get3A_1110, %scan3A_1077 : vector<16xf32>
      %select_n3A_1112 = arith.select %gt3A_1111, %get3A_1110, %scan3A_1077 : vector<16xi1>, vector<16xf32>
      %select_n3A_1113 = arith.select %gt3A_1111, %add3A_1100, %scan3A_1078 : vector<16xi1>, vector<16xi32>
      %add3A_1114 = arith.constant 32 : i32
      %add3A_1115 = arith.addi %mul3A_1096, %add3A_1114 : i32
      %get3A_1116 = arith.index_cast %add3A_1115 : i32 to index
      %get3A_1117 = tpu.vector_load %arg5[%get3A_1116] {strides = array<i32>} : memref<32768xf32, #tpu.memory_space<vmem>>, vector<16xf32>,
      %gt3A_1118 = arith.cmpf ogt, %get3A_1117, %scan3A_1079 : vector<16xf32>
      %select_n3A_1119 = arith.select %gt3A_1118, %get3A_1117, %scan3A_1079 : vector<16xi1>, vector<16xf32>
      %select_n3A_1120 = arith.select %gt3A_1118, %add3A_1100, %scan3A_1080 : vector<16xi1>, vector<16xi32>
      %add3A_1121 = arith.constant 48 : i32
      %add3A_1122 = arith.addi %mul3A_1096, %add3A_1121 : i32
      %get3A_1123 = arith.index_cast %add3A_1122 : i32 to index
      %get3A_1124 = tpu.vector_load %arg5[%get3A_1123] {strides = array<i32>} : memref<32768xf32, #tpu.memory_space<vmem>>, vector<16xf32>,
      %gt3A_1125 = arith.cmpf ogt, %get3A_1124, %scan3A_1081 : vector<16xf32>
      %select_n3A_1126 = arith.select %gt3A_1125, %get3A_1124, %scan3A_1081 : vector<16xi1>, vector<16xf32>
      %select_n3A_1127 = arith.select %gt3A_1125, %add3A_1100, %scan3A_1082 : vector<16xi1>, vector<16xi32>
      %add3A_1128 = arith.constant 64 : i32
      %add3A_1129 = arith.addi %mul3A_1096, %add3A_1128 : i32
      %get3A_1130 = arith.index_cast %add3A_1129 : i32 to index
      %get3A_1131 = tpu.vector_load %arg5[%get3A_1130] {strides = array<i32>} : memref<32768xf32, #tpu.memory_space<vmem>>, vector<16xf32>,
      %gt3A_1132 = arith.cmpf ogt, %get3A_1131, %scan3A_1083 : vector<16xf32>
      %select_n3A_1133 = arith.select %gt3A_1132, %get3A_1131, %scan3A_1083 : vector<16xi1>, vector<16xf32>
      %select_n3A_1134 = arith.select %gt3A_1132, %add3A_1100, %scan3A_1084 : vector<16xi1>, vector<16xi32>
      %add3A_1135 = arith.constant 80 : i32
      %add3A_1136 = arith.addi %mul3A_1096, %add3A_1135 : i32
      %get3A_1137 = arith.index_cast %add3A_1136 : i32 to index
      %get3A_1138 = tpu.vector_load %arg5[%get3A_1137] {strides = array<i32>} : memref<32768xf32, #tpu.memory_space<vmem>>, vector<16xf32>,
      %gt3A_1139 = arith.cmpf ogt, %get3A_1138, %scan3A_1085 : vector<16xf32>
      %select_n3A_1140 = arith.select %gt3A_1139, %get3A_1138, %scan3A_1085 : vector<16xi1>, vector<16xf32>
      %select_n3A_1141 = arith.select %gt3A_1139, %add3A_1100, %scan3A_1086 : vector<16xi1>, vector<16xi32>
      %add3A_1142 = arith.constant 96 : i32
      %add3A_1143 = arith.addi %mul3A_1096, %add3A_1142 : i32
      %get3A_1144 = arith.index_cast %add3A_1143 : i32 to index
      %get3A_1145 = tpu.vector_load %arg5[%get3A_1144] {strides = array<i32>} : memref<32768xf32, #tpu.memory_space<vmem>>, vector<16xf32>,
      %gt3A_1146 = arith.cmpf ogt, %get3A_1145, %scan3A_1087 : vector<16xf32>
      %select_n3A_1147 = arith.select %gt3A_1146, %get3A_1145, %scan3A_1087 : vector<16xi1>, vector<16xf32>
      %select_n3A_1148 = arith.select %gt3A_1146, %add3A_1100, %scan3A_1088 : vector<16xi1>, vector<16xi32>
      %add3A_1149 = arith.constant 112 : i32
      %add3A_1150 = arith.addi %mul3A_1096, %add3A_1149 : i32
      %get3A_1151 = arith.index_cast %add3A_1150 : i32 to index
      %get3A_1152 = tpu.vector_load %arg5[%get3A_1151] {strides = array<i32>} : memref<32768xf32, #tpu.memory_space<vmem>>, vector<16xf32>,
      %gt3A_1153 = arith.cmpf ogt, %get3A_1152, %scan3A_1089 : vector<16xf32>
      %select_n3A_1154 = arith.select %gt3A_1153, %get3A_1152, %scan3A_1089 : vector<16xi1>, vector<16xf32>
      %select_n3A_1155 = arith.select %gt3A_1153, %add3A_1100, %scan3A_1090 : vector<16xi1>, vector<16xi32>
      %mul3A_1156 = arith.constant 2 : i32
      %mul3A_1157 = arith.muli %scan3A_1074, %mul3A_1156 : i32
      %add3A_1158 = arith.constant 1 : i32
      %add3A_1159 = arith.addi %mul3A_1157, %add3A_1158 : i32
      %mul3A_1160 = arith.constant 128 : i32
      %mul3A_1161 = arith.muli %add3A_1159, %mul3A_1160 : i32
      %broadcast_in_dim3A_1162 = arith.constant 0 : i32
      %broadcast_in_dim3A_1163 = vector.broadcast %broadcast_in_dim3A_1162 : i32 to vector<16xi32>
      %add3A_1164 = vector.broadcast %add3A_1159 : i32 to vector<16xi32>
      %add3A_1165 = arith.addi %broadcast_in_dim3A_1163, %add3A_1164 : vector<16xi32>
      %add3A_1166 = arith.constant 0 : i32
      %add3A_1167 = arith.addi %mul3A_1161, %add3A_1166 : i32
      %get3A_1168 = arith.index_cast %add3A_1167 : i32 to index
      %get3A_1169 = tpu.vector_load %arg5[%get3A_1168] {strides = array<i32>} : memref<32768xf32, #tpu.memory_space<vmem>>, vector<16xf32>,
      %gt3A_1170 = arith.cmpf ogt, %get3A_1169, %select_n3A_1105 : vector<16xf32>
      %select_n3A_1171 = arith.select %gt3A_1170, %get3A_1169, %select_n3A_1105 : vector<16xi1>, vector<16xf32>
      %select_n3A_1172 = arith.select %gt3A_1170, %add3A_1165, %select_n3A_1106 : vector<16xi1>, vector<16xi32>
      %add3A_1173 = arith.constant 16 : i32
      %add3A_1174 = arith.addi %mul3A_1161, %add3A_1173 : i32
      %get3A_1175 = arith.index_cast %add3A_1174 : i32 to index
      %get3A_1176 = tpu.vector_load %arg5[%get3A_1175] {strides = array<i32>} : memref<32768xf32, #tpu.memory_space<vmem>>, vector<16xf32>,
      %gt3A_1177 = arith.cmpf ogt, %get3A_1176, %select_n3A_1112 : vector<16xf32>
      %select_n3A_1178 = arith.select %gt3A_1177, %get3A_1176, %select_n3A_1112 : vector<16xi1>, vector<16xf32>
      %select_n3A_1179 = arith.select %gt3A_1177, %add3A_1165, %select_n3A_1113 : vector<16xi1>, vector<16xi32>
      %add3A_1180 = arith.constant 32 : i32
      %add3A_1181 = arith.addi %mul3A_1161, %add3A_1180 : i32
      %get3A_1182 = arith.index_cast %add3A_1181 : i32 to index
      %get3A_1183 = tpu.vector_load %arg5[%get3A_1182] {strides = array<i32>} : memref<32768xf32, #tpu.memory_space<vmem>>, vector<16xf32>,
      %gt3A_1184 = arith.cmpf ogt, %get3A_1183, %select_n3A_1119 : vector<16xf32>
      %select_n3A_1185 = arith.select %gt3A_1184, %get3A_1183, %select_n3A_1119 : vector<16xi1>, vector<16xf32>
      %select_n3A_1186 = arith.select %gt3A_1184, %add3A_1165, %select_n3A_1120 : vector<16xi1>, vector<16xi32>
      %add3A_1187 = arith.constant 48 : i32
      %add3A_1188 = arith.addi %mul3A_1161, %add3A_1187 : i32
      %get3A_1189 = arith.index_cast %add3A_1188 : i32 to index
      %get3A_1190 = tpu.vector_load %arg5[%get3A_1189] {strides = array<i32>} : memref<32768xf32, #tpu.memory_space<vmem>>, vector<16xf32>,
      %gt3A_1191 = arith.cmpf ogt, %get3A_1190, %select_n3A_1126 : vector<16xf32>
      %select_n3A_1192 = arith.select %gt3A_1191, %get3A_1190, %select_n3A_1126 : vector<16xi1>, vector<16xf32>
      %select_n3A_1193 = arith.select %gt3A_1191, %add3A_1165, %select_n3A_1127 : vector<16xi1>, vector<16xi32>
      %add3A_1194 = arith.constant 64 : i32
      %add3A_1195 = arith.addi %mul3A_1161, %add3A_1194 : i32
      %get3A_1196 = arith.index_cast %add3A_1195 : i32 to index
      %get3A_1197 = tpu.vector_load %arg5[%get3A_1196] {strides = array<i32>} : memref<32768xf32, #tpu.memory_space<vmem>>, vector<16xf32>,
      %gt3A_1198 = arith.cmpf ogt, %get3A_1197, %select_n3A_1133 : vector<16xf32>
      %select_n3A_1199 = arith.select %gt3A_1198, %get3A_1197, %select_n3A_1133 : vector<16xi1>, vector<16xf32>
      %select_n3A_1200 = arith.select %gt3A_1198, %add3A_1165, %select_n3A_1134 : vector<16xi1>, vector<16xi32>
      %add3A_1201 = arith.constant 80 : i32
      %add3A_1202 = arith.addi %mul3A_1161, %add3A_1201 : i32
      %get3A_1203 = arith.index_cast %add3A_1202 : i32 to index
      %get3A_1204 = tpu.vector_load %arg5[%get3A_1203] {strides = array<i32>} : memref<32768xf32, #tpu.memory_space<vmem>>, vector<16xf32>,
      %gt3A_1205 = arith.cmpf ogt, %get3A_1204, %select_n3A_1140 : vector<16xf32>
      %select_n3A_1206 = arith.select %gt3A_1205, %get3A_1204, %select_n3A_1140 : vector<16xi1>, vector<16xf32>
      %select_n3A_1207 = arith.select %gt3A_1205, %add3A_1165, %select_n3A_1141 : vector<16xi1>, vector<16xi32>
      %add3A_1208 = arith.constant 96 : i32
      %add3A_1209 = arith.addi %mul3A_1161, %add3A_1208 : i32
      %get3A_1210 = arith.index_cast %add3A_1209 : i32 to index
      %get3A_1211 = tpu.vector_load %arg5[%get3A_1210] {strides = array<i32>} : memref<32768xf32, #tpu.memory_space<vmem>>, vector<16xf32>,
      %gt3A_1212 = arith.cmpf ogt, %get3A_1211, %select_n3A_1147 : vector<16xf32>
      %select_n3A_1213 = arith.select %gt3A_1212, %get3A_1211, %select_n3A_1147 : vector<16xi1>, vector<16xf32>
      %select_n3A_1214 = arith.select %gt3A_1212, %add3A_1165, %select_n3A_1148 : vector<16xi1>, vector<16xi32>
      %add3A_1215 = arith.constant 112 : i32
      %add3A_1216 = arith.addi %mul3A_1161, %add3A_1215 : i32
      %get3A_1217 = arith.index_cast %add3A_1216 : i32 to index
      %get3A_1218 = tpu.vector_load %arg5[%get3A_1217] {strides = array<i32>} : memref<32768xf32, #tpu.memory_space<vmem>>, vector<16xf32>,
      %gt3A_1219 = arith.cmpf ogt, %get3A_1218, %select_n3A_1154 : vector<16xf32>
      %select_n3A_1220 = arith.select %gt3A_1219, %get3A_1218, %select_n3A_1154 : vector<16xi1>, vector<16xf32>
      %select_n3A_1221 = arith.select %gt3A_1219, %add3A_1165, %select_n3A_1155 : vector<16xi1>, vector<16xi32>
      scf.yield %select_n3A_1171, %select_n3A_1172, %select_n3A_1178, %select_n3A_1179, %select_n3A_1185, %select_n3A_1186, %select_n3A_1192, %select_n3A_1193, %select_n3A_1199, %select_n3A_1200, %select_n3A_1206, %select_n3A_1207, %select_n3A_1213, %select_n3A_1214, %select_n3A_1220, %select_n3A_1221 : vector<16xf32>, vector<16xi32>, vector<16xf32>, vector<16xi32>, vector<16xf32>, vector<16xi32>, vector<16xf32>, vector<16xi32>, vector<16xf32>, vector<16xi32>, vector<16xf32>, vector<16xi32>, vector<16xf32>, vector<16xi32>, vector<16xf32>, vector<16xi32>
    }
    %scan3A_310 = arith.constant 128 : i32
    %mul3A_311 = arith.constant 128 : i32
    %mul3A_312 = vector.broadcast %mul3A_311 : i32 to vector<16xi32>
    %mul3A_313 = arith.muli %scan3A_309#1, %mul3A_312 : vector<16xi32>
    %add3A_314 = arith.addi %mul3A_313, %iota3A : vector<16xi32>
    %mul3A_315 = arith.constant 128 : i32
    %mul3A_316 = vector.broadcast %mul3A_315 : i32 to vector<16xi32>
    %mul3A_317 = arith.muli %scan3A_309#3, %mul3A_316 : vector<16xi32>
    %add3A_318 = arith.constant 16 : i32
    %add3A_319 = vector.broadcast %add3A_318 : i32 to vector<16xi32>
    %add3A_320 = arith.addi %mul3A_317, %add3A_319 : vector<16xi32>
    %add3A_321 = arith.addi %add3A_320, %iota3A : vector<16xi32>
    %gt3A_322 = arith.cmpf ogt, %scan3A_309#2, %scan3A_309#0 : vector<16xf32>
    %eq3A_323 = arith.cmpf oeq, %scan3A_309#2, %scan3A_309#0 : vector<16xf32>
    %lt3A_324 = arith.cmpi slt, %add3A_321, %add3A_314 : vector<16xi32>
    %and3A_325 = arith.andi %eq3A_323, %lt3A_324 : vector<16xi1>
    %or3A_326 = arith.ori %gt3A_322, %and3A_325 : vector<16xi1>
    %select_n3A_327 = arith.select %or3A_326, %scan3A_309#2, %scan3A_309#0 : vector<16xi1>, vector<16xf32>
    %select_n3A_328 = arith.select %or3A_326, %add3A_321, %add3A_314 : vector<16xi1>, vector<16xi32>
    %mul3A_329 = arith.constant 128 : i32
    %mul3A_330 = vector.broadcast %mul3A_329 : i32 to vector<16xi32>
    %mul3A_331 = arith.muli %scan3A_309#5, %mul3A_330 : vector<16xi32>
    %add3A_332 = arith.constant 32 : i32
    %add3A_333 = vector.broadcast %add3A_332 : i32 to vector<16xi32>
    %add3A_334 = arith.addi %mul3A_331, %add3A_333 : vector<16xi32>
    %add3A_335 = arith.addi %add3A_334, %iota3A : vector<16xi32>
    %gt3A_336 = arith.cmpf ogt, %scan3A_309#4, %select_n3A_327 : vector<16xf32>
    %eq3A_337 = arith.cmpf oeq, %scan3A_309#4, %select_n3A_327 : vector<16xf32>
    %lt3A_338 = arith.cmpi slt, %add3A_335, %select_n3A_328 : vector<16xi32>
    %and3A_339 = arith.andi %eq3A_337, %lt3A_338 : vector<16xi1>
    %or3A_340 = arith.ori %gt3A_336, %and3A_339 : vector<16xi1>
    %select_n3A_341 = arith.select %or3A_340, %scan3A_309#4, %select_n3A_327 : vector<16xi1>, vector<16xf32>
    %select_n3A_342 = arith.select %or3A_340, %add3A_335, %select_n3A_328 : vector<16xi1>, vector<16xi32>
    %mul3A_343 = arith.constant 128 : i32
    %mul3A_344 = vector.broadcast %mul3A_343 : i32 to vector<16xi32>
    %mul3A_345 = arith.muli %scan3A_309#7, %mul3A_344 : vector<16xi32>
    %add3A_346 = arith.constant 48 : i32
    %add3A_347 = vector.broadcast %add3A_346 : i32 to vector<16xi32>
    %add3A_348 = arith.addi %mul3A_345, %add3A_347 : vector<16xi32>
    %add3A_349 = arith.addi %add3A_348, %iota3A : vector<16xi32>
    %gt3A_350 = arith.cmpf ogt, %scan3A_309#6, %select_n3A_341 : vector<16xf32>
    %eq3A_351 = arith.cmpf oeq, %scan3A_309#6, %select_n3A_341 : vector<16xf32>
    %lt3A_352 = arith.cmpi slt, %add3A_349, %select_n3A_342 : vector<16xi32>
    %and3A_353 = arith.andi %eq3A_351, %lt3A_352 : vector<16xi1>
    %or3A_354 = arith.ori %gt3A_350, %and3A_353 : vector<16xi1>
    %select_n3A_355 = arith.select %or3A_354, %scan3A_309#6, %select_n3A_341 : vector<16xi1>, vector<16xf32>
    %select_n3A_356 = arith.select %or3A_354, %add3A_349, %select_n3A_342 : vector<16xi1>, vector<16xi32>
    %mul3A_357 = arith.constant 128 : i32
    %mul3A_358 = vector.broadcast %mul3A_357 : i32 to vector<16xi32>
    %mul3A_359 = arith.muli %scan3A_309#9, %mul3A_358 : vector<16xi32>
    %add3A_360 = arith.constant 64 : i32
    %add3A_361 = vector.broadcast %add3A_360 : i32 to vector<16xi32>
    %add3A_362 = arith.addi %mul3A_359, %add3A_361 : vector<16xi32>
    %add3A_363 = arith.addi %add3A_362, %iota3A : vector<16xi32>
    %gt3A_364 = arith.cmpf ogt, %scan3A_309#8, %select_n3A_355 : vector<16xf32>
    %eq3A_365 = arith.cmpf oeq, %scan3A_309#8, %select_n3A_355 : vector<16xf32>
    %lt3A_366 = arith.cmpi slt, %add3A_363, %select_n3A_356 : vector<16xi32>
    %and3A_367 = arith.andi %eq3A_365, %lt3A_366 : vector<16xi1>
    %or3A_368 = arith.ori %gt3A_364, %and3A_367 : vector<16xi1>
    %select_n3A_369 = arith.select %or3A_368, %scan3A_309#8, %select_n3A_355 : vector<16xi1>, vector<16xf32>
    %select_n3A_370 = arith.select %or3A_368, %add3A_363, %select_n3A_356 : vector<16xi1>, vector<16xi32>
    %mul3A_371 = arith.constant 128 : i32
    %mul3A_372 = vector.broadcast %mul3A_371 : i32 to vector<16xi32>
    %mul3A_373 = arith.muli %scan3A_309#11, %mul3A_372 : vector<16xi32>
    %add3A_374 = arith.constant 80 : i32
    %add3A_375 = vector.broadcast %add3A_374 : i32 to vector<16xi32>
    %add3A_376 = arith.addi %mul3A_373, %add3A_375 : vector<16xi32>
    %add3A_377 = arith.addi %add3A_376, %iota3A : vector<16xi32>
    %gt3A_378 = arith.cmpf ogt, %scan3A_309#10, %select_n3A_369 : vector<16xf32>
    %eq3A_379 = arith.cmpf oeq, %scan3A_309#10, %select_n3A_369 : vector<16xf32>
    %lt3A_380 = arith.cmpi slt, %add3A_377, %select_n3A_370 : vector<16xi32>
    %and3A_381 = arith.andi %eq3A_379, %lt3A_380 : vector<16xi1>
    %or3A_382 = arith.ori %gt3A_378, %and3A_381 : vector<16xi1>
    %select_n3A_383 = arith.select %or3A_382, %scan3A_309#10, %select_n3A_369 : vector<16xi1>, vector<16xf32>
    %select_n3A_384 = arith.select %or3A_382, %add3A_377, %select_n3A_370 : vector<16xi1>, vector<16xi32>
    %mul3A_385 = arith.constant 128 : i32
    %mul3A_386 = vector.broadcast %mul3A_385 : i32 to vector<16xi32>
    %mul3A_387 = arith.muli %scan3A_309#13, %mul3A_386 : vector<16xi32>
    %add3A_388 = arith.constant 96 : i32
    %add3A_389 = vector.broadcast %add3A_388 : i32 to vector<16xi32>
    %add3A_390 = arith.addi %mul3A_387, %add3A_389 : vector<16xi32>
    %add3A_391 = arith.addi %add3A_390, %iota3A : vector<16xi32>
    %gt3A_392 = arith.cmpf ogt, %scan3A_309#12, %select_n3A_383 : vector<16xf32>
    %eq3A_393 = arith.cmpf oeq, %scan3A_309#12, %select_n3A_383 : vector<16xf32>
    %lt3A_394 = arith.cmpi slt, %add3A_391, %select_n3A_384 : vector<16xi32>
    %and3A_395 = arith.andi %eq3A_393, %lt3A_394 : vector<16xi1>
    %or3A_396 = arith.ori %gt3A_392, %and3A_395 : vector<16xi1>
    %select_n3A_397 = arith.select %or3A_396, %scan3A_309#12, %select_n3A_383 : vector<16xi1>, vector<16xf32>
    %select_n3A_398 = arith.select %or3A_396, %add3A_391, %select_n3A_384 : vector<16xi1>, vector<16xi32>
    %mul3A_399 = arith.constant 128 : i32
    %mul3A_400 = vector.broadcast %mul3A_399 : i32 to vector<16xi32>
    %mul3A_401 = arith.muli %scan3A_309#15, %mul3A_400 : vector<16xi32>
    %add3A_402 = arith.constant 112 : i32
    %add3A_403 = vector.broadcast %add3A_402 : i32 to vector<16xi32>
    %add3A_404 = arith.addi %mul3A_401, %add3A_403 : vector<16xi32>
    %add3A_405 = arith.addi %add3A_404, %iota3A : vector<16xi32>
    %gt3A_406 = arith.cmpf ogt, %scan3A_309#14, %select_n3A_397 : vector<16xf32>
    %eq3A_407 = arith.cmpf oeq, %scan3A_309#14, %select_n3A_397 : vector<16xf32>
    %lt3A_408 = arith.cmpi slt, %add3A_405, %select_n3A_398 : vector<16xi32>
    %and3A_409 = arith.andi %eq3A_407, %lt3A_408 : vector<16xi1>
    %or3A_410 = arith.ori %gt3A_406, %and3A_409 : vector<16xi1>
    %select_n3A_411 = arith.select %or3A_410, %scan3A_309#14, %select_n3A_397 : vector<16xi1>, vector<16xf32>
    %select_n3A_412 = arith.select %or3A_410, %add3A_405, %select_n3A_398 : vector<16xi1>, vector<16xi32>
    %reduce_max3A_413 = arith.constant true
    %reduce_max3A_414 = vector.broadcast %reduce_max3A_413 : i1 to vector<16xi1>
    %reduce_max3A_415 = tpu.scan <max>, %select_n3A_411 masked %reduce_max3A_414 : vector<16xf32>, vector<16xi1> -> vector<16xf32>
    %reduce_max3A_416 = vector.extract %reduce_max3A_415[15] : f32 from vector<16xf32>
    %eq3A_417 = vector.broadcast %reduce_max3A_416 : f32 to vector<16xf32>
    %eq3A_418 = arith.cmpf oeq, %select_n3A_411, %eq3A_417 : vector<16xf32>
    %jit3A_419 = arith.constant 2147483647 : i32
    %broadcast_in_dim3A_420 = vector.broadcast %jit3A_419 : i32 to vector<16xi32>
    %select_n3A_421 = arith.select %eq3A_418, %select_n3A_412, %broadcast_in_dim3A_420 : vector<16xi1>, vector<16xi32>
    %reduce_min3A_422 = arith.constant true
    %reduce_min3A_423 = vector.broadcast %reduce_min3A_422 : i1 to vector<16xi1>
    %reduce_min3A_424 = arith.constant -2147483648 : i32
    %reduce_min3A_425 = vector.broadcast %reduce_min3A_424 : i32 to vector<16xi32>
    %reduce_min3A_426 = arith.xori %select_n3A_421, %reduce_min3A_425 : vector<16xi32>
    %reduce_min3A_427 = tpu.scan <min>, %reduce_min3A_426 masked %reduce_min3A_423 : vector<16xi32>, vector<16xi1> -> vector<16xi32>
    %reduce_min3A_428 = arith.xori %reduce_min3A_427, %reduce_min3A_425 : vector<16xi32>
    %reduce_min3A_429 = vector.extract %reduce_min3A_428[15] : i32 from vector<16xi32>
    %add3A_430 = arith.constant 1 : i32
    %add3A_431 = arith.addi %mul3A_2, %add3A_430 : i32
    %add3A_432 = arith.constant 2 : i32
    %add3A_433 = arith.addi %add3A_431, %add3A_432 : i32
    %dma_start3A_434 = arith.constant 0 : i32
    %dma_start3A_435 = tpu.memref_slice %arg2[%add3A_433, %dma_start3A_434] : memref<128x32768xf32, #tpu.memory_space<hbm>> -> memref<1x32768xf32, #tpu.memory_space<hbm>>
    %dma_start3A_436 = tpu.memref_squeeze %dma_start3A_435 : memref<1x32768xf32, #tpu.memory_space<hbm>> -> memref<32768xf32, #tpu.memory_space<hbm>>
    %dma_start3A_437 = arith.constant 0 : i32
    %dma_start3A_438 = tpu.memref_slice %arg2[%add3A_433, %dma_start3A_437] : memref<128x32768xf32, #tpu.memory_space<hbm>> -> memref<1x32768xf32, #tpu.memory_space<hbm>>
    %dma_start3A_439 = tpu.memref_squeeze %dma_start3A_438 : memref<1x32768xf32, #tpu.memory_space<hbm>> -> memref<32768xf32, #tpu.memory_space<hbm>>
    tpu.enqueue_dma source(%dma_start3A_439 : memref<32768xf32, #tpu.memory_space<hbm>>) target(%arg5 : memref<32768xf32, #tpu.memory_space<vmem>>) target_semaphore(%arg8 : memref<!tpu.dma_semaphore, #tpu.memory_space<semaphore_mem>>)
    %and3A_440 = arith.constant -128 : i32
    %and3A_441 = arith.andi %and3A_440, %reduce_min3A_429 : i32
    %multiple_of3A_442 = tpu.assume_multiple %and3A_441, 128 : i32
    %sub3A_443 = arith.subi %reduce_min3A_429, %multiple_of3A_442 : i32
    %sub3A_444 = arith.constant 0 : i32
    %sub3A_445 = arith.subi %sub3A_443, %sub3A_444 : i32
    %eq3A_446 = vector.broadcast %sub3A_445 : i32 to vector<16xi32>
    %eq3A_447 = arith.cmpi eq, %iota3A, %eq3A_446 : vector<16xi32>
    %convert_element_type3A_448 = arith.extui %eq3A_447 : vector<16xi1> to vector<16xi32>
    %swap3A_449 = arith.constant 128 : index
    %swap3A_450 = tpu.vector_load %arg7[%swap3A_449] {strides = array<i32>} : memref<512xi32, #tpu.memory_space<vmem>>, vector<16xi32>,
    tpu.vector_store %arg7[%swap3A_449], %convert_element_type3A_448 {strides = array<i32>} : memref<512xi32, #tpu.memory_space<vmem>>, vector<16xi32>,
    %sub3A_451 = arith.constant 16 : i32
    %sub3A_452 = arith.subi %sub3A_443, %sub3A_451 : i32
    %eq3A_453 = vector.broadcast %sub3A_452 : i32 to vector<16xi32>
    %eq3A_454 = arith.cmpi eq, %iota3A, %eq3A_453 : vector<16xi32>
    %convert_element_type3A_455 = arith.extui %eq3A_454 : vector<16xi1> to vector<16xi32>
    %swap3A_456 = arith.constant 144 : index
    %swap3A_457 = tpu.vector_load %arg7[%swap3A_456] {strides = array<i32>} : memref<512xi32, #tpu.memory_space<vmem>>, vector<16xi32>,
    tpu.vector_store %arg7[%swap3A_456], %convert_element_type3A_455 {strides = array<i32>} : memref<512xi32, #tpu.memory_space<vmem>>, vector<16xi32>,
    %sub3A_458 = arith.constant 32 : i32
    %sub3A_459 = arith.subi %sub3A_443, %sub3A_458 : i32
    %eq3A_460 = vector.broadcast %sub3A_459 : i32 to vector<16xi32>
    %eq3A_461 = arith.cmpi eq, %iota3A, %eq3A_460 : vector<16xi32>
    %convert_element_type3A_462 = arith.extui %eq3A_461 : vector<16xi1> to vector<16xi32>
    %swap3A_463 = arith.constant 160 : index
    %swap3A_464 = tpu.vector_load %arg7[%swap3A_463] {strides = array<i32>} : memref<512xi32, #tpu.memory_space<vmem>>, vector<16xi32>,
    tpu.vector_store %arg7[%swap3A_463], %convert_element_type3A_462 {strides = array<i32>} : memref<512xi32, #tpu.memory_space<vmem>>, vector<16xi32>,
    %sub3A_465 = arith.constant 48 : i32
    %sub3A_466 = arith.subi %sub3A_443, %sub3A_465 : i32
    %eq3A_467 = vector.broadcast %sub3A_466 : i32 to vector<16xi32>
    %eq3A_468 = arith.cmpi eq, %iota3A, %eq3A_467 : vector<16xi32>
    %convert_element_type3A_469 = arith.extui %eq3A_468 : vector<16xi1> to vector<16xi32>
    %swap3A_470 = arith.constant 176 : index
    %swap3A_471 = tpu.vector_load %arg7[%swap3A_470] {strides = array<i32>} : memref<512xi32, #tpu.memory_space<vmem>>, vector<16xi32>,
    tpu.vector_store %arg7[%swap3A_470], %convert_element_type3A_469 {strides = array<i32>} : memref<512xi32, #tpu.memory_space<vmem>>, vector<16xi32>,
    %sub3A_472 = arith.constant 64 : i32
    %sub3A_473 = arith.subi %sub3A_443, %sub3A_472 : i32
    %eq3A_474 = vector.broadcast %sub3A_473 : i32 to vector<16xi32>
    %eq3A_475 = arith.cmpi eq, %iota3A, %eq3A_474 : vector<16xi32>
    %convert_element_type3A_476 = arith.extui %eq3A_475 : vector<16xi1> to vector<16xi32>
    %swap3A_477 = arith.constant 192 : index
    %swap3A_478 = tpu.vector_load %arg7[%swap3A_477] {strides = array<i32>} : memref<512xi32, #tpu.memory_space<vmem>>, vector<16xi32>,
    tpu.vector_store %arg7[%swap3A_477], %convert_element_type3A_476 {strides = array<i32>} : memref<512xi32, #tpu.memory_space<vmem>>, vector<16xi32>,
    %sub3A_479 = arith.constant 80 : i32
    %sub3A_480 = arith.subi %sub3A_443, %sub3A_479 : i32
    %eq3A_481 = vector.broadcast %sub3A_480 : i32 to vector<16xi32>
    %eq3A_482 = arith.cmpi eq, %iota3A, %eq3A_481 : vector<16xi32>
    %convert_element_type3A_483 = arith.extui %eq3A_482 : vector<16xi1> to vector<16xi32>
    %swap3A_484 = arith.constant 208 : index
    %swap3A_485 = tpu.vector_load %arg7[%swap3A_484] {strides = array<i32>} : memref<512xi32, #tpu.memory_space<vmem>>, vector<16xi32>,
    tpu.vector_store %arg7[%swap3A_484], %convert_element_type3A_483 {strides = array<i32>} : memref<512xi32, #tpu.memory_space<vmem>>, vector<16xi32>,
    %sub3A_486 = arith.constant 96 : i32
    %sub3A_487 = arith.subi %sub3A_443, %sub3A_486 : i32
    %eq3A_488 = vector.broadcast %sub3A_487 : i32 to vector<16xi32>
    %eq3A_489 = arith.cmpi eq, %iota3A, %eq3A_488 : vector<16xi32>
    %convert_element_type3A_490 = arith.extui %eq3A_489 : vector<16xi1> to vector<16xi32>
    %swap3A_491 = arith.constant 224 : index
    %swap3A_492 = tpu.vector_load %arg7[%swap3A_491] {strides = array<i32>} : memref<512xi32, #tpu.memory_space<vmem>>, vector<16xi32>,
    tpu.vector_store %arg7[%swap3A_491], %convert_element_type3A_490 {strides = array<i32>} : memref<512xi32, #tpu.memory_space<vmem>>, vector<16xi32>,
    %sub3A_493 = arith.constant 112 : i32
    %sub3A_494 = arith.subi %sub3A_443, %sub3A_493 : i32
    %eq3A_495 = vector.broadcast %sub3A_494 : i32 to vector<16xi32>
    %eq3A_496 = arith.cmpi eq, %iota3A, %eq3A_495 : vector<16xi32>
    %convert_element_type3A_497 = arith.extui %eq3A_496 : vector<16xi1> to vector<16xi32>
    %swap3A_498 = arith.constant 240 : index
    %swap3A_499 = tpu.vector_load %arg7[%swap3A_498] {strides = array<i32>} : memref<512xi32, #tpu.memory_space<vmem>>, vector<16xi32>,
    tpu.vector_store %arg7[%swap3A_498], %convert_element_type3A_497 {strides = array<i32>} : memref<512xi32, #tpu.memory_space<vmem>>, vector<16xi32>,
    %dma_wait3A_500 = arith.constant 0 : i32
    %dma_wait3A_501 = tpu.memref_slice %arg2[%add3A_204, %dma_wait3A_500] : memref<128x32768xf32, #tpu.memory_space<hbm>> -> memref<1x32768xf32, #tpu.memory_space<hbm>>
    %dma_wait3A_502 = tpu.memref_squeeze %dma_wait3A_501 : memref<1x32768xf32, #tpu.memory_space<hbm>> -> memref<32768xf32, #tpu.memory_space<hbm>>
    %dma_wait3A_503 = arith.constant 0 : i32
    %dma_wait3A_504 = tpu.memref_slice %arg2[%add3A_204, %dma_wait3A_503] : memref<128x32768xf32, #tpu.memory_space<hbm>> -> memref<1x32768xf32, #tpu.memory_space<hbm>>
    %dma_wait3A_505 = tpu.memref_squeeze %dma_wait3A_504 : memref<1x32768xf32, #tpu.memory_space<hbm>> -> memref<32768xf32, #tpu.memory_space<hbm>>
    tpu.wait_dma2 semaphore(%arg8 : memref<!tpu.dma_semaphore, #tpu.memory_space<semaphore_mem>>) src(%dma_wait3A_505 : memref<32768xf32, #tpu.memory_space<hbm>>) dst(%arg4 : memref<32768xf32, #tpu.memory_space<vmem>>)
    %broadcast_in_dim3A_506 = arith.constant 0xFF800000 : f32
    %broadcast_in_dim3A_507 = vector.broadcast %broadcast_in_dim3A_506 : f32 to vector<16xf32>
    %broadcast_in_dim3A_508 = arith.constant 0 : i32
    %broadcast_in_dim3A_509 = vector.broadcast %broadcast_in_dim3A_508 : i32 to vector<16xi32>
    %broadcast_in_dim3A_510 = arith.constant 0xFF800000 : f32
    %broadcast_in_dim3A_511 = vector.broadcast %broadcast_in_dim3A_510 : f32 to vector<16xf32>
    %broadcast_in_dim3A_512 = arith.constant 0 : i32
    %broadcast_in_dim3A_513 = vector.broadcast %broadcast_in_dim3A_512 : i32 to vector<16xi32>
    %broadcast_in_dim3A_514 = arith.constant 0xFF800000 : f32
    %broadcast_in_dim3A_515 = vector.broadcast %broadcast_in_dim3A_514 : f32 to vector<16xf32>
    %broadcast_in_dim3A_516 = arith.constant 0 : i32
    %broadcast_in_dim3A_517 = vector.broadcast %broadcast_in_dim3A_516 : i32 to vector<16xi32>
    %broadcast_in_dim3A_518 = arith.constant 0xFF800000 : f32
    %broadcast_in_dim3A_519 = vector.broadcast %broadcast_in_dim3A_518 : f32 to vector<16xf32>
    %broadcast_in_dim3A_520 = arith.constant 0 : i32
    %broadcast_in_dim3A_521 = vector.broadcast %broadcast_in_dim3A_520 : i32 to vector<16xi32>
    %broadcast_in_dim3A_522 = arith.constant 0xFF800000 : f32
    %broadcast_in_dim3A_523 = vector.broadcast %broadcast_in_dim3A_522 : f32 to vector<16xf32>
    %broadcast_in_dim3A_524 = arith.constant 0 : i32
    %broadcast_in_dim3A_525 = vector.broadcast %broadcast_in_dim3A_524 : i32 to vector<16xi32>
    %broadcast_in_dim3A_526 = arith.constant 0xFF800000 : f32
    %broadcast_in_dim3A_527 = vector.broadcast %broadcast_in_dim3A_526 : f32 to vector<16xf32>
    %broadcast_in_dim3A_528 = arith.constant 0 : i32
    %broadcast_in_dim3A_529 = vector.broadcast %broadcast_in_dim3A_528 : i32 to vector<16xi32>
    %broadcast_in_dim3A_530 = arith.constant 0xFF800000 : f32
    %broadcast_in_dim3A_531 = vector.broadcast %broadcast_in_dim3A_530 : f32 to vector<16xf32>
    %broadcast_in_dim3A_532 = arith.constant 0 : i32
    %broadcast_in_dim3A_533 = vector.broadcast %broadcast_in_dim3A_532 : i32 to vector<16xi32>
    %broadcast_in_dim3A_534 = arith.constant 0xFF800000 : f32
    %broadcast_in_dim3A_535 = vector.broadcast %broadcast_in_dim3A_534 : f32 to vector<16xf32>
    %broadcast_in_dim3A_536 = arith.constant 0 : i32
    %broadcast_in_dim3A_537 = vector.broadcast %broadcast_in_dim3A_536 : i32 to vector<16xi32>
    %scan3A_538 = arith.constant 0 : i32
    %scan3A_539 = arith.constant 128 : i32
    %scan3A_540 = arith.addi %scan3A_538, %scan3A_539 : i32
    %scan3A_541 = arith.constant 1 : i32
    %scan3A_542:16 = scf.for %scan3A_1074 = %scan3A_538 to %scan3A_540 step %scan3A_541 iter_args(%scan3A_1075 = %broadcast_in_dim3A_507, %scan3A_1076 = %broadcast_in_dim3A_509, %scan3A_1077 = %broadcast_in_dim3A_511, %scan3A_1078 = %broadcast_in_dim3A_513, %scan3A_1079 = %broadcast_in_dim3A_515, %scan3A_1080 = %broadcast_in_dim3A_517, %scan3A_1081 = %broadcast_in_dim3A_519, %scan3A_1082 = %broadcast_in_dim3A_521, %scan3A_1083 = %broadcast_in_dim3A_523, %scan3A_1084 = %broadcast_in_dim3A_525, %scan3A_1085 = %broadcast_in_dim3A_527, %scan3A_1086 = %broadcast_in_dim3A_529, %scan3A_1087 = %broadcast_in_dim3A_531, %scan3A_1088 = %broadcast_in_dim3A_533, %scan3A_1089 = %broadcast_in_dim3A_535, %scan3A_1090 = %broadcast_in_dim3A_537) -> (vector<16xf32>, vector<16xi32>, vector<16xf32>, vector<16xi32>, vector<16xf32>, vector<16xi32>, vector<16xf32>, vector<16xi32>, vector<16xf32>, vector<16xi32>, vector<16xf32>, vector<16xi32>, vector<16xf32>, vector<16xi32>, vector<16xf32>, vector<16xi32>)  : i32 {
      %mul3A_1091 = arith.constant 2 : i32
      %mul3A_1092 = arith.muli %scan3A_1074, %mul3A_1091 : i32
      %add3A_1093 = arith.constant 0 : i32
      %add3A_1094 = arith.addi %mul3A_1092, %add3A_1093 : i32
      %mul3A_1095 = arith.constant 128 : i32
      %mul3A_1096 = arith.muli %add3A_1094, %mul3A_1095 : i32
      %broadcast_in_dim3A_1097 = arith.constant 0 : i32
      %broadcast_in_dim3A_1098 = vector.broadcast %broadcast_in_dim3A_1097 : i32 to vector<16xi32>
      %add3A_1099 = vector.broadcast %add3A_1094 : i32 to vector<16xi32>
      %add3A_1100 = arith.addi %broadcast_in_dim3A_1098, %add3A_1099 : vector<16xi32>
      %add3A_1101 = arith.constant 0 : i32
      %add3A_1102 = arith.addi %mul3A_1096, %add3A_1101 : i32
      %get3A = arith.index_cast %add3A_1102 : i32 to index
      %get3A_1103 = tpu.vector_load %arg4[%get3A] {strides = array<i32>} : memref<32768xf32, #tpu.memory_space<vmem>>, vector<16xf32>,
      %gt3A_1104 = arith.cmpf ogt, %get3A_1103, %scan3A_1075 : vector<16xf32>
      %select_n3A_1105 = arith.select %gt3A_1104, %get3A_1103, %scan3A_1075 : vector<16xi1>, vector<16xf32>
      %select_n3A_1106 = arith.select %gt3A_1104, %add3A_1100, %scan3A_1076 : vector<16xi1>, vector<16xi32>
      %add3A_1107 = arith.constant 16 : i32
      %add3A_1108 = arith.addi %mul3A_1096, %add3A_1107 : i32
      %get3A_1109 = arith.index_cast %add3A_1108 : i32 to index
      %get3A_1110 = tpu.vector_load %arg4[%get3A_1109] {strides = array<i32>} : memref<32768xf32, #tpu.memory_space<vmem>>, vector<16xf32>,
      %gt3A_1111 = arith.cmpf ogt, %get3A_1110, %scan3A_1077 : vector<16xf32>
      %select_n3A_1112 = arith.select %gt3A_1111, %get3A_1110, %scan3A_1077 : vector<16xi1>, vector<16xf32>
      %select_n3A_1113 = arith.select %gt3A_1111, %add3A_1100, %scan3A_1078 : vector<16xi1>, vector<16xi32>
      %add3A_1114 = arith.constant 32 : i32
      %add3A_1115 = arith.addi %mul3A_1096, %add3A_1114 : i32
      %get3A_1116 = arith.index_cast %add3A_1115 : i32 to index
      %get3A_1117 = tpu.vector_load %arg4[%get3A_1116] {strides = array<i32>} : memref<32768xf32, #tpu.memory_space<vmem>>, vector<16xf32>,
      %gt3A_1118 = arith.cmpf ogt, %get3A_1117, %scan3A_1079 : vector<16xf32>
      %select_n3A_1119 = arith.select %gt3A_1118, %get3A_1117, %scan3A_1079 : vector<16xi1>, vector<16xf32>
      %select_n3A_1120 = arith.select %gt3A_1118, %add3A_1100, %scan3A_1080 : vector<16xi1>, vector<16xi32>
      %add3A_1121 = arith.constant 48 : i32
      %add3A_1122 = arith.addi %mul3A_1096, %add3A_1121 : i32
      %get3A_1123 = arith.index_cast %add3A_1122 : i32 to index
      %get3A_1124 = tpu.vector_load %arg4[%get3A_1123] {strides = array<i32>} : memref<32768xf32, #tpu.memory_space<vmem>>, vector<16xf32>,
      %gt3A_1125 = arith.cmpf ogt, %get3A_1124, %scan3A_1081 : vector<16xf32>
      %select_n3A_1126 = arith.select %gt3A_1125, %get3A_1124, %scan3A_1081 : vector<16xi1>, vector<16xf32>
      %select_n3A_1127 = arith.select %gt3A_1125, %add3A_1100, %scan3A_1082 : vector<16xi1>, vector<16xi32>
      %add3A_1128 = arith.constant 64 : i32
      %add3A_1129 = arith.addi %mul3A_1096, %add3A_1128 : i32
      %get3A_1130 = arith.index_cast %add3A_1129 : i32 to index
      %get3A_1131 = tpu.vector_load %arg4[%get3A_1130] {strides = array<i32>} : memref<32768xf32, #tpu.memory_space<vmem>>, vector<16xf32>,
      %gt3A_1132 = arith.cmpf ogt, %get3A_1131, %scan3A_1083 : vector<16xf32>
      %select_n3A_1133 = arith.select %gt3A_1132, %get3A_1131, %scan3A_1083 : vector<16xi1>, vector<16xf32>
      %select_n3A_1134 = arith.select %gt3A_1132, %add3A_1100, %scan3A_1084 : vector<16xi1>, vector<16xi32>
      %add3A_1135 = arith.constant 80 : i32
      %add3A_1136 = arith.addi %mul3A_1096, %add3A_1135 : i32
      %get3A_1137 = arith.index_cast %add3A_1136 : i32 to index
      %get3A_1138 = tpu.vector_load %arg4[%get3A_1137] {strides = array<i32>} : memref<32768xf32, #tpu.memory_space<vmem>>, vector<16xf32>,
      %gt3A_1139 = arith.cmpf ogt, %get3A_1138, %scan3A_1085 : vector<16xf32>
      %select_n3A_1140 = arith.select %gt3A_1139, %get3A_1138, %scan3A_1085 : vector<16xi1>, vector<16xf32>
      %select_n3A_1141 = arith.select %gt3A_1139, %add3A_1100, %scan3A_1086 : vector<16xi1>, vector<16xi32>
      %add3A_1142 = arith.constant 96 : i32
      %add3A_1143 = arith.addi %mul3A_1096, %add3A_1142 : i32
      %get3A_1144 = arith.index_cast %add3A_1143 : i32 to index
      %get3A_1145 = tpu.vector_load %arg4[%get3A_1144] {strides = array<i32>} : memref<32768xf32, #tpu.memory_space<vmem>>, vector<16xf32>,
      %gt3A_1146 = arith.cmpf ogt, %get3A_1145, %scan3A_1087 : vector<16xf32>
      %select_n3A_1147 = arith.select %gt3A_1146, %get3A_1145, %scan3A_1087 : vector<16xi1>, vector<16xf32>
      %select_n3A_1148 = arith.select %gt3A_1146, %add3A_1100, %scan3A_1088 : vector<16xi1>, vector<16xi32>
      %add3A_1149 = arith.constant 112 : i32
      %add3A_1150 = arith.addi %mul3A_1096, %add3A_1149 : i32
      %get3A_1151 = arith.index_cast %add3A_1150 : i32 to index
      %get3A_1152 = tpu.vector_load %arg4[%get3A_1151] {strides = array<i32>} : memref<32768xf32, #tpu.memory_space<vmem>>, vector<16xf32>,
      %gt3A_1153 = arith.cmpf ogt, %get3A_1152, %scan3A_1089 : vector<16xf32>
      %select_n3A_1154 = arith.select %gt3A_1153, %get3A_1152, %scan3A_1089 : vector<16xi1>, vector<16xf32>
      %select_n3A_1155 = arith.select %gt3A_1153, %add3A_1100, %scan3A_1090 : vector<16xi1>, vector<16xi32>
      %mul3A_1156 = arith.constant 2 : i32
      %mul3A_1157 = arith.muli %scan3A_1074, %mul3A_1156 : i32
      %add3A_1158 = arith.constant 1 : i32
      %add3A_1159 = arith.addi %mul3A_1157, %add3A_1158 : i32
      %mul3A_1160 = arith.constant 128 : i32
      %mul3A_1161 = arith.muli %add3A_1159, %mul3A_1160 : i32
      %broadcast_in_dim3A_1162 = arith.constant 0 : i32
      %broadcast_in_dim3A_1163 = vector.broadcast %broadcast_in_dim3A_1162 : i32 to vector<16xi32>
      %add3A_1164 = vector.broadcast %add3A_1159 : i32 to vector<16xi32>
      %add3A_1165 = arith.addi %broadcast_in_dim3A_1163, %add3A_1164 : vector<16xi32>
      %add3A_1166 = arith.constant 0 : i32
      %add3A_1167 = arith.addi %mul3A_1161, %add3A_1166 : i32
      %get3A_1168 = arith.index_cast %add3A_1167 : i32 to index
      %get3A_1169 = tpu.vector_load %arg4[%get3A_1168] {strides = array<i32>} : memref<32768xf32, #tpu.memory_space<vmem>>, vector<16xf32>,
      %gt3A_1170 = arith.cmpf ogt, %get3A_1169, %select_n3A_1105 : vector<16xf32>
      %select_n3A_1171 = arith.select %gt3A_1170, %get3A_1169, %select_n3A_1105 : vector<16xi1>, vector<16xf32>
      %select_n3A_1172 = arith.select %gt3A_1170, %add3A_1165, %select_n3A_1106 : vector<16xi1>, vector<16xi32>
      %add3A_1173 = arith.constant 16 : i32
      %add3A_1174 = arith.addi %mul3A_1161, %add3A_1173 : i32
      %get3A_1175 = arith.index_cast %add3A_1174 : i32 to index
      %get3A_1176 = tpu.vector_load %arg4[%get3A_1175] {strides = array<i32>} : memref<32768xf32, #tpu.memory_space<vmem>>, vector<16xf32>,
      %gt3A_1177 = arith.cmpf ogt, %get3A_1176, %select_n3A_1112 : vector<16xf32>
      %select_n3A_1178 = arith.select %gt3A_1177, %get3A_1176, %select_n3A_1112 : vector<16xi1>, vector<16xf32>
      %select_n3A_1179 = arith.select %gt3A_1177, %add3A_1165, %select_n3A_1113 : vector<16xi1>, vector<16xi32>
      %add3A_1180 = arith.constant 32 : i32
      %add3A_1181 = arith.addi %mul3A_1161, %add3A_1180 : i32
      %get3A_1182 = arith.index_cast %add3A_1181 : i32 to index
      %get3A_1183 = tpu.vector_load %arg4[%get3A_1182] {strides = array<i32>} : memref<32768xf32, #tpu.memory_space<vmem>>, vector<16xf32>,
      %gt3A_1184 = arith.cmpf ogt, %get3A_1183, %select_n3A_1119 : vector<16xf32>
      %select_n3A_1185 = arith.select %gt3A_1184, %get3A_1183, %select_n3A_1119 : vector<16xi1>, vector<16xf32>
      %select_n3A_1186 = arith.select %gt3A_1184, %add3A_1165, %select_n3A_1120 : vector<16xi1>, vector<16xi32>
      %add3A_1187 = arith.constant 48 : i32
      %add3A_1188 = arith.addi %mul3A_1161, %add3A_1187 : i32
      %get3A_1189 = arith.index_cast %add3A_1188 : i32 to index
      %get3A_1190 = tpu.vector_load %arg4[%get3A_1189] {strides = array<i32>} : memref<32768xf32, #tpu.memory_space<vmem>>, vector<16xf32>,
      %gt3A_1191 = arith.cmpf ogt, %get3A_1190, %select_n3A_1126 : vector<16xf32>
      %select_n3A_1192 = arith.select %gt3A_1191, %get3A_1190, %select_n3A_1126 : vector<16xi1>, vector<16xf32>
      %select_n3A_1193 = arith.select %gt3A_1191, %add3A_1165, %select_n3A_1127 : vector<16xi1>, vector<16xi32>
      %add3A_1194 = arith.constant 64 : i32
      %add3A_1195 = arith.addi %mul3A_1161, %add3A_1194 : i32
      %get3A_1196 = arith.index_cast %add3A_1195 : i32 to index
      %get3A_1197 = tpu.vector_load %arg4[%get3A_1196] {strides = array<i32>} : memref<32768xf32, #tpu.memory_space<vmem>>, vector<16xf32>,
      %gt3A_1198 = arith.cmpf ogt, %get3A_1197, %select_n3A_1133 : vector<16xf32>
      %select_n3A_1199 = arith.select %gt3A_1198, %get3A_1197, %select_n3A_1133 : vector<16xi1>, vector<16xf32>
      %select_n3A_1200 = arith.select %gt3A_1198, %add3A_1165, %select_n3A_1134 : vector<16xi1>, vector<16xi32>
      %add3A_1201 = arith.constant 80 : i32
      %add3A_1202 = arith.addi %mul3A_1161, %add3A_1201 : i32
      %get3A_1203 = arith.index_cast %add3A_1202 : i32 to index
      %get3A_1204 = tpu.vector_load %arg4[%get3A_1203] {strides = array<i32>} : memref<32768xf32, #tpu.memory_space<vmem>>, vector<16xf32>,
      %gt3A_1205 = arith.cmpf ogt, %get3A_1204, %select_n3A_1140 : vector<16xf32>
      %select_n3A_1206 = arith.select %gt3A_1205, %get3A_1204, %select_n3A_1140 : vector<16xi1>, vector<16xf32>
      %select_n3A_1207 = arith.select %gt3A_1205, %add3A_1165, %select_n3A_1141 : vector<16xi1>, vector<16xi32>
      %add3A_1208 = arith.constant 96 : i32
      %add3A_1209 = arith.addi %mul3A_1161, %add3A_1208 : i32
      %get3A_1210 = arith.index_cast %add3A_1209 : i32 to index
      %get3A_1211 = tpu.vector_load %arg4[%get3A_1210] {strides = array<i32>} : memref<32768xf32, #tpu.memory_space<vmem>>, vector<16xf32>,
      %gt3A_1212 = arith.cmpf ogt, %get3A_1211, %select_n3A_1147 : vector<16xf32>
      %select_n3A_1213 = arith.select %gt3A_1212, %get3A_1211, %select_n3A_1147 : vector<16xi1>, vector<16xf32>
      %select_n3A_1214 = arith.select %gt3A_1212, %add3A_1165, %select_n3A_1148 : vector<16xi1>, vector<16xi32>
      %add3A_1215 = arith.constant 112 : i32
      %add3A_1216 = arith.addi %mul3A_1161, %add3A_1215 : i32
      %get3A_1217 = arith.index_cast %add3A_1216 : i32 to index
      %get3A_1218 = tpu.vector_load %arg4[%get3A_1217] {strides = array<i32>} : memref<32768xf32, #tpu.memory_space<vmem>>, vector<16xf32>,
      %gt3A_1219 = arith.cmpf ogt, %get3A_1218, %select_n3A_1154 : vector<16xf32>
      %select_n3A_1220 = arith.select %gt3A_1219, %get3A_1218, %select_n3A_1154 : vector<16xi1>, vector<16xf32>
      %select_n3A_1221 = arith.select %gt3A_1219, %add3A_1165, %select_n3A_1155 : vector<16xi1>, vector<16xi32>
      scf.yield %select_n3A_1171, %select_n3A_1172, %select_n3A_1178, %select_n3A_1179, %select_n3A_1185, %select_n3A_1186, %select_n3A_1192, %select_n3A_1193, %select_n3A_1199, %select_n3A_1200, %select_n3A_1206, %select_n3A_1207, %select_n3A_1213, %select_n3A_1214, %select_n3A_1220, %select_n3A_1221 : vector<16xf32>, vector<16xi32>, vector<16xf32>, vector<16xi32>, vector<16xf32>, vector<16xi32>, vector<16xf32>, vector<16xi32>, vector<16xf32>, vector<16xi32>, vector<16xf32>, vector<16xi32>, vector<16xf32>, vector<16xi32>, vector<16xf32>, vector<16xi32>
    }
    %scan3A_543 = arith.constant 128 : i32
    %mul3A_544 = arith.constant 128 : i32
    %mul3A_545 = vector.broadcast %mul3A_544 : i32 to vector<16xi32>
    %mul3A_546 = arith.muli %scan3A_542#1, %mul3A_545 : vector<16xi32>
    %add3A_547 = arith.addi %mul3A_546, %iota3A : vector<16xi32>
    %mul3A_548 = arith.constant 128 : i32
    %mul3A_549 = vector.broadcast %mul3A_548 : i32 to vector<16xi32>
    %mul3A_550 = arith.muli %scan3A_542#3, %mul3A_549 : vector<16xi32>
    %add3A_551 = arith.constant 16 : i32
    %add3A_552 = vector.broadcast %add3A_551 : i32 to vector<16xi32>
    %add3A_553 = arith.addi %mul3A_550, %add3A_552 : vector<16xi32>
    %add3A_554 = arith.addi %add3A_553, %iota3A : vector<16xi32>
    %gt3A_555 = arith.cmpf ogt, %scan3A_542#2, %scan3A_542#0 : vector<16xf32>
    %eq3A_556 = arith.cmpf oeq, %scan3A_542#2, %scan3A_542#0 : vector<16xf32>
    %lt3A_557 = arith.cmpi slt, %add3A_554, %add3A_547 : vector<16xi32>
    %and3A_558 = arith.andi %eq3A_556, %lt3A_557 : vector<16xi1>
    %or3A_559 = arith.ori %gt3A_555, %and3A_558 : vector<16xi1>
    %select_n3A_560 = arith.select %or3A_559, %scan3A_542#2, %scan3A_542#0 : vector<16xi1>, vector<16xf32>
    %select_n3A_561 = arith.select %or3A_559, %add3A_554, %add3A_547 : vector<16xi1>, vector<16xi32>
    %mul3A_562 = arith.constant 128 : i32
    %mul3A_563 = vector.broadcast %mul3A_562 : i32 to vector<16xi32>
    %mul3A_564 = arith.muli %scan3A_542#5, %mul3A_563 : vector<16xi32>
    %add3A_565 = arith.constant 32 : i32
    %add3A_566 = vector.broadcast %add3A_565 : i32 to vector<16xi32>
    %add3A_567 = arith.addi %mul3A_564, %add3A_566 : vector<16xi32>
    %add3A_568 = arith.addi %add3A_567, %iota3A : vector<16xi32>
    %gt3A_569 = arith.cmpf ogt, %scan3A_542#4, %select_n3A_560 : vector<16xf32>
    %eq3A_570 = arith.cmpf oeq, %scan3A_542#4, %select_n3A_560 : vector<16xf32>
    %lt3A_571 = arith.cmpi slt, %add3A_568, %select_n3A_561 : vector<16xi32>
    %and3A_572 = arith.andi %eq3A_570, %lt3A_571 : vector<16xi1>
    %or3A_573 = arith.ori %gt3A_569, %and3A_572 : vector<16xi1>
    %select_n3A_574 = arith.select %or3A_573, %scan3A_542#4, %select_n3A_560 : vector<16xi1>, vector<16xf32>
    %select_n3A_575 = arith.select %or3A_573, %add3A_568, %select_n3A_561 : vector<16xi1>, vector<16xi32>
    %mul3A_576 = arith.constant 128 : i32
    %mul3A_577 = vector.broadcast %mul3A_576 : i32 to vector<16xi32>
    %mul3A_578 = arith.muli %scan3A_542#7, %mul3A_577 : vector<16xi32>
    %add3A_579 = arith.constant 48 : i32
    %add3A_580 = vector.broadcast %add3A_579 : i32 to vector<16xi32>
    %add3A_581 = arith.addi %mul3A_578, %add3A_580 : vector<16xi32>
    %add3A_582 = arith.addi %add3A_581, %iota3A : vector<16xi32>
    %gt3A_583 = arith.cmpf ogt, %scan3A_542#6, %select_n3A_574 : vector<16xf32>
    %eq3A_584 = arith.cmpf oeq, %scan3A_542#6, %select_n3A_574 : vector<16xf32>
    %lt3A_585 = arith.cmpi slt, %add3A_582, %select_n3A_575 : vector<16xi32>
    %and3A_586 = arith.andi %eq3A_584, %lt3A_585 : vector<16xi1>
    %or3A_587 = arith.ori %gt3A_583, %and3A_586 : vector<16xi1>
    %select_n3A_588 = arith.select %or3A_587, %scan3A_542#6, %select_n3A_574 : vector<16xi1>, vector<16xf32>
    %select_n3A_589 = arith.select %or3A_587, %add3A_582, %select_n3A_575 : vector<16xi1>, vector<16xi32>
    %mul3A_590 = arith.constant 128 : i32
    %mul3A_591 = vector.broadcast %mul3A_590 : i32 to vector<16xi32>
    %mul3A_592 = arith.muli %scan3A_542#9, %mul3A_591 : vector<16xi32>
    %add3A_593 = arith.constant 64 : i32
    %add3A_594 = vector.broadcast %add3A_593 : i32 to vector<16xi32>
    %add3A_595 = arith.addi %mul3A_592, %add3A_594 : vector<16xi32>
    %add3A_596 = arith.addi %add3A_595, %iota3A : vector<16xi32>
    %gt3A_597 = arith.cmpf ogt, %scan3A_542#8, %select_n3A_588 : vector<16xf32>
    %eq3A_598 = arith.cmpf oeq, %scan3A_542#8, %select_n3A_588 : vector<16xf32>
    %lt3A_599 = arith.cmpi slt, %add3A_596, %select_n3A_589 : vector<16xi32>
    %and3A_600 = arith.andi %eq3A_598, %lt3A_599 : vector<16xi1>
    %or3A_601 = arith.ori %gt3A_597, %and3A_600 : vector<16xi1>
    %select_n3A_602 = arith.select %or3A_601, %scan3A_542#8, %select_n3A_588 : vector<16xi1>, vector<16xf32>
    %select_n3A_603 = arith.select %or3A_601, %add3A_596, %select_n3A_589 : vector<16xi1>, vector<16xi32>
    %mul3A_604 = arith.constant 128 : i32
    %mul3A_605 = vector.broadcast %mul3A_604 : i32 to vector<16xi32>
    %mul3A_606 = arith.muli %scan3A_542#11, %mul3A_605 : vector<16xi32>
    %add3A_607 = arith.constant 80 : i32
    %add3A_608 = vector.broadcast %add3A_607 : i32 to vector<16xi32>
    %add3A_609 = arith.addi %mul3A_606, %add3A_608 : vector<16xi32>
    %add3A_610 = arith.addi %add3A_609, %iota3A : vector<16xi32>
    %gt3A_611 = arith.cmpf ogt, %scan3A_542#10, %select_n3A_602 : vector<16xf32>
    %eq3A_612 = arith.cmpf oeq, %scan3A_542#10, %select_n3A_602 : vector<16xf32>
    %lt3A_613 = arith.cmpi slt, %add3A_610, %select_n3A_603 : vector<16xi32>
    %and3A_614 = arith.andi %eq3A_612, %lt3A_613 : vector<16xi1>
    %or3A_615 = arith.ori %gt3A_611, %and3A_614 : vector<16xi1>
    %select_n3A_616 = arith.select %or3A_615, %scan3A_542#10, %select_n3A_602 : vector<16xi1>, vector<16xf32>
    %select_n3A_617 = arith.select %or3A_615, %add3A_610, %select_n3A_603 : vector<16xi1>, vector<16xi32>
    %mul3A_618 = arith.constant 128 : i32
    %mul3A_619 = vector.broadcast %mul3A_618 : i32 to vector<16xi32>
    %mul3A_620 = arith.muli %scan3A_542#13, %mul3A_619 : vector<16xi32>
    %add3A_621 = arith.constant 96 : i32
    %add3A_622 = vector.broadcast %add3A_621 : i32 to vector<16xi32>
    %add3A_623 = arith.addi %mul3A_620, %add3A_622 : vector<16xi32>
    %add3A_624 = arith.addi %add3A_623, %iota3A : vector<16xi32>
    %gt3A_625 = arith.cmpf ogt, %scan3A_542#12, %select_n3A_616 : vector<16xf32>
    %eq3A_626 = arith.cmpf oeq, %scan3A_542#12, %select_n3A_616 : vector<16xf32>
    %lt3A_627 = arith.cmpi slt, %add3A_624, %select_n3A_617 : vector<16xi32>
    %and3A_628 = arith.andi %eq3A_626, %lt3A_627 : vector<16xi1>
    %or3A_629 = arith.ori %gt3A_625, %and3A_628 : vector<16xi1>
    %select_n3A_630 = arith.select %or3A_629, %scan3A_542#12, %select_n3A_616 : vector<16xi1>, vector<16xf32>
    %select_n3A_631 = arith.select %or3A_629, %add3A_624, %select_n3A_617 : vector<16xi1>, vector<16xi32>
    %mul3A_632 = arith.constant 128 : i32
    %mul3A_633 = vector.broadcast %mul3A_632 : i32 to vector<16xi32>
    %mul3A_634 = arith.muli %scan3A_542#15, %mul3A_633 : vector<16xi32>
    %add3A_635 = arith.constant 112 : i32
    %add3A_636 = vector.broadcast %add3A_635 : i32 to vector<16xi32>
    %add3A_637 = arith.addi %mul3A_634, %add3A_636 : vector<16xi32>
    %add3A_638 = arith.addi %add3A_637, %iota3A : vector<16xi32>
    %gt3A_639 = arith.cmpf ogt, %scan3A_542#14, %select_n3A_630 : vector<16xf32>
    %eq3A_640 = arith.cmpf oeq, %scan3A_542#14, %select_n3A_630 : vector<16xf32>
    %lt3A_641 = arith.cmpi slt, %add3A_638, %select_n3A_631 : vector<16xi32>
    %and3A_642 = arith.andi %eq3A_640, %lt3A_641 : vector<16xi1>
    %or3A_643 = arith.ori %gt3A_639, %and3A_642 : vector<16xi1>
    %select_n3A_644 = arith.select %or3A_643, %scan3A_542#14, %select_n3A_630 : vector<16xi1>, vector<16xf32>
    %select_n3A_645 = arith.select %or3A_643, %add3A_638, %select_n3A_631 : vector<16xi1>, vector<16xi32>
    %reduce_max3A_646 = arith.constant true
    %reduce_max3A_647 = vector.broadcast %reduce_max3A_646 : i1 to vector<16xi1>
    %reduce_max3A_648 = tpu.scan <max>, %select_n3A_644 masked %reduce_max3A_647 : vector<16xf32>, vector<16xi1> -> vector<16xf32>
    %reduce_max3A_649 = vector.extract %reduce_max3A_648[15] : f32 from vector<16xf32>
    %eq3A_650 = vector.broadcast %reduce_max3A_649 : f32 to vector<16xf32>
    %eq3A_651 = arith.cmpf oeq, %select_n3A_644, %eq3A_650 : vector<16xf32>
    %jit3A_652 = arith.constant 2147483647 : i32
    %broadcast_in_dim3A_653 = vector.broadcast %jit3A_652 : i32 to vector<16xi32>
    %select_n3A_654 = arith.select %eq3A_651, %select_n3A_645, %broadcast_in_dim3A_653 : vector<16xi1>, vector<16xi32>
    %reduce_min3A_655 = arith.constant true
    %reduce_min3A_656 = vector.broadcast %reduce_min3A_655 : i1 to vector<16xi1>
    %reduce_min3A_657 = arith.constant -2147483648 : i32
    %reduce_min3A_658 = vector.broadcast %reduce_min3A_657 : i32 to vector<16xi32>
    %reduce_min3A_659 = arith.xori %select_n3A_654, %reduce_min3A_658 : vector<16xi32>
    %reduce_min3A_660 = tpu.scan <min>, %reduce_min3A_659 masked %reduce_min3A_656 : vector<16xi32>, vector<16xi1> -> vector<16xi32>
    %reduce_min3A_661 = arith.xori %reduce_min3A_660, %reduce_min3A_658 : vector<16xi32>
    %reduce_min3A_662 = vector.extract %reduce_min3A_661[15] : i32 from vector<16xi32>
    %and3A_663 = arith.constant -128 : i32
    %and3A_664 = arith.andi %and3A_663, %reduce_min3A_662 : i32
    %multiple_of3A_665 = tpu.assume_multiple %and3A_664, 128 : i32
    %sub3A_666 = arith.subi %reduce_min3A_662, %multiple_of3A_665 : i32
    %sub3A_667 = arith.constant 0 : i32
    %sub3A_668 = arith.subi %sub3A_666, %sub3A_667 : i32
    %eq3A_669 = vector.broadcast %sub3A_668 : i32 to vector<16xi32>
    %eq3A_670 = arith.cmpi eq, %iota3A, %eq3A_669 : vector<16xi32>
    %convert_element_type3A_671 = arith.extui %eq3A_670 : vector<16xi1> to vector<16xi32>
    %swap3A_672 = arith.constant 256 : index
    %swap3A_673 = tpu.vector_load %arg7[%swap3A_672] {strides = array<i32>} : memref<512xi32, #tpu.memory_space<vmem>>, vector<16xi32>,
    tpu.vector_store %arg7[%swap3A_672], %convert_element_type3A_671 {strides = array<i32>} : memref<512xi32, #tpu.memory_space<vmem>>, vector<16xi32>,
    %sub3A_674 = arith.constant 16 : i32
    %sub3A_675 = arith.subi %sub3A_666, %sub3A_674 : i32
    %eq3A_676 = vector.broadcast %sub3A_675 : i32 to vector<16xi32>
    %eq3A_677 = arith.cmpi eq, %iota3A, %eq3A_676 : vector<16xi32>
    %convert_element_type3A_678 = arith.extui %eq3A_677 : vector<16xi1> to vector<16xi32>
    %swap3A_679 = arith.constant 272 : index
    %swap3A_680 = tpu.vector_load %arg7[%swap3A_679] {strides = array<i32>} : memref<512xi32, #tpu.memory_space<vmem>>, vector<16xi32>,
    tpu.vector_store %arg7[%swap3A_679], %convert_element_type3A_678 {strides = array<i32>} : memref<512xi32, #tpu.memory_space<vmem>>, vector<16xi32>,
    %sub3A_681 = arith.constant 32 : i32
    %sub3A_682 = arith.subi %sub3A_666, %sub3A_681 : i32
    %eq3A_683 = vector.broadcast %sub3A_682 : i32 to vector<16xi32>
    %eq3A_684 = arith.cmpi eq, %iota3A, %eq3A_683 : vector<16xi32>
    %convert_element_type3A_685 = arith.extui %eq3A_684 : vector<16xi1> to vector<16xi32>
    %swap3A_686 = arith.constant 288 : index
    %swap3A_687 = tpu.vector_load %arg7[%swap3A_686] {strides = array<i32>} : memref<512xi32, #tpu.memory_space<vmem>>, vector<16xi32>,
    tpu.vector_store %arg7[%swap3A_686], %convert_element_type3A_685 {strides = array<i32>} : memref<512xi32, #tpu.memory_space<vmem>>, vector<16xi32>,
    %sub3A_688 = arith.constant 48 : i32
    %sub3A_689 = arith.subi %sub3A_666, %sub3A_688 : i32
    %eq3A_690 = vector.broadcast %sub3A_689 : i32 to vector<16xi32>
    %eq3A_691 = arith.cmpi eq, %iota3A, %eq3A_690 : vector<16xi32>
    %convert_element_type3A_692 = arith.extui %eq3A_691 : vector<16xi1> to vector<16xi32>
    %swap3A_693 = arith.constant 304 : index
    %swap3A_694 = tpu.vector_load %arg7[%swap3A_693] {strides = array<i32>} : memref<512xi32, #tpu.memory_space<vmem>>, vector<16xi32>,
    tpu.vector_store %arg7[%swap3A_693], %convert_element_type3A_692 {strides = array<i32>} : memref<512xi32, #tpu.memory_space<vmem>>, vector<16xi32>,
    %sub3A_695 = arith.constant 64 : i32
    %sub3A_696 = arith.subi %sub3A_666, %sub3A_695 : i32
    %eq3A_697 = vector.broadcast %sub3A_696 : i32 to vector<16xi32>
    %eq3A_698 = arith.cmpi eq, %iota3A, %eq3A_697 : vector<16xi32>
    %convert_element_type3A_699 = arith.extui %eq3A_698 : vector<16xi1> to vector<16xi32>
    %swap3A_700 = arith.constant 320 : index
    %swap3A_701 = tpu.vector_load %arg7[%swap3A_700] {strides = array<i32>} : memref<512xi32, #tpu.memory_space<vmem>>, vector<16xi32>,
    tpu.vector_store %arg7[%swap3A_700], %convert_element_type3A_699 {strides = array<i32>} : memref<512xi32, #tpu.memory_space<vmem>>, vector<16xi32>,
    %sub3A_702 = arith.constant 80 : i32
    %sub3A_703 = arith.subi %sub3A_666, %sub3A_702 : i32
    %eq3A_704 = vector.broadcast %sub3A_703 : i32 to vector<16xi32>
    %eq3A_705 = arith.cmpi eq, %iota3A, %eq3A_704 : vector<16xi32>
    %convert_element_type3A_706 = arith.extui %eq3A_705 : vector<16xi1> to vector<16xi32>
    %swap3A_707 = arith.constant 336 : index
    %swap3A_708 = tpu.vector_load %arg7[%swap3A_707] {strides = array<i32>} : memref<512xi32, #tpu.memory_space<vmem>>, vector<16xi32>,
    tpu.vector_store %arg7[%swap3A_707], %convert_element_type3A_706 {strides = array<i32>} : memref<512xi32, #tpu.memory_space<vmem>>, vector<16xi32>,
    %sub3A_709 = arith.constant 96 : i32
    %sub3A_710 = arith.subi %sub3A_666, %sub3A_709 : i32
    %eq3A_711 = vector.broadcast %sub3A_710 : i32 to vector<16xi32>
    %eq3A_712 = arith.cmpi eq, %iota3A, %eq3A_711 : vector<16xi32>
    %convert_element_type3A_713 = arith.extui %eq3A_712 : vector<16xi1> to vector<16xi32>
    %swap3A_714 = arith.constant 352 : index
    %swap3A_715 = tpu.vector_load %arg7[%swap3A_714] {strides = array<i32>} : memref<512xi32, #tpu.memory_space<vmem>>, vector<16xi32>,
    tpu.vector_store %arg7[%swap3A_714], %convert_element_type3A_713 {strides = array<i32>} : memref<512xi32, #tpu.memory_space<vmem>>, vector<16xi32>,
    %sub3A_716 = arith.constant 112 : i32
    %sub3A_717 = arith.subi %sub3A_666, %sub3A_716 : i32
    %eq3A_718 = vector.broadcast %sub3A_717 : i32 to vector<16xi32>
    %eq3A_719 = arith.cmpi eq, %iota3A, %eq3A_718 : vector<16xi32>
    %convert_element_type3A_720 = arith.extui %eq3A_719 : vector<16xi1> to vector<16xi32>
    %swap3A_721 = arith.constant 368 : index
    %swap3A_722 = tpu.vector_load %arg7[%swap3A_721] {strides = array<i32>} : memref<512xi32, #tpu.memory_space<vmem>>, vector<16xi32>,
    tpu.vector_store %arg7[%swap3A_721], %convert_element_type3A_720 {strides = array<i32>} : memref<512xi32, #tpu.memory_space<vmem>>, vector<16xi32>,
    %dma_wait3A_723 = arith.constant 0 : i32
    %dma_wait3A_724 = tpu.memref_slice %arg2[%add3A_433, %dma_wait3A_723] : memref<128x32768xf32, #tpu.memory_space<hbm>> -> memref<1x32768xf32, #tpu.memory_space<hbm>>
    %dma_wait3A_725 = tpu.memref_squeeze %dma_wait3A_724 : memref<1x32768xf32, #tpu.memory_space<hbm>> -> memref<32768xf32, #tpu.memory_space<hbm>>
    %dma_wait3A_726 = arith.constant 0 : i32
    %dma_wait3A_727 = tpu.memref_slice %arg2[%add3A_433, %dma_wait3A_726] : memref<128x32768xf32, #tpu.memory_space<hbm>> -> memref<1x32768xf32, #tpu.memory_space<hbm>>
    %dma_wait3A_728 = tpu.memref_squeeze %dma_wait3A_727 : memref<1x32768xf32, #tpu.memory_space<hbm>> -> memref<32768xf32, #tpu.memory_space<hbm>>
    tpu.wait_dma2 semaphore(%arg8 : memref<!tpu.dma_semaphore, #tpu.memory_space<semaphore_mem>>) src(%dma_wait3A_728 : memref<32768xf32, #tpu.memory_space<hbm>>) dst(%arg5 : memref<32768xf32, #tpu.memory_space<vmem>>)
    %broadcast_in_dim3A_729 = arith.constant 0xFF800000 : f32
    %broadcast_in_dim3A_730 = vector.broadcast %broadcast_in_dim3A_729 : f32 to vector<16xf32>
    %broadcast_in_dim3A_731 = arith.constant 0 : i32
    %broadcast_in_dim3A_732 = vector.broadcast %broadcast_in_dim3A_731 : i32 to vector<16xi32>
    %broadcast_in_dim3A_733 = arith.constant 0xFF800000 : f32
    %broadcast_in_dim3A_734 = vector.broadcast %broadcast_in_dim3A_733 : f32 to vector<16xf32>
    %broadcast_in_dim3A_735 = arith.constant 0 : i32
    %broadcast_in_dim3A_736 = vector.broadcast %broadcast_in_dim3A_735 : i32 to vector<16xi32>
    %broadcast_in_dim3A_737 = arith.constant 0xFF800000 : f32
    %broadcast_in_dim3A_738 = vector.broadcast %broadcast_in_dim3A_737 : f32 to vector<16xf32>
    %broadcast_in_dim3A_739 = arith.constant 0 : i32
    %broadcast_in_dim3A_740 = vector.broadcast %broadcast_in_dim3A_739 : i32 to vector<16xi32>
    %broadcast_in_dim3A_741 = arith.constant 0xFF800000 : f32
    %broadcast_in_dim3A_742 = vector.broadcast %broadcast_in_dim3A_741 : f32 to vector<16xf32>
    %broadcast_in_dim3A_743 = arith.constant 0 : i32
    %broadcast_in_dim3A_744 = vector.broadcast %broadcast_in_dim3A_743 : i32 to vector<16xi32>
    %broadcast_in_dim3A_745 = arith.constant 0xFF800000 : f32
    %broadcast_in_dim3A_746 = vector.broadcast %broadcast_in_dim3A_745 : f32 to vector<16xf32>
    %broadcast_in_dim3A_747 = arith.constant 0 : i32
    %broadcast_in_dim3A_748 = vector.broadcast %broadcast_in_dim3A_747 : i32 to vector<16xi32>
    %broadcast_in_dim3A_749 = arith.constant 0xFF800000 : f32
    %broadcast_in_dim3A_750 = vector.broadcast %broadcast_in_dim3A_749 : f32 to vector<16xf32>
    %broadcast_in_dim3A_751 = arith.constant 0 : i32
    %broadcast_in_dim3A_752 = vector.broadcast %broadcast_in_dim3A_751 : i32 to vector<16xi32>
    %broadcast_in_dim3A_753 = arith.constant 0xFF800000 : f32
    %broadcast_in_dim3A_754 = vector.broadcast %broadcast_in_dim3A_753 : f32 to vector<16xf32>
    %broadcast_in_dim3A_755 = arith.constant 0 : i32
    %broadcast_in_dim3A_756 = vector.broadcast %broadcast_in_dim3A_755 : i32 to vector<16xi32>
    %broadcast_in_dim3A_757 = arith.constant 0xFF800000 : f32
    %broadcast_in_dim3A_758 = vector.broadcast %broadcast_in_dim3A_757 : f32 to vector<16xf32>
    %broadcast_in_dim3A_759 = arith.constant 0 : i32
    %broadcast_in_dim3A_760 = vector.broadcast %broadcast_in_dim3A_759 : i32 to vector<16xi32>
    %scan3A_761 = arith.constant 0 : i32
    %scan3A_762 = arith.constant 128 : i32
    %scan3A_763 = arith.addi %scan3A_761, %scan3A_762 : i32
    %scan3A_764 = arith.constant 1 : i32
    %scan3A_765:16 = scf.for %scan3A_1074 = %scan3A_761 to %scan3A_763 step %scan3A_764 iter_args(%scan3A_1075 = %broadcast_in_dim3A_730, %scan3A_1076 = %broadcast_in_dim3A_732, %scan3A_1077 = %broadcast_in_dim3A_734, %scan3A_1078 = %broadcast_in_dim3A_736, %scan3A_1079 = %broadcast_in_dim3A_738, %scan3A_1080 = %broadcast_in_dim3A_740, %scan3A_1081 = %broadcast_in_dim3A_742, %scan3A_1082 = %broadcast_in_dim3A_744, %scan3A_1083 = %broadcast_in_dim3A_746, %scan3A_1084 = %broadcast_in_dim3A_748, %scan3A_1085 = %broadcast_in_dim3A_750, %scan3A_1086 = %broadcast_in_dim3A_752, %scan3A_1087 = %broadcast_in_dim3A_754, %scan3A_1088 = %broadcast_in_dim3A_756, %scan3A_1089 = %broadcast_in_dim3A_758, %scan3A_1090 = %broadcast_in_dim3A_760) -> (vector<16xf32>, vector<16xi32>, vector<16xf32>, vector<16xi32>, vector<16xf32>, vector<16xi32>, vector<16xf32>, vector<16xi32>, vector<16xf32>, vector<16xi32>, vector<16xf32>, vector<16xi32>, vector<16xf32>, vector<16xi32>, vector<16xf32>, vector<16xi32>)  : i32 {
      %mul3A_1091 = arith.constant 2 : i32
      %mul3A_1092 = arith.muli %scan3A_1074, %mul3A_1091 : i32
      %add3A_1093 = arith.constant 0 : i32
      %add3A_1094 = arith.addi %mul3A_1092, %add3A_1093 : i32
      %mul3A_1095 = arith.constant 128 : i32
      %mul3A_1096 = arith.muli %add3A_1094, %mul3A_1095 : i32
      %broadcast_in_dim3A_1097 = arith.constant 0 : i32
      %broadcast_in_dim3A_1098 = vector.broadcast %broadcast_in_dim3A_1097 : i32 to vector<16xi32>
      %add3A_1099 = vector.broadcast %add3A_1094 : i32 to vector<16xi32>
      %add3A_1100 = arith.addi %broadcast_in_dim3A_1098, %add3A_1099 : vector<16xi32>
      %add3A_1101 = arith.constant 0 : i32
      %add3A_1102 = arith.addi %mul3A_1096, %add3A_1101 : i32
      %get3A = arith.index_cast %add3A_1102 : i32 to index
      %get3A_1103 = tpu.vector_load %arg5[%get3A] {strides = array<i32>} : memref<32768xf32, #tpu.memory_space<vmem>>, vector<16xf32>,
      %gt3A_1104 = arith.cmpf ogt, %get3A_1103, %scan3A_1075 : vector<16xf32>
      %select_n3A_1105 = arith.select %gt3A_1104, %get3A_1103, %scan3A_1075 : vector<16xi1>, vector<16xf32>
      %select_n3A_1106 = arith.select %gt3A_1104, %add3A_1100, %scan3A_1076 : vector<16xi1>, vector<16xi32>
      %add3A_1107 = arith.constant 16 : i32
      %add3A_1108 = arith.addi %mul3A_1096, %add3A_1107 : i32
      %get3A_1109 = arith.index_cast %add3A_1108 : i32 to index
      %get3A_1110 = tpu.vector_load %arg5[%get3A_1109] {strides = array<i32>} : memref<32768xf32, #tpu.memory_space<vmem>>, vector<16xf32>,
      %gt3A_1111 = arith.cmpf ogt, %get3A_1110, %scan3A_1077 : vector<16xf32>
      %select_n3A_1112 = arith.select %gt3A_1111, %get3A_1110, %scan3A_1077 : vector<16xi1>, vector<16xf32>
      %select_n3A_1113 = arith.select %gt3A_1111, %add3A_1100, %scan3A_1078 : vector<16xi1>, vector<16xi32>
      %add3A_1114 = arith.constant 32 : i32
      %add3A_1115 = arith.addi %mul3A_1096, %add3A_1114 : i32
      %get3A_1116 = arith.index_cast %add3A_1115 : i32 to index
      %get3A_1117 = tpu.vector_load %arg5[%get3A_1116] {strides = array<i32>} : memref<32768xf32, #tpu.memory_space<vmem>>, vector<16xf32>,
      %gt3A_1118 = arith.cmpf ogt, %get3A_1117, %scan3A_1079 : vector<16xf32>
      %select_n3A_1119 = arith.select %gt3A_1118, %get3A_1117, %scan3A_1079 : vector<16xi1>, vector<16xf32>
      %select_n3A_1120 = arith.select %gt3A_1118, %add3A_1100, %scan3A_1080 : vector<16xi1>, vector<16xi32>
      %add3A_1121 = arith.constant 48 : i32
      %add3A_1122 = arith.addi %mul3A_1096, %add3A_1121 : i32
      %get3A_1123 = arith.index_cast %add3A_1122 : i32 to index
      %get3A_1124 = tpu.vector_load %arg5[%get3A_1123] {strides = array<i32>} : memref<32768xf32, #tpu.memory_space<vmem>>, vector<16xf32>,
      %gt3A_1125 = arith.cmpf ogt, %get3A_1124, %scan3A_1081 : vector<16xf32>
      %select_n3A_1126 = arith.select %gt3A_1125, %get3A_1124, %scan3A_1081 : vector<16xi1>, vector<16xf32>
      %select_n3A_1127 = arith.select %gt3A_1125, %add3A_1100, %scan3A_1082 : vector<16xi1>, vector<16xi32>
      %add3A_1128 = arith.constant 64 : i32
      %add3A_1129 = arith.addi %mul3A_1096, %add3A_1128 : i32
      %get3A_1130 = arith.index_cast %add3A_1129 : i32 to index
      %get3A_1131 = tpu.vector_load %arg5[%get3A_1130] {strides = array<i32>} : memref<32768xf32, #tpu.memory_space<vmem>>, vector<16xf32>,
      %gt3A_1132 = arith.cmpf ogt, %get3A_1131, %scan3A_1083 : vector<16xf32>
      %select_n3A_1133 = arith.select %gt3A_1132, %get3A_1131, %scan3A_1083 : vector<16xi1>, vector<16xf32>
      %select_n3A_1134 = arith.select %gt3A_1132, %add3A_1100, %scan3A_1084 : vector<16xi1>, vector<16xi32>
      %add3A_1135 = arith.constant 80 : i32
      %add3A_1136 = arith.addi %mul3A_1096, %add3A_1135 : i32
      %get3A_1137 = arith.index_cast %add3A_1136 : i32 to index
      %get3A_1138 = tpu.vector_load %arg5[%get3A_1137] {strides = array<i32>} : memref<32768xf32, #tpu.memory_space<vmem>>, vector<16xf32>,
      %gt3A_1139 = arith.cmpf ogt, %get3A_1138, %scan3A_1085 : vector<16xf32>
      %select_n3A_1140 = arith.select %gt3A_1139, %get3A_1138, %scan3A_1085 : vector<16xi1>, vector<16xf32>
      %select_n3A_1141 = arith.select %gt3A_1139, %add3A_1100, %scan3A_1086 : vector<16xi1>, vector<16xi32>
      %add3A_1142 = arith.constant 96 : i32
      %add3A_1143 = arith.addi %mul3A_1096, %add3A_1142 : i32
      %get3A_1144 = arith.index_cast %add3A_1143 : i32 to index
      %get3A_1145 = tpu.vector_load %arg5[%get3A_1144] {strides = array<i32>} : memref<32768xf32, #tpu.memory_space<vmem>>, vector<16xf32>,
      %gt3A_1146 = arith.cmpf ogt, %get3A_1145, %scan3A_1087 : vector<16xf32>
      %select_n3A_1147 = arith.select %gt3A_1146, %get3A_1145, %scan3A_1087 : vector<16xi1>, vector<16xf32>
      %select_n3A_1148 = arith.select %gt3A_1146, %add3A_1100, %scan3A_1088 : vector<16xi1>, vector<16xi32>
      %add3A_1149 = arith.constant 112 : i32
      %add3A_1150 = arith.addi %mul3A_1096, %add3A_1149 : i32
      %get3A_1151 = arith.index_cast %add3A_1150 : i32 to index
      %get3A_1152 = tpu.vector_load %arg5[%get3A_1151] {strides = array<i32>} : memref<32768xf32, #tpu.memory_space<vmem>>, vector<16xf32>,
      %gt3A_1153 = arith.cmpf ogt, %get3A_1152, %scan3A_1089 : vector<16xf32>
      %select_n3A_1154 = arith.select %gt3A_1153, %get3A_1152, %scan3A_1089 : vector<16xi1>, vector<16xf32>
      %select_n3A_1155 = arith.select %gt3A_1153, %add3A_1100, %scan3A_1090 : vector<16xi1>, vector<16xi32>
      %mul3A_1156 = arith.constant 2 : i32
      %mul3A_1157 = arith.muli %scan3A_1074, %mul3A_1156 : i32
      %add3A_1158 = arith.constant 1 : i32
      %add3A_1159 = arith.addi %mul3A_1157, %add3A_1158 : i32
      %mul3A_1160 = arith.constant 128 : i32
      %mul3A_1161 = arith.muli %add3A_1159, %mul3A_1160 : i32
      %broadcast_in_dim3A_1162 = arith.constant 0 : i32
      %broadcast_in_dim3A_1163 = vector.broadcast %broadcast_in_dim3A_1162 : i32 to vector<16xi32>
      %add3A_1164 = vector.broadcast %add3A_1159 : i32 to vector<16xi32>
      %add3A_1165 = arith.addi %broadcast_in_dim3A_1163, %add3A_1164 : vector<16xi32>
      %add3A_1166 = arith.constant 0 : i32
      %add3A_1167 = arith.addi %mul3A_1161, %add3A_1166 : i32
      %get3A_1168 = arith.index_cast %add3A_1167 : i32 to index
      %get3A_1169 = tpu.vector_load %arg5[%get3A_1168] {strides = array<i32>} : memref<32768xf32, #tpu.memory_space<vmem>>, vector<16xf32>,
      %gt3A_1170 = arith.cmpf ogt, %get3A_1169, %select_n3A_1105 : vector<16xf32>
      %select_n3A_1171 = arith.select %gt3A_1170, %get3A_1169, %select_n3A_1105 : vector<16xi1>, vector<16xf32>
      %select_n3A_1172 = arith.select %gt3A_1170, %add3A_1165, %select_n3A_1106 : vector<16xi1>, vector<16xi32>
      %add3A_1173 = arith.constant 16 : i32
      %add3A_1174 = arith.addi %mul3A_1161, %add3A_1173 : i32
      %get3A_1175 = arith.index_cast %add3A_1174 : i32 to index
      %get3A_1176 = tpu.vector_load %arg5[%get3A_1175] {strides = array<i32>} : memref<32768xf32, #tpu.memory_space<vmem>>, vector<16xf32>,
      %gt3A_1177 = arith.cmpf ogt, %get3A_1176, %select_n3A_1112 : vector<16xf32>
      %select_n3A_1178 = arith.select %gt3A_1177, %get3A_1176, %select_n3A_1112 : vector<16xi1>, vector<16xf32>
      %select_n3A_1179 = arith.select %gt3A_1177, %add3A_1165, %select_n3A_1113 : vector<16xi1>, vector<16xi32>
      %add3A_1180 = arith.constant 32 : i32
      %add3A_1181 = arith.addi %mul3A_1161, %add3A_1180 : i32
      %get3A_1182 = arith.index_cast %add3A_1181 : i32 to index
      %get3A_1183 = tpu.vector_load %arg5[%get3A_1182] {strides = array<i32>} : memref<32768xf32, #tpu.memory_space<vmem>>, vector<16xf32>,
      %gt3A_1184 = arith.cmpf ogt, %get3A_1183, %select_n3A_1119 : vector<16xf32>
      %select_n3A_1185 = arith.select %gt3A_1184, %get3A_1183, %select_n3A_1119 : vector<16xi1>, vector<16xf32>
      %select_n3A_1186 = arith.select %gt3A_1184, %add3A_1165, %select_n3A_1120 : vector<16xi1>, vector<16xi32>
      %add3A_1187 = arith.constant 48 : i32
      %add3A_1188 = arith.addi %mul3A_1161, %add3A_1187 : i32
      %get3A_1189 = arith.index_cast %add3A_1188 : i32 to index
      %get3A_1190 = tpu.vector_load %arg5[%get3A_1189] {strides = array<i32>} : memref<32768xf32, #tpu.memory_space<vmem>>, vector<16xf32>,
      %gt3A_1191 = arith.cmpf ogt, %get3A_1190, %select_n3A_1126 : vector<16xf32>
      %select_n3A_1192 = arith.select %gt3A_1191, %get3A_1190, %select_n3A_1126 : vector<16xi1>, vector<16xf32>
      %select_n3A_1193 = arith.select %gt3A_1191, %add3A_1165, %select_n3A_1127 : vector<16xi1>, vector<16xi32>
      %add3A_1194 = arith.constant 64 : i32
      %add3A_1195 = arith.addi %mul3A_1161, %add3A_1194 : i32
      %get3A_1196 = arith.index_cast %add3A_1195 : i32 to index
      %get3A_1197 = tpu.vector_load %arg5[%get3A_1196] {strides = array<i32>} : memref<32768xf32, #tpu.memory_space<vmem>>, vector<16xf32>,
      %gt3A_1198 = arith.cmpf ogt, %get3A_1197, %select_n3A_1133 : vector<16xf32>
      %select_n3A_1199 = arith.select %gt3A_1198, %get3A_1197, %select_n3A_1133 : vector<16xi1>, vector<16xf32>
      %select_n3A_1200 = arith.select %gt3A_1198, %add3A_1165, %select_n3A_1134 : vector<16xi1>, vector<16xi32>
      %add3A_1201 = arith.constant 80 : i32
      %add3A_1202 = arith.addi %mul3A_1161, %add3A_1201 : i32
      %get3A_1203 = arith.index_cast %add3A_1202 : i32 to index
      %get3A_1204 = tpu.vector_load %arg5[%get3A_1203] {strides = array<i32>} : memref<32768xf32, #tpu.memory_space<vmem>>, vector<16xf32>,
      %gt3A_1205 = arith.cmpf ogt, %get3A_1204, %select_n3A_1140 : vector<16xf32>
      %select_n3A_1206 = arith.select %gt3A_1205, %get3A_1204, %select_n3A_1140 : vector<16xi1>, vector<16xf32>
      %select_n3A_1207 = arith.select %gt3A_1205, %add3A_1165, %select_n3A_1141 : vector<16xi1>, vector<16xi32>
      %add3A_1208 = arith.constant 96 : i32
      %add3A_1209 = arith.addi %mul3A_1161, %add3A_1208 : i32
      %get3A_1210 = arith.index_cast %add3A_1209 : i32 to index
      %get3A_1211 = tpu.vector_load %arg5[%get3A_1210] {strides = array<i32>} : memref<32768xf32, #tpu.memory_space<vmem>>, vector<16xf32>,
      %gt3A_1212 = arith.cmpf ogt, %get3A_1211, %select_n3A_1147 : vector<16xf32>
      %select_n3A_1213 = arith.select %gt3A_1212, %get3A_1211, %select_n3A_1147 : vector<16xi1>, vector<16xf32>
      %select_n3A_1214 = arith.select %gt3A_1212, %add3A_1165, %select_n3A_1148 : vector<16xi1>, vector<16xi32>
      %add3A_1215 = arith.constant 112 : i32
      %add3A_1216 = arith.addi %mul3A_1161, %add3A_1215 : i32
      %get3A_1217 = arith.index_cast %add3A_1216 : i32 to index
      %get3A_1218 = tpu.vector_load %arg5[%get3A_1217] {strides = array<i32>} : memref<32768xf32, #tpu.memory_space<vmem>>, vector<16xf32>,
      %gt3A_1219 = arith.cmpf ogt, %get3A_1218, %select_n3A_1154 : vector<16xf32>
      %select_n3A_1220 = arith.select %gt3A_1219, %get3A_1218, %select_n3A_1154 : vector<16xi1>, vector<16xf32>
      %select_n3A_1221 = arith.select %gt3A_1219, %add3A_1165, %select_n3A_1155 : vector<16xi1>, vector<16xi32>
      scf.yield %select_n3A_1171, %select_n3A_1172, %select_n3A_1178, %select_n3A_1179, %select_n3A_1185, %select_n3A_1186, %select_n3A_1192, %select_n3A_1193, %select_n3A_1199, %select_n3A_1200, %select_n3A_1206, %select_n3A_1207, %select_n3A_1213, %select_n3A_1214, %select_n3A_1220, %select_n3A_1221 : vector<16xf32>, vector<16xi32>, vector<16xf32>, vector<16xi32>, vector<16xf32>, vector<16xi32>, vector<16xf32>, vector<16xi32>, vector<16xf32>, vector<16xi32>, vector<16xf32>, vector<16xi32>, vector<16xf32>, vector<16xi32>, vector<16xf32>, vector<16xi32>
    }
    %scan3A_766 = arith.constant 128 : i32
    %mul3A_767 = arith.constant 128 : i32
    %mul3A_768 = vector.broadcast %mul3A_767 : i32 to vector<16xi32>
    %mul3A_769 = arith.muli %scan3A_765#1, %mul3A_768 : vector<16xi32>
    %add3A_770 = arith.addi %mul3A_769, %iota3A : vector<16xi32>
    %mul3A_771 = arith.constant 128 : i32
    %mul3A_772 = vector.broadcast %mul3A_771 : i32 to vector<16xi32>
    %mul3A_773 = arith.muli %scan3A_765#3, %mul3A_772 : vector<16xi32>
    %add3A_774 = arith.constant 16 : i32
    %add3A_775 = vector.broadcast %add3A_774 : i32 to vector<16xi32>
    %add3A_776 = arith.addi %mul3A_773, %add3A_775 : vector<16xi32>
    %add3A_777 = arith.addi %add3A_776, %iota3A : vector<16xi32>
    %gt3A_778 = arith.cmpf ogt, %scan3A_765#2, %scan3A_765#0 : vector<16xf32>
    %eq3A_779 = arith.cmpf oeq, %scan3A_765#2, %scan3A_765#0 : vector<16xf32>
    %lt3A_780 = arith.cmpi slt, %add3A_777, %add3A_770 : vector<16xi32>
    %and3A_781 = arith.andi %eq3A_779, %lt3A_780 : vector<16xi1>
    %or3A_782 = arith.ori %gt3A_778, %and3A_781 : vector<16xi1>
    %select_n3A_783 = arith.select %or3A_782, %scan3A_765#2, %scan3A_765#0 : vector<16xi1>, vector<16xf32>
    %select_n3A_784 = arith.select %or3A_782, %add3A_777, %add3A_770 : vector<16xi1>, vector<16xi32>
    %mul3A_785 = arith.constant 128 : i32
    %mul3A_786 = vector.broadcast %mul3A_785 : i32 to vector<16xi32>
    %mul3A_787 = arith.muli %scan3A_765#5, %mul3A_786 : vector<16xi32>
    %add3A_788 = arith.constant 32 : i32
    %add3A_789 = vector.broadcast %add3A_788 : i32 to vector<16xi32>
    %add3A_790 = arith.addi %mul3A_787, %add3A_789 : vector<16xi32>
    %add3A_791 = arith.addi %add3A_790, %iota3A : vector<16xi32>
    %gt3A_792 = arith.cmpf ogt, %scan3A_765#4, %select_n3A_783 : vector<16xf32>
    %eq3A_793 = arith.cmpf oeq, %scan3A_765#4, %select_n3A_783 : vector<16xf32>
    %lt3A_794 = arith.cmpi slt, %add3A_791, %select_n3A_784 : vector<16xi32>
    %and3A_795 = arith.andi %eq3A_793, %lt3A_794 : vector<16xi1>
    %or3A_796 = arith.ori %gt3A_792, %and3A_795 : vector<16xi1>
    %select_n3A_797 = arith.select %or3A_796, %scan3A_765#4, %select_n3A_783 : vector<16xi1>, vector<16xf32>
    %select_n3A_798 = arith.select %or3A_796, %add3A_791, %select_n3A_784 : vector<16xi1>, vector<16xi32>
    %mul3A_799 = arith.constant 128 : i32
    %mul3A_800 = vector.broadcast %mul3A_799 : i32 to vector<16xi32>
    %mul3A_801 = arith.muli %scan3A_765#7, %mul3A_800 : vector<16xi32>
    %add3A_802 = arith.constant 48 : i32
    %add3A_803 = vector.broadcast %add3A_802 : i32 to vector<16xi32>
    %add3A_804 = arith.addi %mul3A_801, %add3A_803 : vector<16xi32>
    %add3A_805 = arith.addi %add3A_804, %iota3A : vector<16xi32>
    %gt3A_806 = arith.cmpf ogt, %scan3A_765#6, %select_n3A_797 : vector<16xf32>
    %eq3A_807 = arith.cmpf oeq, %scan3A_765#6, %select_n3A_797 : vector<16xf32>
    %lt3A_808 = arith.cmpi slt, %add3A_805, %select_n3A_798 : vector<16xi32>
    %and3A_809 = arith.andi %eq3A_807, %lt3A_808 : vector<16xi1>
    %or3A_810 = arith.ori %gt3A_806, %and3A_809 : vector<16xi1>
    %select_n3A_811 = arith.select %or3A_810, %scan3A_765#6, %select_n3A_797 : vector<16xi1>, vector<16xf32>
    %select_n3A_812 = arith.select %or3A_810, %add3A_805, %select_n3A_798 : vector<16xi1>, vector<16xi32>
    %mul3A_813 = arith.constant 128 : i32
    %mul3A_814 = vector.broadcast %mul3A_813 : i32 to vector<16xi32>
    %mul3A_815 = arith.muli %scan3A_765#9, %mul3A_814 : vector<16xi32>
    %add3A_816 = arith.constant 64 : i32
    %add3A_817 = vector.broadcast %add3A_816 : i32 to vector<16xi32>
    %add3A_818 = arith.addi %mul3A_815, %add3A_817 : vector<16xi32>
    %add3A_819 = arith.addi %add3A_818, %iota3A : vector<16xi32>
    %gt3A_820 = arith.cmpf ogt, %scan3A_765#8, %select_n3A_811 : vector<16xf32>
    %eq3A_821 = arith.cmpf oeq, %scan3A_765#8, %select_n3A_811 : vector<16xf32>
    %lt3A_822 = arith.cmpi slt, %add3A_819, %select_n3A_812 : vector<16xi32>
    %and3A_823 = arith.andi %eq3A_821, %lt3A_822 : vector<16xi1>
    %or3A_824 = arith.ori %gt3A_820, %and3A_823 : vector<16xi1>
    %select_n3A_825 = arith.select %or3A_824, %scan3A_765#8, %select_n3A_811 : vector<16xi1>, vector<16xf32>
    %select_n3A_826 = arith.select %or3A_824, %add3A_819, %select_n3A_812 : vector<16xi1>, vector<16xi32>
    %mul3A_827 = arith.constant 128 : i32
    %mul3A_828 = vector.broadcast %mul3A_827 : i32 to vector<16xi32>
    %mul3A_829 = arith.muli %scan3A_765#11, %mul3A_828 : vector<16xi32>
    %add3A_830 = arith.constant 80 : i32
    %add3A_831 = vector.broadcast %add3A_830 : i32 to vector<16xi32>
    %add3A_832 = arith.addi %mul3A_829, %add3A_831 : vector<16xi32>
    %add3A_833 = arith.addi %add3A_832, %iota3A : vector<16xi32>
    %gt3A_834 = arith.cmpf ogt, %scan3A_765#10, %select_n3A_825 : vector<16xf32>
    %eq3A_835 = arith.cmpf oeq, %scan3A_765#10, %select_n3A_825 : vector<16xf32>
    %lt3A_836 = arith.cmpi slt, %add3A_833, %select_n3A_826 : vector<16xi32>
    %and3A_837 = arith.andi %eq3A_835, %lt3A_836 : vector<16xi1>
    %or3A_838 = arith.ori %gt3A_834, %and3A_837 : vector<16xi1>
    %select_n3A_839 = arith.select %or3A_838, %scan3A_765#10, %select_n3A_825 : vector<16xi1>, vector<16xf32>
    %select_n3A_840 = arith.select %or3A_838, %add3A_833, %select_n3A_826 : vector<16xi1>, vector<16xi32>
    %mul3A_841 = arith.constant 128 : i32
    %mul3A_842 = vector.broadcast %mul3A_841 : i32 to vector<16xi32>
    %mul3A_843 = arith.muli %scan3A_765#13, %mul3A_842 : vector<16xi32>
    %add3A_844 = arith.constant 96 : i32
    %add3A_845 = vector.broadcast %add3A_844 : i32 to vector<16xi32>
    %add3A_846 = arith.addi %mul3A_843, %add3A_845 : vector<16xi32>
    %add3A_847 = arith.addi %add3A_846, %iota3A : vector<16xi32>
    %gt3A_848 = arith.cmpf ogt, %scan3A_765#12, %select_n3A_839 : vector<16xf32>
    %eq3A_849 = arith.cmpf oeq, %scan3A_765#12, %select_n3A_839 : vector<16xf32>
    %lt3A_850 = arith.cmpi slt, %add3A_847, %select_n3A_840 : vector<16xi32>
    %and3A_851 = arith.andi %eq3A_849, %lt3A_850 : vector<16xi1>
    %or3A_852 = arith.ori %gt3A_848, %and3A_851 : vector<16xi1>
    %select_n3A_853 = arith.select %or3A_852, %scan3A_765#12, %select_n3A_839 : vector<16xi1>, vector<16xf32>
    %select_n3A_854 = arith.select %or3A_852, %add3A_847, %select_n3A_840 : vector<16xi1>, vector<16xi32>
    %mul3A_855 = arith.constant 128 : i32
    %mul3A_856 = vector.broadcast %mul3A_855 : i32 to vector<16xi32>
    %mul3A_857 = arith.muli %scan3A_765#15, %mul3A_856 : vector<16xi32>
    %add3A_858 = arith.constant 112 : i32
    %add3A_859 = vector.broadcast %add3A_858 : i32 to vector<16xi32>
    %add3A_860 = arith.addi %mul3A_857, %add3A_859 : vector<16xi32>
    %add3A_861 = arith.addi %add3A_860, %iota3A : vector<16xi32>
    %gt3A_862 = arith.cmpf ogt, %scan3A_765#14, %select_n3A_853 : vector<16xf32>
    %eq3A_863 = arith.cmpf oeq, %scan3A_765#14, %select_n3A_853 : vector<16xf32>
    %lt3A_864 = arith.cmpi slt, %add3A_861, %select_n3A_854 : vector<16xi32>
    %and3A_865 = arith.andi %eq3A_863, %lt3A_864 : vector<16xi1>
    %or3A_866 = arith.ori %gt3A_862, %and3A_865 : vector<16xi1>
    %select_n3A_867 = arith.select %or3A_866, %scan3A_765#14, %select_n3A_853 : vector<16xi1>, vector<16xf32>
    %select_n3A_868 = arith.select %or3A_866, %add3A_861, %select_n3A_854 : vector<16xi1>, vector<16xi32>
    %reduce_max3A_869 = arith.constant true
    %reduce_max3A_870 = vector.broadcast %reduce_max3A_869 : i1 to vector<16xi1>
    %reduce_max3A_871 = tpu.scan <max>, %select_n3A_867 masked %reduce_max3A_870 : vector<16xf32>, vector<16xi1> -> vector<16xf32>
    %reduce_max3A_872 = vector.extract %reduce_max3A_871[15] : f32 from vector<16xf32>
    %eq3A_873 = vector.broadcast %reduce_max3A_872 : f32 to vector<16xf32>
    %eq3A_874 = arith.cmpf oeq, %select_n3A_867, %eq3A_873 : vector<16xf32>
    %jit3A_875 = arith.constant 2147483647 : i32
    %broadcast_in_dim3A_876 = vector.broadcast %jit3A_875 : i32 to vector<16xi32>
    %select_n3A_877 = arith.select %eq3A_874, %select_n3A_868, %broadcast_in_dim3A_876 : vector<16xi1>, vector<16xi32>
    %reduce_min3A_878 = arith.constant true
    %reduce_min3A_879 = vector.broadcast %reduce_min3A_878 : i1 to vector<16xi1>
    %reduce_min3A_880 = arith.constant -2147483648 : i32
    %reduce_min3A_881 = vector.broadcast %reduce_min3A_880 : i32 to vector<16xi32>
    %reduce_min3A_882 = arith.xori %select_n3A_877, %reduce_min3A_881 : vector<16xi32>
    %reduce_min3A_883 = tpu.scan <min>, %reduce_min3A_882 masked %reduce_min3A_879 : vector<16xi32>, vector<16xi1> -> vector<16xi32>
    %reduce_min3A_884 = arith.xori %reduce_min3A_883, %reduce_min3A_881 : vector<16xi32>
    %reduce_min3A_885 = vector.extract %reduce_min3A_884[15] : i32 from vector<16xi32>
    %and3A_886 = arith.constant -128 : i32
    %and3A_887 = arith.andi %and3A_886, %reduce_min3A_885 : i32
    %multiple_of3A_888 = tpu.assume_multiple %and3A_887, 128 : i32
    %sub3A_889 = arith.subi %reduce_min3A_885, %multiple_of3A_888 : i32
    %sub3A_890 = arith.constant 0 : i32
    %sub3A_891 = arith.subi %sub3A_889, %sub3A_890 : i32
    %eq3A_892 = vector.broadcast %sub3A_891 : i32 to vector<16xi32>
    %eq3A_893 = arith.cmpi eq, %iota3A, %eq3A_892 : vector<16xi32>
    %convert_element_type3A_894 = arith.extui %eq3A_893 : vector<16xi1> to vector<16xi32>
    %swap3A_895 = arith.constant 384 : index
    %swap3A_896 = tpu.vector_load %arg7[%swap3A_895] {strides = array<i32>} : memref<512xi32, #tpu.memory_space<vmem>>, vector<16xi32>,
    tpu.vector_store %arg7[%swap3A_895], %convert_element_type3A_894 {strides = array<i32>} : memref<512xi32, #tpu.memory_space<vmem>>, vector<16xi32>,
    %sub3A_897 = arith.constant 16 : i32
    %sub3A_898 = arith.subi %sub3A_889, %sub3A_897 : i32
    %eq3A_899 = vector.broadcast %sub3A_898 : i32 to vector<16xi32>
    %eq3A_900 = arith.cmpi eq, %iota3A, %eq3A_899 : vector<16xi32>
    %convert_element_type3A_901 = arith.extui %eq3A_900 : vector<16xi1> to vector<16xi32>
    %swap3A_902 = arith.constant 400 : index
    %swap3A_903 = tpu.vector_load %arg7[%swap3A_902] {strides = array<i32>} : memref<512xi32, #tpu.memory_space<vmem>>, vector<16xi32>,
    tpu.vector_store %arg7[%swap3A_902], %convert_element_type3A_901 {strides = array<i32>} : memref<512xi32, #tpu.memory_space<vmem>>, vector<16xi32>,
    %sub3A_904 = arith.constant 32 : i32
    %sub3A_905 = arith.subi %sub3A_889, %sub3A_904 : i32
    %eq3A_906 = vector.broadcast %sub3A_905 : i32 to vector<16xi32>
    %eq3A_907 = arith.cmpi eq, %iota3A, %eq3A_906 : vector<16xi32>
    %convert_element_type3A_908 = arith.extui %eq3A_907 : vector<16xi1> to vector<16xi32>
    %swap3A_909 = arith.constant 416 : index
    %swap3A_910 = tpu.vector_load %arg7[%swap3A_909] {strides = array<i32>} : memref<512xi32, #tpu.memory_space<vmem>>, vector<16xi32>,
    tpu.vector_store %arg7[%swap3A_909], %convert_element_type3A_908 {strides = array<i32>} : memref<512xi32, #tpu.memory_space<vmem>>, vector<16xi32>,
    %sub3A_911 = arith.constant 48 : i32
    %sub3A_912 = arith.subi %sub3A_889, %sub3A_911 : i32
    %eq3A_913 = vector.broadcast %sub3A_912 : i32 to vector<16xi32>
    %eq3A_914 = arith.cmpi eq, %iota3A, %eq3A_913 : vector<16xi32>
    %convert_element_type3A_915 = arith.extui %eq3A_914 : vector<16xi1> to vector<16xi32>
    %swap3A_916 = arith.constant 432 : index
    %swap3A_917 = tpu.vector_load %arg7[%swap3A_916] {strides = array<i32>} : memref<512xi32, #tpu.memory_space<vmem>>, vector<16xi32>,
    tpu.vector_store %arg7[%swap3A_916], %convert_element_type3A_915 {strides = array<i32>} : memref<512xi32, #tpu.memory_space<vmem>>, vector<16xi32>,
    %sub3A_918 = arith.constant 64 : i32
    %sub3A_919 = arith.subi %sub3A_889, %sub3A_918 : i32
    %eq3A_920 = vector.broadcast %sub3A_919 : i32 to vector<16xi32>
    %eq3A_921 = arith.cmpi eq, %iota3A, %eq3A_920 : vector<16xi32>
    %convert_element_type3A_922 = arith.extui %eq3A_921 : vector<16xi1> to vector<16xi32>
    %swap3A_923 = arith.constant 448 : index
    %swap3A_924 = tpu.vector_load %arg7[%swap3A_923] {strides = array<i32>} : memref<512xi32, #tpu.memory_space<vmem>>, vector<16xi32>,
    tpu.vector_store %arg7[%swap3A_923], %convert_element_type3A_922 {strides = array<i32>} : memref<512xi32, #tpu.memory_space<vmem>>, vector<16xi32>,
    %sub3A_925 = arith.constant 80 : i32
    %sub3A_926 = arith.subi %sub3A_889, %sub3A_925 : i32
    %eq3A_927 = vector.broadcast %sub3A_926 : i32 to vector<16xi32>
    %eq3A_928 = arith.cmpi eq, %iota3A, %eq3A_927 : vector<16xi32>
    %convert_element_type3A_929 = arith.extui %eq3A_928 : vector<16xi1> to vector<16xi32>
    %swap3A_930 = arith.constant 464 : index
    %swap3A_931 = tpu.vector_load %arg7[%swap3A_930] {strides = array<i32>} : memref<512xi32, #tpu.memory_space<vmem>>, vector<16xi32>,
    tpu.vector_store %arg7[%swap3A_930], %convert_element_type3A_929 {strides = array<i32>} : memref<512xi32, #tpu.memory_space<vmem>>, vector<16xi32>,
    %sub3A_932 = arith.constant 96 : i32
    %sub3A_933 = arith.subi %sub3A_889, %sub3A_932 : i32
    %eq3A_934 = vector.broadcast %sub3A_933 : i32 to vector<16xi32>
    %eq3A_935 = arith.cmpi eq, %iota3A, %eq3A_934 : vector<16xi32>
    %convert_element_type3A_936 = arith.extui %eq3A_935 : vector<16xi1> to vector<16xi32>
    %swap3A_937 = arith.constant 480 : index
    %swap3A_938 = tpu.vector_load %arg7[%swap3A_937] {strides = array<i32>} : memref<512xi32, #tpu.memory_space<vmem>>, vector<16xi32>,
    tpu.vector_store %arg7[%swap3A_937], %convert_element_type3A_936 {strides = array<i32>} : memref<512xi32, #tpu.memory_space<vmem>>, vector<16xi32>,
    %sub3A_939 = arith.constant 112 : i32
    %sub3A_940 = arith.subi %sub3A_889, %sub3A_939 : i32
    %eq3A_941 = vector.broadcast %sub3A_940 : i32 to vector<16xi32>
    %eq3A_942 = arith.cmpi eq, %iota3A, %eq3A_941 : vector<16xi32>
    %convert_element_type3A_943 = arith.extui %eq3A_942 : vector<16xi1> to vector<16xi32>
    %swap3A_944 = arith.constant 496 : index
    %swap3A_945 = tpu.vector_load %arg7[%swap3A_944] {strides = array<i32>} : memref<512xi32, #tpu.memory_space<vmem>>, vector<16xi32>,
    tpu.vector_store %arg7[%swap3A_944], %convert_element_type3A_943 {strides = array<i32>} : memref<512xi32, #tpu.memory_space<vmem>>, vector<16xi32>,
    %dma_wait3A_946 = arith.constant 0 : i32
    %dma_wait3A_947 = tpu.memref_slice %arg3[%add3A_19, %dma_wait3A_946] : memref<128x32768xi32, #tpu.memory_space<hbm>> -> memref<1x32768xi32, #tpu.memory_space<hbm>>
    %dma_wait3A_948 = tpu.memref_squeeze %dma_wait3A_947 : memref<1x32768xi32, #tpu.memory_space<hbm>> -> memref<32768xi32, #tpu.memory_space<hbm>>
    %dma_wait3A_949 = arith.constant 0 : i32
    %dma_wait3A_950 = tpu.memref_slice %arg3[%add3A_19, %dma_wait3A_949] : memref<128x32768xi32, #tpu.memory_space<hbm>> -> memref<1x32768xi32, #tpu.memory_space<hbm>>
    %dma_wait3A_951 = tpu.memref_squeeze %dma_wait3A_950 : memref<1x32768xi32, #tpu.memory_space<hbm>> -> memref<32768xi32, #tpu.memory_space<hbm>>
    tpu.wait_dma2 semaphore(%arg9 : memref<!tpu.dma_semaphore, #tpu.memory_space<semaphore_mem>>) src(%arg6 : memref<32768xi32, #tpu.memory_space<vmem>>) dst(%dma_wait3A_951 : memref<32768xi32, #tpu.memory_space<hbm>>)
    %dma_wait3A_952 = arith.constant 0 : i32
    %dma_wait3A_953 = tpu.memref_slice %arg3[%add3A_27, %dma_wait3A_952] : memref<128x32768xi32, #tpu.memory_space<hbm>> -> memref<1x32768xi32, #tpu.memory_space<hbm>>
    %dma_wait3A_954 = tpu.memref_squeeze %dma_wait3A_953 : memref<1x32768xi32, #tpu.memory_space<hbm>> -> memref<32768xi32, #tpu.memory_space<hbm>>
    %dma_wait3A_955 = arith.constant 0 : i32
    %dma_wait3A_956 = tpu.memref_slice %arg3[%add3A_27, %dma_wait3A_955] : memref<128x32768xi32, #tpu.memory_space<hbm>> -> memref<1x32768xi32, #tpu.memory_space<hbm>>
    %dma_wait3A_957 = tpu.memref_squeeze %dma_wait3A_956 : memref<1x32768xi32, #tpu.memory_space<hbm>> -> memref<32768xi32, #tpu.memory_space<hbm>>
    tpu.wait_dma2 semaphore(%arg9 : memref<!tpu.dma_semaphore, #tpu.memory_space<semaphore_mem>>) src(%arg6 : memref<32768xi32, #tpu.memory_space<vmem>>) dst(%dma_wait3A_957 : memref<32768xi32, #tpu.memory_space<hbm>>)
    %dma_wait3A_958 = arith.constant 0 : i32
    %dma_wait3A_959 = tpu.memref_slice %arg3[%add3A_35, %dma_wait3A_958] : memref<128x32768xi32, #tpu.memory_space<hbm>> -> memref<1x32768xi32, #tpu.memory_space<hbm>>
    %dma_wait3A_960 = tpu.memref_squeeze %dma_wait3A_959 : memref<1x32768xi32, #tpu.memory_space<hbm>> -> memref<32768xi32, #tpu.memory_space<hbm>>
    %dma_wait3A_961 = arith.constant 0 : i32
    %dma_wait3A_962 = tpu.memref_slice %arg3[%add3A_35, %dma_wait3A_961] : memref<128x32768xi32, #tpu.memory_space<hbm>> -> memref<1x32768xi32, #tpu.memory_space<hbm>>
    %dma_wait3A_963 = tpu.memref_squeeze %dma_wait3A_962 : memref<1x32768xi32, #tpu.memory_space<hbm>> -> memref<32768xi32, #tpu.memory_space<hbm>>
    tpu.wait_dma2 semaphore(%arg9 : memref<!tpu.dma_semaphore, #tpu.memory_space<semaphore_mem>>) src(%arg6 : memref<32768xi32, #tpu.memory_space<vmem>>) dst(%dma_wait3A_963 : memref<32768xi32, #tpu.memory_space<hbm>>)
    %dma_wait3A_964 = arith.constant 0 : i32
    %dma_wait3A_965 = tpu.memref_slice %arg3[%add3A_43, %dma_wait3A_964] : memref<128x32768xi32, #tpu.memory_space<hbm>> -> memref<1x32768xi32, #tpu.memory_space<hbm>>
    %dma_wait3A_966 = tpu.memref_squeeze %dma_wait3A_965 : memref<1x32768xi32, #tpu.memory_space<hbm>> -> memref<32768xi32, #tpu.memory_space<hbm>>
    %dma_wait3A_967 = arith.constant 0 : i32
    %dma_wait3A_968 = tpu.memref_slice %arg3[%add3A_43, %dma_wait3A_967] : memref<128x32768xi32, #tpu.memory_space<hbm>> -> memref<1x32768xi32, #tpu.memory_space<hbm>>
    %dma_wait3A_969 = tpu.memref_squeeze %dma_wait3A_968 : memref<1x32768xi32, #tpu.memory_space<hbm>> -> memref<32768xi32, #tpu.memory_space<hbm>>
    tpu.wait_dma2 semaphore(%arg9 : memref<!tpu.dma_semaphore, #tpu.memory_space<semaphore_mem>>) src(%arg6 : memref<32768xi32, #tpu.memory_space<vmem>>) dst(%dma_wait3A_969 : memref<32768xi32, #tpu.memory_space<hbm>>)
    %add3A_970 = arith.constant 0 : i32
    %add3A_971 = arith.addi %mul3A_2, %add3A_970 : i32
    %dma_start3A_972 = arith.constant 0 : i32
    %dma_start3A_973 = tpu.memref_slice %arg7[%dma_start3A_972] : memref<512xi32, #tpu.memory_space<vmem>> -> memref<128xi32, #tpu.memory_space<vmem>>
    %dma_start3A_974 = arith.constant 0 : i32
    %dma_start3A_975 = tpu.memref_slice %arg3[%add3A_971, %dma_start3A_974] : memref<128x32768xi32, #tpu.memory_space<hbm>> -> memref<1x32768xi32, #tpu.memory_space<hbm>>
    %dma_start3A_976 = tpu.memref_squeeze %dma_start3A_975 : memref<1x32768xi32, #tpu.memory_space<hbm>> -> memref<32768xi32, #tpu.memory_space<hbm>>
    %dma_start3A_977 = tpu.memref_slice %dma_start3A_976[%multiple_of3A] : memref<32768xi32, #tpu.memory_space<hbm>> -> memref<128xi32, #tpu.memory_space<hbm>>
    %dma_start3A_978 = arith.constant 0 : i32
    %dma_start3A_979 = tpu.memref_slice %arg3[%add3A_971, %dma_start3A_978] : memref<128x32768xi32, #tpu.memory_space<hbm>> -> memref<1x32768xi32, #tpu.memory_space<hbm>>
    %dma_start3A_980 = tpu.memref_squeeze %dma_start3A_979 : memref<1x32768xi32, #tpu.memory_space<hbm>> -> memref<32768xi32, #tpu.memory_space<hbm>>
    %dma_start3A_981 = tpu.memref_slice %dma_start3A_980[%multiple_of3A] : memref<32768xi32, #tpu.memory_space<hbm>> -> memref<128xi32, #tpu.memory_space<hbm>>
    %dma_start3A_982 = arith.constant 0 : i32
    %dma_start3A_983 = tpu.memref_slice %arg7[%dma_start3A_982] : memref<512xi32, #tpu.memory_space<vmem>> -> memref<128xi32, #tpu.memory_space<vmem>>
    tpu.enqueue_dma source(%dma_start3A_983 : memref<128xi32, #tpu.memory_space<vmem>>) target(%dma_start3A_981 : memref<128xi32, #tpu.memory_space<hbm>>) target_semaphore(%arg10 : memref<!tpu.dma_semaphore, #tpu.memory_space<semaphore_mem>>)
    %add3A_984 = arith.constant 1 : i32
    %add3A_985 = arith.addi %mul3A_2, %add3A_984 : i32
    %dma_start3A_986 = arith.constant 128 : i32
    %dma_start3A_987 = tpu.memref_slice %arg7[%dma_start3A_986] : memref<512xi32, #tpu.memory_space<vmem>> -> memref<128xi32, #tpu.memory_space<vmem>>
    %dma_start3A_988 = arith.constant 0 : i32
    %dma_start3A_989 = tpu.memref_slice %arg3[%add3A_985, %dma_start3A_988] : memref<128x32768xi32, #tpu.memory_space<hbm>> -> memref<1x32768xi32, #tpu.memory_space<hbm>>
    %dma_start3A_990 = tpu.memref_squeeze %dma_start3A_989 : memref<1x32768xi32, #tpu.memory_space<hbm>> -> memref<32768xi32, #tpu.memory_space<hbm>>
    %dma_start3A_991 = tpu.memref_slice %dma_start3A_990[%multiple_of3A_442] : memref<32768xi32, #tpu.memory_space<hbm>> -> memref<128xi32, #tpu.memory_space<hbm>>
    %dma_start3A_992 = arith.constant 0 : i32
    %dma_start3A_993 = tpu.memref_slice %arg3[%add3A_985, %dma_start3A_992] : memref<128x32768xi32, #tpu.memory_space<hbm>> -> memref<1x32768xi32, #tpu.memory_space<hbm>>
    %dma_start3A_994 = tpu.memref_squeeze %dma_start3A_993 : memref<1x32768xi32, #tpu.memory_space<hbm>> -> memref<32768xi32, #tpu.memory_space<hbm>>
    %dma_start3A_995 = tpu.memref_slice %dma_start3A_994[%multiple_of3A_442] : memref<32768xi32, #tpu.memory_space<hbm>> -> memref<128xi32, #tpu.memory_space<hbm>>
    %dma_start3A_996 = arith.constant 128 : i32
    %dma_start3A_997 = tpu.memref_slice %arg7[%dma_start3A_996] : memref<512xi32, #tpu.memory_space<vmem>> -> memref<128xi32, #tpu.memory_space<vmem>>
    tpu.enqueue_dma source(%dma_start3A_997 : memref<128xi32, #tpu.memory_space<vmem>>) target(%dma_start3A_995 : memref<128xi32, #tpu.memory_space<hbm>>) target_semaphore(%arg10 : memref<!tpu.dma_semaphore, #tpu.memory_space<semaphore_mem>>)
    %add3A_998 = arith.constant 2 : i32
    %add3A_999 = arith.addi %mul3A_2, %add3A_998 : i32
    %dma_start3A_1000 = arith.constant 256 : i32
    %dma_start3A_1001 = tpu.memref_slice %arg7[%dma_start3A_1000] : memref<512xi32, #tpu.memory_space<vmem>> -> memref<128xi32, #tpu.memory_space<vmem>>
    %dma_start3A_1002 = arith.constant 0 : i32
    %dma_start3A_1003 = tpu.memref_slice %arg3[%add3A_999, %dma_start3A_1002] : memref<128x32768xi32, #tpu.memory_space<hbm>> -> memref<1x32768xi32, #tpu.memory_space<hbm>>
    %dma_start3A_1004 = tpu.memref_squeeze %dma_start3A_1003 : memref<1x32768xi32, #tpu.memory_space<hbm>> -> memref<32768xi32, #tpu.memory_space<hbm>>
    %dma_start3A_1005 = tpu.memref_slice %dma_start3A_1004[%multiple_of3A_665] : memref<32768xi32, #tpu.memory_space<hbm>> -> memref<128xi32, #tpu.memory_space<hbm>>
    %dma_start3A_1006 = arith.constant 0 : i32
    %dma_start3A_1007 = tpu.memref_slice %arg3[%add3A_999, %dma_start3A_1006] : memref<128x32768xi32, #tpu.memory_space<hbm>> -> memref<1x32768xi32, #tpu.memory_space<hbm>>
    %dma_start3A_1008 = tpu.memref_squeeze %dma_start3A_1007 : memref<1x32768xi32, #tpu.memory_space<hbm>> -> memref<32768xi32, #tpu.memory_space<hbm>>
    %dma_start3A_1009 = tpu.memref_slice %dma_start3A_1008[%multiple_of3A_665] : memref<32768xi32, #tpu.memory_space<hbm>> -> memref<128xi32, #tpu.memory_space<hbm>>
    %dma_start3A_1010 = arith.constant 256 : i32
    %dma_start3A_1011 = tpu.memref_slice %arg7[%dma_start3A_1010] : memref<512xi32, #tpu.memory_space<vmem>> -> memref<128xi32, #tpu.memory_space<vmem>>
    tpu.enqueue_dma source(%dma_start3A_1011 : memref<128xi32, #tpu.memory_space<vmem>>) target(%dma_start3A_1009 : memref<128xi32, #tpu.memory_space<hbm>>) target_semaphore(%arg10 : memref<!tpu.dma_semaphore, #tpu.memory_space<semaphore_mem>>)
    %add3A_1012 = arith.constant 3 : i32
    %add3A_1013 = arith.addi %mul3A_2, %add3A_1012 : i32
    %dma_start3A_1014 = arith.constant 384 : i32
    %dma_start3A_1015 = tpu.memref_slice %arg7[%dma_start3A_1014] : memref<512xi32, #tpu.memory_space<vmem>> -> memref<128xi32, #tpu.memory_space<vmem>>
    %dma_start3A_1016 = arith.constant 0 : i32
    %dma_start3A_1017 = tpu.memref_slice %arg3[%add3A_1013, %dma_start3A_1016] : memref<128x32768xi32, #tpu.memory_space<hbm>> -> memref<1x32768xi32, #tpu.memory_space<hbm>>
    %dma_start3A_1018 = tpu.memref_squeeze %dma_start3A_1017 : memref<1x32768xi32, #tpu.memory_space<hbm>> -> memref<32768xi32, #tpu.memory_space<hbm>>
    %dma_start3A_1019 = tpu.memref_slice %dma_start3A_1018[%multiple_of3A_888] : memref<32768xi32, #tpu.memory_space<hbm>> -> memref<128xi32, #tpu.memory_space<hbm>>
    %dma_start3A_1020 = arith.constant 0 : i32
    %dma_start3A_1021 = tpu.memref_slice %arg3[%add3A_1013, %dma_start3A_1020] : memref<128x32768xi32, #tpu.memory_space<hbm>> -> memref<1x32768xi32, #tpu.memory_space<hbm>>
    %dma_start3A_1022 = tpu.memref_squeeze %dma_start3A_1021 : memref<1x32768xi32, #tpu.memory_space<hbm>> -> memref<32768xi32, #tpu.memory_space<hbm>>
    %dma_start3A_1023 = tpu.memref_slice %dma_start3A_1022[%multiple_of3A_888] : memref<32768xi32, #tpu.memory_space<hbm>> -> memref<128xi32, #tpu.memory_space<hbm>>
    %dma_start3A_1024 = arith.constant 384 : i32
    %dma_start3A_1025 = tpu.memref_slice %arg7[%dma_start3A_1024] : memref<512xi32, #tpu.memory_space<vmem>> -> memref<128xi32, #tpu.memory_space<vmem>>
    tpu.enqueue_dma source(%dma_start3A_1025 : memref<128xi32, #tpu.memory_space<vmem>>) target(%dma_start3A_1023 : memref<128xi32, #tpu.memory_space<hbm>>) target_semaphore(%arg10 : memref<!tpu.dma_semaphore, #tpu.memory_space<semaphore_mem>>)
    %dma_wait3A_1026 = arith.constant 0 : i32
    %dma_wait3A_1027 = tpu.memref_slice %arg7[%dma_wait3A_1026] : memref<512xi32, #tpu.memory_space<vmem>> -> memref<128xi32, #tpu.memory_space<vmem>>
    %dma_wait3A_1028 = arith.constant 0 : i32
    %dma_wait3A_1029 = tpu.memref_slice %arg3[%add3A_971, %dma_wait3A_1028] : memref<128x32768xi32, #tpu.memory_space<hbm>> -> memref<1x32768xi32, #tpu.memory_space<hbm>>
    %dma_wait3A_1030 = tpu.memref_squeeze %dma_wait3A_1029 : memref<1x32768xi32, #tpu.memory_space<hbm>> -> memref<32768xi32, #tpu.memory_space<hbm>>
    %dma_wait3A_1031 = tpu.memref_slice %dma_wait3A_1030[%multiple_of3A] : memref<32768xi32, #tpu.memory_space<hbm>> -> memref<128xi32, #tpu.memory_space<hbm>>
    %dma_wait3A_1032 = arith.constant 0 : i32
    %dma_wait3A_1033 = tpu.memref_slice %arg3[%add3A_971, %dma_wait3A_1032] : memref<128x32768xi32, #tpu.memory_space<hbm>> -> memref<1x32768xi32, #tpu.memory_space<hbm>>
    %dma_wait3A_1034 = tpu.memref_squeeze %dma_wait3A_1033 : memref<1x32768xi32, #tpu.memory_space<hbm>> -> memref<32768xi32, #tpu.memory_space<hbm>>
    %dma_wait3A_1035 = tpu.memref_slice %dma_wait3A_1034[%multiple_of3A] : memref<32768xi32, #tpu.memory_space<hbm>> -> memref<128xi32, #tpu.memory_space<hbm>>
    %dma_wait3A_1036 = arith.constant 0 : i32
    %dma_wait3A_1037 = tpu.memref_slice %arg7[%dma_wait3A_1036] : memref<512xi32, #tpu.memory_space<vmem>> -> memref<128xi32, #tpu.memory_space<vmem>>
    tpu.wait_dma2 semaphore(%arg10 : memref<!tpu.dma_semaphore, #tpu.memory_space<semaphore_mem>>) src(%dma_wait3A_1037 : memref<128xi32, #tpu.memory_space<vmem>>) dst(%dma_wait3A_1035 : memref<128xi32, #tpu.memory_space<hbm>>)
    %dma_wait3A_1038 = arith.constant 128 : i32
    %dma_wait3A_1039 = tpu.memref_slice %arg7[%dma_wait3A_1038] : memref<512xi32, #tpu.memory_space<vmem>> -> memref<128xi32, #tpu.memory_space<vmem>>
    %dma_wait3A_1040 = arith.constant 0 : i32
    %dma_wait3A_1041 = tpu.memref_slice %arg3[%add3A_985, %dma_wait3A_1040] : memref<128x32768xi32, #tpu.memory_space<hbm>> -> memref<1x32768xi32, #tpu.memory_space<hbm>>
    %dma_wait3A_1042 = tpu.memref_squeeze %dma_wait3A_1041 : memref<1x32768xi32, #tpu.memory_space<hbm>> -> memref<32768xi32, #tpu.memory_space<hbm>>
    %dma_wait3A_1043 = tpu.memref_slice %dma_wait3A_1042[%multiple_of3A_442] : memref<32768xi32, #tpu.memory_space<hbm>> -> memref<128xi32, #tpu.memory_space<hbm>>
    %dma_wait3A_1044 = arith.constant 0 : i32
    %dma_wait3A_1045 = tpu.memref_slice %arg3[%add3A_985, %dma_wait3A_1044] : memref<128x32768xi32, #tpu.memory_space<hbm>> -> memref<1x32768xi32, #tpu.memory_space<hbm>>
    %dma_wait3A_1046 = tpu.memref_squeeze %dma_wait3A_1045 : memref<1x32768xi32, #tpu.memory_space<hbm>> -> memref<32768xi32, #tpu.memory_space<hbm>>
    %dma_wait3A_1047 = tpu.memref_slice %dma_wait3A_1046[%multiple_of3A_442] : memref<32768xi32, #tpu.memory_space<hbm>> -> memref<128xi32, #tpu.memory_space<hbm>>
    %dma_wait3A_1048 = arith.constant 128 : i32
    %dma_wait3A_1049 = tpu.memref_slice %arg7[%dma_wait3A_1048] : memref<512xi32, #tpu.memory_space<vmem>> -> memref<128xi32, #tpu.memory_space<vmem>>
    tpu.wait_dma2 semaphore(%arg10 : memref<!tpu.dma_semaphore, #tpu.memory_space<semaphore_mem>>) src(%dma_wait3A_1049 : memref<128xi32, #tpu.memory_space<vmem>>) dst(%dma_wait3A_1047 : memref<128xi32, #tpu.memory_space<hbm>>)
    %dma_wait3A_1050 = arith.constant 256 : i32
    %dma_wait3A_1051 = tpu.memref_slice %arg7[%dma_wait3A_1050] : memref<512xi32, #tpu.memory_space<vmem>> -> memref<128xi32, #tpu.memory_space<vmem>>
    %dma_wait3A_1052 = arith.constant 0 : i32
    %dma_wait3A_1053 = tpu.memref_slice %arg3[%add3A_999, %dma_wait3A_1052] : memref<128x32768xi32, #tpu.memory_space<hbm>> -> memref<1x32768xi32, #tpu.memory_space<hbm>>
    %dma_wait3A_1054 = tpu.memref_squeeze %dma_wait3A_1053 : memref<1x32768xi32, #tpu.memory_space<hbm>> -> memref<32768xi32, #tpu.memory_space<hbm>>
    %dma_wait3A_1055 = tpu.memref_slice %dma_wait3A_1054[%multiple_of3A_665] : memref<32768xi32, #tpu.memory_space<hbm>> -> memref<128xi32, #tpu.memory_space<hbm>>
    %dma_wait3A_1056 = arith.constant 0 : i32
    %dma_wait3A_1057 = tpu.memref_slice %arg3[%add3A_999, %dma_wait3A_1056] : memref<128x32768xi32, #tpu.memory_space<hbm>> -> memref<1x32768xi32, #tpu.memory_space<hbm>>
    %dma_wait3A_1058 = tpu.memref_squeeze %dma_wait3A_1057 : memref<1x32768xi32, #tpu.memory_space<hbm>> -> memref<32768xi32, #tpu.memory_space<hbm>>
    %dma_wait3A_1059 = tpu.memref_slice %dma_wait3A_1058[%multiple_of3A_665] : memref<32768xi32, #tpu.memory_space<hbm>> -> memref<128xi32, #tpu.memory_space<hbm>>
    %dma_wait3A_1060 = arith.constant 256 : i32
    %dma_wait3A_1061 = tpu.memref_slice %arg7[%dma_wait3A_1060] : memref<512xi32, #tpu.memory_space<vmem>> -> memref<128xi32, #tpu.memory_space<vmem>>
    tpu.wait_dma2 semaphore(%arg10 : memref<!tpu.dma_semaphore, #tpu.memory_space<semaphore_mem>>) src(%dma_wait3A_1061 : memref<128xi32, #tpu.memory_space<vmem>>) dst(%dma_wait3A_1059 : memref<128xi32, #tpu.memory_space<hbm>>)
    %dma_wait3A_1062 = arith.constant 384 : i32
    %dma_wait3A_1063 = tpu.memref_slice %arg7[%dma_wait3A_1062] : memref<512xi32, #tpu.memory_space<vmem>> -> memref<128xi32, #tpu.memory_space<vmem>>
    %dma_wait3A_1064 = arith.constant 0 : i32
    %dma_wait3A_1065 = tpu.memref_slice %arg3[%add3A_1013, %dma_wait3A_1064] : memref<128x32768xi32, #tpu.memory_space<hbm>> -> memref<1x32768xi32, #tpu.memory_space<hbm>>
    %dma_wait3A_1066 = tpu.memref_squeeze %dma_wait3A_1065 : memref<1x32768xi32, #tpu.memory_space<hbm>> -> memref<32768xi32, #tpu.memory_space<hbm>>
    %dma_wait3A_1067 = tpu.memref_slice %dma_wait3A_1066[%multiple_of3A_888] : memref<32768xi32, #tpu.memory_space<hbm>> -> memref<128xi32, #tpu.memory_space<hbm>>
    %dma_wait3A_1068 = arith.constant 0 : i32
    %dma_wait3A_1069 = tpu.memref_slice %arg3[%add3A_1013, %dma_wait3A_1068] : memref<128x32768xi32, #tpu.memory_space<hbm>> -> memref<1x32768xi32, #tpu.memory_space<hbm>>
    %dma_wait3A_1070 = tpu.memref_squeeze %dma_wait3A_1069 : memref<1x32768xi32, #tpu.memory_space<hbm>> -> memref<32768xi32, #tpu.memory_space<hbm>>
    %dma_wait3A_1071 = tpu.memref_slice %dma_wait3A_1070[%multiple_of3A_888] : memref<32768xi32, #tpu.memory_space<hbm>> -> memref<128xi32, #tpu.memory_space<hbm>>
    %dma_wait3A_1072 = arith.constant 384 : i32
    %dma_wait3A_1073 = tpu.memref_slice %arg7[%dma_wait3A_1072] : memref<512xi32, #tpu.memory_space<vmem>> -> memref<128xi32, #tpu.memory_space<vmem>>
    tpu.wait_dma2 semaphore(%arg10 : memref<!tpu.dma_semaphore, #tpu.memory_space<semaphore_mem>>) src(%dma_wait3A_1073 : memref<128xi32, #tpu.memory_space<vmem>>) dst(%dma_wait3A_1071 : memref<128xi32, #tpu.memory_space<hbm>>)
    return
  }
}

</mosaic_0001>

<sc_bundles>
// kernel: _hardmax_sc.3.cloned.1.call-start
scs
__scs_entry_jumppad:
0x0: {  	(pc) =	sbr.rel $0x88, $3  }
0x1: {  	(tag) =	ssettag $0x0;
	lr =	simm.s32 $0x1  }
0x2: {  	[smem:$0x3FA0] =	sst lr;
	_ =	strace $0xD0000000  }
0x3: {  	_ = 	snop  }
0x4: {  	_ = 	snop  }
0x5: {  	_ = 	snop  }
0x6: {  	_ = 	snop  }
0x7: {  	_ = 	snop  }
__scs_overlays_trampoline_lowered:
0x8: {  	[smem:$0x3FAF] =	sst s0  }
0x9: {  	[smem:$0x3FB0] =	sst s1  }
0xa: {  	[smem:$0x3FB1] =	sst s2  }
0xb: {  	[smem:$0x3FB2] =	sst s3  }
0xc: {  	[smem:$0x3FB3] =	sst s4  }
0xd: {  	[smem:$0x3FB4] =	sst s5  }
0xe: {  	[smem:$0x3FB5] =	sst s6  }
0xf: {  	[smem:$0x3FB6] =	sst s7  }
0x10: {  	[smem:$0x3FB7] =	sst s8  }
0x11: {  	[smem:$0x3FB8] =	sst s9;
	s0 =	simm.s32 @!p0 $0x0  }
0x12: {  	s1 =	sld [smem:$0x3F9E];
	s0 =	simm.s32 @p0 $0x1  }
0x13: {  	[smem:$0x3FB9] =	sst s0;
	s0 =	simm.s32 @!p1 $0x0  }
0x14: {  	s2 =	sld [smem:$0x3F9D];
	s0 =	simm.s32 @p1 $0x1  }
0x15: {  	[smem:$0x3FBA] =	sst s0;
	s0 =	simm.s32 @!p2 $0x0  }
0x16: {  	s3 =	sld [smem:$0x3FDB];
	s0 =	simm.s32 @p2 $0x1  }
0x17: {  	s4 =	simm.s32 $0x1BF5;
	[smem:$0x3FBC] =	sst s0  }
0x18: {  	s0 =	sld [smem:$0x3F9F];
	_ =	swait.ge [sflag:s4], $0x0  }
0x19: {  	s7 =	sld [smem:$0x3FA0]  }
0x1a: {  	s8 =	sadd.s32 $0xFFFFE003, lr  }
0x1b: {  	s9 =	sadd.s32 $0xFFFFFEF7, lr;
	s5 =	simm.s32 $0xFFFFFFFF;
	p2 =	slt.u32 s8, $0xFFFFF086  }
0x1c: {  	p1 =	slt.u32 s9, $0xF7A;
	s5 =	simm.s32 @!p2 $0x0  }
0x1d: {  	s5 =	simm.s32 @p1 $0x1;
	p0 =	seq.s32 s7, s2  }
0x1e: {  	s7 =	smul.u32 @!p0 $0xF7A, s2;
	p2 =	seq.s32 @!p0 s5, $0x0  }
0x1f: {  	s9 =	smul.u32 $0xF7A, s1;
	s8 =	simm.s32 @!p0 $0x1BF5;
	p2 =	por !p2, p0  }
0x20: {  	[sflag:s8] =	ssyncset.s32 @!p0 $0xFFFFF086;
	s6 =	sadd.s32 @!p0 s3, s7;
	s7 =	simm.s32 @!p0 $0x108  }
0x21: {  	s3 =	sadd.s32 s3, s9;
	s6 =	sadd.s32 @!p0 $0x88, s6;
	s7 =	simm.s32 @p2 $0x1082  }
0x22: {  	[simem:s7], [sflag:s8] =	dma.local @!p0 [hbm:s6], $0xF7A  }
0x23: {  	s9 =	sor.u32 $0xD0000000, s2;
	s6 =	simm.s32 $0x108;
	_ =	swait.ge @!p0 [sflag:s8], $0x0  }
0x24: {  	s3 =	sadd.s32 $0x88, s3;
	s6 =	simm.s32 @!p1 $0x1082;
	[sflag:s4] =	ssyncset.s32 $0xFFFFF086  }
0x25: {  	[simem:s6], [sflag:s4] =	dma.local [hbm:s3], $0xF7A  }
0x26: {  	[smem:$0x3FA0] =	sst s1;
	(tag) =	ssettag s2;
	_ =	strace s9  }
0x27: {  	s1 =	sld [smem:$0x3FB0]  }
0x28: {  	s2 =	sld [smem:$0x3FB1]  }
0x29: {  	s4 =	sld [smem:$0x3FB3]  }
0x2a: {  	p0 =	seq.s32 s5, $0x0;
	s5 =	sld [smem:$0x3FB4]  }
0x2b: {  	s6 =	sld [smem:$0x3FB5]  }
0x2c: {  	s7 =	sld [smem:$0x3FB6]  }
0x2d: {  	s3 =	simm.s32 $0x108;
	s8 =	sld [smem:$0x3FB7]  }
0x2e: {  	s3 =	simm.s32 @!p0 $0x1082;
	s9 =	sld [smem:$0x3FB8]  }
0x2f: {  	lr =	sadd.s32 s0, s3;
	s0 =	sld [smem:$0x3FAF]  }
0x30: {  	s3 =	sld [smem:$0x3FB2]  }
0x31: {  	[smem:$0x3FBB] =	sst s10  }
0x32: {  	s10 =	sld [smem:$0x3FB9];
	_ =	sdelay $0x3  }
0x33: {  	p0 =	seq.s32 s10, $0x1;
	s10 =	sld [smem:$0x3FBB];
	_ =	sdelay $0x3  }
0x34: {  	[smem:$0x3FBB] =	sst s10  }
0x35: {  	s10 =	sld [smem:$0x3FBA];
	_ =	sdelay $0x3  }
0x36: {  	p1 =	seq.s32 s10, $0x1;
	s10 =	sld [smem:$0x3FBB];
	_ =	sdelay $0x3  }
0x37: {  	[smem:$0x3FBB] =	sst s10  }
0x38: {  	s10 =	sld [smem:$0x3FBC]  }
0x39: {  	_ = 	snop;
	(pc) =	sbr.ind lr, $3  }
0x3a: {  	_ = 	snop  }
0x3b: {  	_ = 	snop  }
0x3c: {  	p2 =	seq.s32 s10, $0x1;
	s10 =	sld [smem:$0x3FBB]  }
0x3d: {  	_ =	shalt  }
0x3e: {  	_ =	shalt  }
0x3f: {  	_ =	shalt  }
0x40: {  	_ =	shalt  }
0x41: {  	_ =	shalt  }
0x42: {  	_ =	shalt  }
0x43: {  	_ =	shalt  }
0x44: {  	_ =	shalt  }
0x45: {  	_ =	shalt  }
0x46: {  	_ =	shalt  }
0x47: {  	_ =	shalt  }
0x48: {  	_ =	shalt  }
0x49: {  	_ =	shalt  }
0x4a: {  	_ =	shalt  }
0x4b: {  	_ =	shalt  }
0x4c: {  	_ =	shalt  }
0x4d: {  	_ =	shalt  }
0x4e: {  	_ =	shalt  }
0x4f: {  	_ =	shalt  }
0x50: {  	_ =	shalt  }
0x51: {  	_ =	shalt  }
0x52: {  	_ =	shalt  }
0x53: {  	_ =	shalt  }
0x54: {  	_ =	shalt  }
0x55: {  	_ =	shalt  }
0x56: {  	_ =	shalt  }
0x57: {  	_ =	shalt  }
0x58: {  	_ =	shalt  }
0x59: {  	_ =	shalt  }
0x5a: {  	_ =	shalt  }
0x5b: {  	_ =	shalt  }
0x5c: {  	_ =	shalt  }
0x5d: {  	_ =	shalt  }
0x5e: {  	_ =	shalt  }
0x5f: {  	_ =	shalt  }
0x60: {  	_ =	shalt  }
0x61: {  	_ =	shalt  }
0x62: {  	_ =	shalt  }
0x63: {  	_ =	shalt  }
0x64: {  	_ =	shalt  }
0x65: {  	_ =	shalt  }
0x66: {  	_ =	shalt  }
0x67: {  	_ =	shalt  }
0x68: {  	_ =	shalt  }
0x69: {  	_ =	shalt  }
0x6a: {  	_ =	shalt  }
0x6b: {  	_ =	shalt  }
0x6c: {  	_ =	shalt  }
0x6d: {  	_ =	shalt  }
0x6e: {  	_ =	shalt  }
0x6f: {  	_ =	shalt  }
0x70: {  	_ =	shalt  }
0x71: {  	_ =	shalt  }
0x72: {  	_ =	shalt  }
0x73: {  	_ =	shalt  }
0x74: {  	_ =	shalt  }
0x75: {  	_ =	shalt  }
0x76: {  	_ =	shalt  }
0x77: {  	_ =	shalt  }
0x78: {  	_ =	shalt  }
0x79: {  	_ =	shalt  }
0x7a: {  	_ =	shalt  }
0x7b: {  	_ =	shalt  }
0x7c: {  	_ =	shalt  }
0x7d: {  	_ =	shalt  }
0x7e: {  	_ =	shalt  }
0x7f: {  	_ =	shalt  }
0x80: {  	_ =	shalt  }
0x81: {  	_ =	shalt  }
0x82: {  	_ =	shalt  }
0x83: {  	_ =	shalt  }
0x84: {  	_ =	shalt  }
0x85: {  	_ =	shalt  }
0x86: {  	_ =	shalt  }
0x87: {  	_ =	shalt  }
.Lfunc_end0:
.L_simem_size_0:
called_computation_lowered:
.L_overlay_start_0:
0x88: {  	s2 =	sld [smem:$0x3FD9]  }
0x89: {  	s3 =	sld [smem:$0x3FFE];
	_ =	sdelay $0x1  }
0x8a: {  	s1 =	srdreg.scid  }
0x8b: {  	s0 =	sand.u32 $0x1, s1  }
0x8c: {  	s18 =	sshll.u32 s0, $0xA;
	s2 =	sadd.s32 s3, s2  }
0x8d: {  	s2 =	sadd.s32 s2, s18  }
0x8e: {  	[smem:$0x3FC7] =	sst s2  }
0x8f: {  	_ = 	snop  }
0x90: {  	s2 =	sld [smem:$0x3FC9]  }
0x91: {  	s19 =	sld [smem:$0x3FD0];
	(tm) =	ssettm $0x1  }
0x92: {  	s4 =	sld [smem:$0x3FFB];
	_ =	sdelay $0x3  }
0x93: {  	_ =	strace s4  }
0x94: {  	s4 =	sld [smem:$0x3FFC];
	_ =	sdelay $0x3  }
0x95: {  	_ =	strace s4  }
0x96: {  	s4 =	sld [smem:$0x3FFD];
	_ =	sdelay $0x3  }
0x97: {  	_ =	strace s4  }
0x98: {  	_ =	strace $0x8FFFFFFF  }
0x99: {  	s20 =	sld [smem:$0x3FDB];
	_ =	sdelay $0x1  }
0x9a: {  	s5 =	simm.s32 $_scs_section_size  }
0x9b: {  	s6 =	simm.s32 $_size__tile_overlayer_lowered;
	s7 =	simm.s32 $_tile_overlayer_lowered  }
0x9c: {  	s23 =	simm.s32 $0x1BFF;
	s22 =	sshll.u32 s7, $0x1;
	s4 =	sadd.s32 s5, s20  }
0x9d: {  	s8 =	simm.s32 $0x0;
	s21 =	sshll.u32 s6, $0x1;
	s6 =	sadd.s32 s22, s4  }
0x9e: {  	[timem:s8], [sflag:s23] =	dma.local [hbm:s6], s21  }
0x9f: {  	_ =	swait.ge [sflag:s23], s21  }
0xa0: {  	s5 =	ssub.s32 $0x0, s21;
	[sflag:s23] =	ssyncset.done $0x0  }
0xa1: {  	[sflag:s23] =	ssyncadd.s32 s5;
	_ =	sdelay $0x1  }
0xa2: {  	s24 =	simm.s32 $0x1B8B  }
0xa3: {  	_ =	swait.ge [sflag:s24], $0x1  }
0xa4: {  	[sflag:s24] =	ssyncset.done $0x0  }
0xa5: {  	s25 =	simm.s32 $0x1B8E;
	[sflag:s24] =	ssyncadd.s32 $0xFFFFFFFF  }
0xa6: {  	s26 =	simm.s32 $execute0_lowered;
	[smem:$0x3FD2] =	sst s25  }
0xa7: {  	s5 =	sshll.u32 s26, $0x1;
	_ =	strace $0x80000046;
	[dreg:$0x1] =	wrdreg $0xFFFFFFFF  }
0xa8: {  	s28 =	simm.s32 $_size_execute0_lowered;
	s4 =	sadd.s32 s4, s5;
	[dreg:$0x0] =	wrdreg $0x0  }
0xa9: {  	s5 =	sshll.u32 s28, $0x1;
	[dreg:$0x2] =	wrdreg s4  }
0xaa: {  	[dreg:$0x3] =	wrdreg s5  }
0xab: {  	[dreg:$0x4] =	wrdreg $0xC0  }
0xac: {  	_ =	task [dreg:s8], $0x5FFFF  }
0xad: {  	[dreg:$0x1] =	wrdreg $0xFFFFFFFF  }
0xae: {  	[dreg:$0x0] =	wrdreg $0x60  }
0xaf: {  	[dreg:$0x2] =	wrdreg s2  }
0xb0: {  	[dreg:$0x3] =	wrdreg s19  }
0xb1: {  	[dreg:$0x4] =	wrdreg $0x9  }
0xb2: {  	_ =	task.clear_ibuf [dreg:s8], $0x5FFFF;
	_ =	strace $0x90000046  }
0xb3: {  	s29 =	simm.s32 $0x9;
	_ =	strace $0x80000048  }
0xb4: {  	_ =	swait.ge [sflag:s29], $0x1  }
0xb5: {  	[sflag:s29] =	ssyncadd.s32 $0xFFFFFFFF  }
0xb6: {  	_ =	strace $0x90000048  }
0xb7: {  	_ =	sfence  }
0xb8: {  	s30 =	sld [smem:$0x0];
	_ =	sdelay $0x2  }
0xb9: {  	s31 =	sshll.u32 s1, $0xD;
	s1 =	sshrl.u32 s1, $0x2  }
0xba: {  	s3 =	sand.u32 $0x4000, s31;
	s1 =	sadd.s32 s1, s30  }
0xbb: {  	s0 =	sor.u32 s3, s0;
	s1 =	sshll.u32 s1, $0x11  }
0xbc: {  	s0 =	sor.u32 s1, s0  }
0xbd: {  	s0 =	sadd.s32 $0x8F2B, s0  }
0xbe: {  	[sflag:s0] =	ssyncadd.remote.s32 $0x1  }
0xbf: {  	_ =	sfence.sel $0xFFFF  }
0xc0: {  	[dreg:$0x0] =	wrdreg $0xFFFFFFFF;
	(pc) =	sbr.abs _section_cstart, $3  }
0xc1: {  	[dreg:$0x1] =	wrdreg $0xFFFFFFFF  }
0xc2: {  	_ =	task.clear_ibuf [dreg:s8], $0x2FFFF;
	_ =	strace $0x9FFFFFFF  }
0xc3: {  	(tm) =	ssettm $0x7FFFFFFF  }
tec
execute0_lowered:
.L_overlay_start_1:
0x0: {  	(tag) =	ssettag $0x1  }
0x1: {  	s10 =	rddreg [dreg:$0x0]  }
0x2: {  	s8 =	rddreg [dreg:$0x1];
	s2 =	srdreg.scid  }
0x3: {  	s0 =	rddreg [dreg:$0x2];
	s1 =	stileid.u32;
	s13 =	simm.s32 $0x400  }
0x4: {  	s14 =	simm.s32 $0x8000;
	s15 =	simm.s32 $0x10000;
	s16 =	simm.s32 $0x1  }
0x5: {  	s17 =	simm.s32 $0x2;
	s18 =	simm.s32 $0x18000;
	s19 =	simm.s32 $0x18080  }
0x6: {  	s20 =	simm.s32 $0x18100;
	s21 =	simm.s32 $0x18180;
	s22 =	simm.s32 $0x3  }
0x7: {  	s23 =	simm.s32 $0x0;
	s3 =	sand.u32 $0x1, s2;
	s2 =	simm.s32 $0x0  }
0x8: {  	s4 =	sshll.u32 s1, $0xF;
	s5 =	sshll.u32 s3, $0x6;
	s3 =	ssub.s32 $0x2, s3  }
0x9: {  	[smem:$0x7FF] =	sst s2;
	s6 =	sor.u32 s5, s4;
	s31 =	sshrl.u32 s3, $0x1  }
0xa: {  	_ =	strace $0x80000047;
	s7 =	sor.u32 $0x10, s6;
	s11 =	ssub.s32 s3, s31  }
0xb: {  	v0 =	vlaneseq.u32;
	s3 =	sadd.s32 s10, s6;
	s5 =	sadd.s32 s8, s6;
	s9 =	sor.u32 $0x20, s6  }
0xc: {  	v1 =	vimm.s32 $0x0;
	v2 =	vor.u32 $0x10, v0;
	s12 =	sor.u32 $0x30, s6;
	s4 =	sadd.s32 s10, s7;
	s6 =	sadd.s32 s8, s7  }
0xd: {  	v3 =	vor.u32 $0x20, v0;
	v4 =	vor.u32 $0x30, v0;
	v5 =	vor.u32 $0x40, v0;
	s7 =	sadd.s32 s8, s9;
	s8 =	sadd.s32 s8, s12;
	s9 =	sadd.s32 s10, s9  }
0xe: {  	v6 =	vor.u32 $0x50, v0;
	v7 =	vor.u32 $0x60, v0;
	v8 =	vor.u32 $0x70, v0;
	s10 =	sadd.s32 s10, s12;
	s11 =	smax.u32 s11, $0x1;
	s12 =	simm.s32 $0x80  }
.LBB2_1:
0xf: {  	[tilespmem:s2], [sflag:$0x1] =	stream.strided.gather [hbm4b:s3+s12], $0x8000, s13, s12, $0x38;
	[tilespmem:$0x18200] =	vst v63  }
0x10: {  	s24 =	simm.s32 $0x10040  }
0x11: {  	[tilespmem:s14], [sflag:$0x1] =	stream.strided.gather [hbm4b:s4+s12], $0x8000, s13, s12, $0x38;
	[tilespmem:$0x18200] =	vst v63  }
0x12: {  	[tilespmem:s24+$0xFFFFFFC0] =	vst v1  }
0x13: {  	[tilespmem:s24+$0x30] =	vst v1  }
0x14: {  	[tilespmem:s24+$0x20] =	vst v1  }
0x15: {  	[tilespmem:s24+$0x10] =	vst v1  }
0x16: {  	[tilespmem:s24+$0x0] =	vst v1  }
0x17: {  	[tilespmem:s24+$0xFFFFFFF0] =	vst v1  }
0x18: {  	s25 =	simm.s32 $0x0;
	[tilespmem:s24+$0xFFFFFFE0] =	vst v1  }
.LBB2_2:
0x19: {  	s25 =	sadd.s32 $0x8, s25;
	[tilespmem:s24+$0xFFFFFFD0] =	vst v1;
	s24 =	sadd.s32 $0x80, s24  }
0x1a: {  	[tilespmem:s24+$0xFFFFFFC0] =	vst v1;
	p0 =	slt.u32 s25, $0x7F8  }
0x1b: {  	[tilespmem:s24+$0x30] =	vst v1  }
.Ltmp0:
0x1c: {  	[tilespmem:s24+$0x20] =	vst v1;
	(pc) =	sbr.rel @p0 .LBB2_2-.Ltmp0, $4  }
0x1d: {  	[tilespmem:s24+$0x10] =	vst v1  }
0x1e: {  	[tilespmem:s24+$0x0] =	vst v1  }
0x1f: {  	[tilespmem:s24+$0xFFFFFFF0] =	vst v1  }
0x20: {  	[tilespmem:s24+$0xFFFFFFE0] =	vst v1  }
0x21: {  	[tilespmem:s24+$0xFFFFFFD0] =	vst v1;
	s26 =	simm.s32 $0x80  }
0x22: {  	[hbm4b:s5+s26] =	stream.strided.scatter [tilespmem:s15], [sflag:$0x2], $0x8000, s13, s26, $0x38;
	[tilespmem:$0x18200] =	vst v63  }
0x23: {  	_ = 	snop  }
0x24: {  	[hbm4b:s6+s26] =	stream.strided.scatter [tilespmem:s15], [sflag:$0x2], $0x8000, s13, s26, $0x38;
	[tilespmem:$0x18200] =	vst v63  }
0x25: {  	_ = 	snop  }
0x26: {  	[hbm4b:s7+s26] =	stream.strided.scatter [tilespmem:s15], [sflag:$0x2], $0x8000, s13, s26, $0x38;
	[tilespmem:$0x18200] =	vst v63  }
0x27: {  	_ = 	snop  }
0x28: {  	[hbm4b:s8+s26] =	stream.strided.scatter [tilespmem:s15], [sflag:$0x2], $0x8000, s13, s26, $0x38;
	[tilespmem:$0x18200] =	vst v63  }
0x29: {  	_ =	swait.ge [sflag:s16], $0x8000  }
0x2a: {  	[sflag:s16] =	ssyncset.done $0x0  }
0x2b: {  	[sflag:s16] =	ssyncadd.s32 $0xFFFF8000  }
0x2c: {  	v10 =	vld [tilespmem:s26+$0x0]  }
0x2d: {  	v11 =	vld [tilespmem:s26+$0xFFFFFF80]  }
0x2e: {  	v12 =	vld [tilespmem:s26+$0xFFFFFF90]  }
0x2f: {  	v13 =	vld [tilespmem:s26+$0x10]  }
0x30: {  	v14 =	vld [tilespmem:s26+$0x20]  }
0x31: {  	v17 =	vld [tilespmem:s26+$0x30]  }
0x32: {  	v20 =	vimm.f32 $-Inf;
	v9 =	vimm.s32 $0x0;
	v21 =	vld [tilespmem:s26+$0x40]  }
0x33: {  	v27 =	vimm.f32 $-Inf;
	v28 =	vimm.f32 $-Inf;
	v26 =	vimm.f32 $-Inf;
	v29 =	vld [tilespmem:s26+$0xFFFFFFA0]  }
0x34: {  	v25 =	vimm.f32 $-Inf;
	v24 =	vimm.f32 $-Inf;
	v30 =	vld [tilespmem:s26+$0xFFFFFFB0];
	vm1 =	vgt.f32 v11, v20  }
0x35: {  	s24 =	simm.s32 $0x0;
	v23 =	vimm.s32 $0x0;
	v33 =	vld [tilespmem:s26+$0xFFFFFFC0];
	vm0 =	vgt.f32 v12, v20;
	v11 =	vsel vm1, v11, v20  }
0x36: {  	v31 =	vld [tilespmem:s26+$0xFFFFFFD0];
	v16 =	vsel vm0, v12, v20;
	v18 =	vsel vm0, s24, v9;
	vm0 =	vgt.f32 v10, v11  }
0x37: {  	s25 =	simm.s32 $0x1;
	v32 =	vld [tilespmem:s26+$0xFFFFFFE0];
	v19 =	vsel vm1, s24, v9;
	vm1 =	vgt.f32 v13, v16;
	v15 =	vsel vm0, v10, v11  }
0x38: {  	v34 =	vld [tilespmem:s26+$0xFFFFFFF0];
	v16 =	vsel vm1, v13, v16;
	v22 =	vsel vm1, s25, v18;
	v11 =	vimm.s32 $0x0  }
0x39: {  	s28 =	simm.s32 $0x2;
	v12 =	vld [tilespmem:s26+$0x50];
	v10 =	vimm.s32 $0x0;
	v18 =	vimm.s32 $0x0;
	v13 =	vimm.s32 $0x0  }
.LBB2_4:
0x3a: {  	p0 =	sne.s32 s28, $0xFE;
	vm1 =	vgt.f32 v29, v20;
	vm2 =	vgt.f32 v30, v27;
	vm3 =	vgt.f32 v33, v28;
	v35 =	vld [tilespmem:s26+$0x60]  }
0x3b: {  	v20 =	vsel vm1, v29, v20;
	v27 =	vsel vm2, v30, v27;
	v28 =	vsel vm3, v33, v28;
	v29 =	vld [tilespmem:s26+$0x70];
	s26 =	sadd.s32 $0x100, s26  }
0x3c: {  	v36 =	vld [tilespmem:s26+$0x0];
	vm4 =	vgt.f32 v14, v20;
	vm5 =	vgt.f32 v17, v27;
	vm6 =	vgt.f32 v21, v28  }
0x3d: {  	v37 =	vld [tilespmem:s26+$0x10];
	v20 =	vsel vm4, v14, v20;
	v27 =	vsel vm5, v17, v27;
	v28 =	vsel vm6, v21, v28  }
0x3e: {  	vm7 =	vgt.f32 v31, v26;
	vm8 =	vgt.f32 v32, v25;
	v14 =	vld [tilespmem:s26+$0x20];
	vm9 =	vgt.f32 v34, v24  }
0x3f: {  	v21 =	vsel vm7, v31, v26;
	v25 =	vsel vm8, v32, v25;
	v17 =	vld [tilespmem:s26+$0x30];
	v24 =	vsel vm9, v34, v24  }
0x40: {  	vm10 =	vgt.f32 v12, v21;
	vm11 =	vgt.f32 v35, v25;
	v31 =	vld [tilespmem:s26+$0xFFFFFF80];
	vm12 =	vgt.f32 v29, v24  }
0x41: {  	v26 =	vsel vm10, v12, v21;
	v25 =	vsel vm11, v35, v25;
	v32 =	vld [tilespmem:s26+$0xFFFFFF90];
	v24 =	vsel vm12, v29, v24  }
0x42: {  	v9 =	vsel vm7, s24, v9;
	v11 =	vsel vm8, s24, v11;
	v10 =	vsel vm9, s24, v10;
	v21 =	vld [tilespmem:s26+$0x40]  }
0x43: {  	v9 =	vsel vm10, s25, v9;
	v11 =	vsel vm11, s25, v11;
	v10 =	vsel vm12, s25, v10;
	v29 =	vld [tilespmem:s26+$0xFFFFFFA0]  }
0x44: {  	v18 =	vsel vm2, s24, v18;
	v13 =	vsel vm3, s24, v13;
	v12 =	vsel vm1, s24, v23;
	s24 =	smov.u32 s28;
	v30 =	vld [tilespmem:s26+$0xFFFFFFB0]  }
.Ltmp1:
0x45: {  	v18 =	vsel vm5, s25, v18;
	v13 =	vsel vm6, s25, v13;
	v23 =	vsel vm4, s25, v12;
	v33 =	vld [tilespmem:s26+$0xFFFFFFC0];
	(pc) =	sbr.rel @p0 .LBB2_4-.Ltmp1, $4  }
0x46: {  	v19 =	vsel vm0, s25, v19;
	vm1 =	vgt.f32 v31, v15;
	vm2 =	vgt.f32 v32, v16;
	v12 =	vld [tilespmem:s26+$0x50]  }
0x47: {  	v15 =	vsel vm1, v31, v15;
	v16 =	vsel vm2, v32, v16;
	v22 =	vsel vm2, s28, v22;
	v31 =	vld [tilespmem:s26+$0xFFFFFFD0]  }
0x48: {  	s25 =	sadd.s32 $0x1, s28;
	v19 =	vsel vm1, s28, v19;
	vm0 =	vgt.f32 v36, v15;
	v32 =	vld [tilespmem:s26+$0xFFFFFFE0];
	vm1 =	vgt.f32 v37, v16  }
0x49: {  	s28 =	sadd.s32 $0x2, s28;
	v15 =	vsel vm0, v36, v15;
	v34 =	vld [tilespmem:s26+$0xFFFFFFF0];
	v16 =	vsel vm1, v37, v16;
	v22 =	vsel vm1, s25, v22  }
0x4a: {  	vm8 =	vgt.f32 v29, v20;
	vm6 =	vgt.f32 v30, v27;
	vm4 =	vgt.f32 v33, v28  }
0x4b: {  	v19 =	vsel vm0, s25, v19;
	v22 =	vshll.u32 v22, $0x7;
	vm0 =	veq.f32 v16, v15  }
0x4c: {  	vm13 =	vgt.f32 v16, v15;
	v20 =	vsel vm8, v29, v20;
	v27 =	vsel vm6, v30, v27  }
0x4d: {  	v28 =	vsel vm4, v33, v28;
	v19 =	vshll.u32 v19, $0x7;
	v22 =	vor.u32 v2, v22  }
0x4e: {  	v23 =	vsel vm8, s24, v23;
	v18 =	vsel vm6, s24, v18;
	v13 =	vsel vm4, s24, v13  }
0x4f: {  	vm9 =	vgt.f32 v14, v20;
	vm7 =	vgt.f32 v17, v27;
	vm5 =	vgt.f32 v21, v28  }
0x50: {  	vm3 =	vgt.f32 v31, v26;
	v19 =	vor.u32 v0, v19;
	v14 =	vsel vm9, v14, v20  }
0x51: {  	v17 =	vsel vm7, v17, v27;
	v20 =	vsel vm5, v21, v28;
	vm2 =	vgt.f32 v32, v25  }
0x52: {  	v21 =	vsel vm3, v31, v26;
	vm12 =	vlt.s32 v22, v19;
	v23 =	vsel vm9, s25, v23  }
0x53: {  	v18 =	vsel vm7, s25, v18;
	v13 =	vsel vm5, s25, v13;
	vm8 =	vmand vm0, vm12  }
0x54: {  	v9 =	vsel vm3, s24, v9;
	v23 =	vshll.u32 v23, $0x7;
	vm8 =	vmor vm13, vm8  }
0x55: {  	v15 =	vsel vm8, v16, v15;
	v16 =	vsel vm8, v22, v19;
	v19 =	vor.u32 v3, v23  }
0x56: {  	vm1 =	vgt.f32 v34, v24;
	vm14 =	veq.f32 v14, v15;
	vm8 =	vlt.s32 v19, v16  }
0x57: {  	v25 =	vsel vm2, v32, v25;
	vm15 =	vgt.f32 v14, v15;
	vm8 =	vmand vm14, vm8  }
0x58: {  	vm0 =	vgt.f32 v12, v21;
	v18 =	vshll.u32 v18, $0x7;
	vm7 =	vmor vm15, vm8  }
0x59: {  	v14 =	vsel vm7, v14, v15;
	v15 =	vsel vm7, v19, v16;
	v16 =	vor.u32 v4, v18  }
0x5a: {  	v13 =	vshll.u32 v13, $0x7;
	vm12 =	veq.f32 v17, v14;
	vm7 =	vlt.s32 v16, v15  }
0x5b: {  	v11 =	vsel vm2, s24, v11;
	vm13 =	vgt.f32 v17, v14;
	vm7 =	vmand vm12, vm7  }
0x5c: {  	v26 =	vld [tilespmem:s26+$0x60];
	v24 =	vsel vm1, v34, v24;
	v13 =	vor.u32 v5, v13;
	vm5 =	vmor vm13, vm7  }
0x5d: {  	v9 =	vsel vm0, s25, v9;
	v14 =	vsel vm5, v17, v14;
	v15 =	vsel vm5, v16, v15  }
0x5e: {  	v12 =	vsel vm0, v12, v21;
	vm3 =	veq.f32 v20, v14;
	vm5 =	vlt.s32 v13, v15  }
0x5f: {  	v22 =	vld [tilespmem:s26+$0x70];
	v9 =	vshll.u32 v9, $0x7;
	vm15 =	vgt.f32 v20, v14;
	vm3 =	vmand vm3, vm5  }
0x60: {  	v10 =	vsel vm1, s24, v10;
	v9 =	vor.u32 v6, v9;
	vm0 =	vmor vm15, vm3  }
0x61: {  	vm11 =	vgt.f32 v26, v25;
	v14 =	vsel vm0, v20, v14;
	v13 =	vsel vm0, v13, v15  }
0x62: {  	v11 =	vsel vm11, s25, v11;
	vm0 =	veq.f32 v12, v14;
	vm2 =	vlt.s32 v9, v13  }
0x63: {  	v11 =	vshll.u32 v11, $0x7;
	vm3 =	vgt.f32 v12, v14;
	vm0 =	vmand vm0, vm2  }
0x64: {  	vm14 =	vgt.f32 v22, v24;
	v11 =	vor.u32 v7, v11;
	vm0 =	vmor vm3, vm0  }
0x65: {  	v15 =	vsel vm11, v26, v25;
	v12 =	vsel vm0, v12, v14;
	v9 =	vsel vm0, v9, v13  }
0x66: {  	v10 =	vsel vm14, s25, v10;
	vm0 =	veq.f32 v15, v12;
	vm1 =	vlt.s32 v11, v9  }
0x67: {  	v10 =	vshll.u32 v10, $0x7;
	vm2 =	vgt.f32 v15, v12;
	vm0 =	vmand vm0, vm1  }
0x68: {  	v10 =	vor.u32 v8, v10;
	vm0 =	vmor vm2, vm0  }
0x69: {  	v13 =	vsel vm14, v22, v24;
	v12 =	vsel vm0, v15, v12;
	v9 =	vsel vm0, v11, v9  }
0x6a: {  	vm0 =	veq.f32 v13, v12;
	vm1 =	vlt.s32 v10, v9  }
0x6b: {  	vm2 =	vgt.f32 v13, v12;
	vm0 =	vmand vm0, vm1  }
0x6c: {  	vm0 =	vmor vm2, vm0  }
0x6d: {  	v11 =	vsel vm0, v13, v12  }
0x6e: {  	(xrf0) =	vmax.scan.msk.f32 $0xffff, v11;
	_ =	sdelay $0x5  }
0x6f: {  	v12, _, _ =	vpop (xrf0)  }
0x70: {  	v12 =	vbroadcast v12, $0xF  }
0x71: {  	v9 =	vsel vm0, v10, v9  }
0x72: {  	v9 =	vxor.u32 $0x80000000, v9;
	vm0 =	veq.f32 v11, v12  }
0x73: {  	v9 =	vnsel vm0, $0xFFFFFFFF, v9  }
0x74: {  	(xrf0) =	vmin.scan.msk.u32 $0xffff, v9;
	_ =	sdelay $0x5  }
0x75: {  	v9, _, _ =	vpop (xrf0)  }
0x76: {  	(v2sf) =	vpush v9, $0xF;
	_ =	sdelay $0xc  }
0x77: {  	s25 =	simm.s32 $0x0  }
0x78: {  	[tilespmem:s25], [sflag:$0x1] =	stream.strided.gather [hbm4b:s9+s12], $0x8000, s13, s12, $0x38;
	[tilespmem:$0x18200] =	vst v63  }
0x79: {  	s24 =	spop (v2sf)  }
0x7a: {  	s31 =	sand.u32 $0x7F, s24  }
0x7b: {  	v9 =	vmov s31;
	s28 =	sadd.s32 $0xFFFFFFF0, s31  }
0x7c: {  	vm0 =	veq.s32 v9, v0;
	v9 =	vmov s28;
	s28 =	sadd.s32 $0xFFFFFFE0, s31  }
0x7d: {  	v10 =	vsel vm0, $0x1, v1;
	vm0 =	veq.s32 v9, v0;
	v9 =	vmov s28;
	s28 =	sadd.s32 $0xFFFFFFD0, s31  }
0x7e: {  	[tilespmem:$0x18000] =	vst v10;
	v10 =	vsel vm0, $0x1, v1;
	vm0 =	veq.s32 v9, v0;
	v9 =	vmov s28;
	s28 =	sadd.s32 $0xFFFFFFC0, s31  }
0x7f: {  	[tilespmem:$0x18010] =	vst v10;
	v10 =	vsel vm0, $0x1, v1;
	vm0 =	veq.s32 v9, v0;
	v9 =	vmov s28;
	s28 =	sadd.s32 $0xFFFFFFB0, s31  }
0x80: {  	[tilespmem:$0x18020] =	vst v10;
	v10 =	vsel vm0, $0x1, v1;
	vm0 =	veq.s32 v9, v0;
	v9 =	vmov s28;
	s28 =	sadd.s32 $0xFFFFFFA0, s31  }
0x81: {  	s26 =	sadd.s32 $0xFFFFFF90, s31;
	[tilespmem:$0x18030] =	vst v10;
	v10 =	vsel vm0, $0x1, v1;
	vm0 =	veq.s32 v9, v0;
	v9 =	vmov s28  }
0x82: {  	[tilespmem:$0x18040] =	vst v10;
	v10 =	vsel vm0, $0x1, v1;
	vm0 =	veq.s32 v9, v0;
	v9 =	vmov s26  }
0x83: {  	[tilespmem:$0x18050] =	vst v10;
	v10 =	vsel vm0, $0x1, v1;
	vm0 =	veq.s32 v9, v0  }
0x84: {  	[tilespmem:$0x18060] =	vst v10;
	v9 =	vsel vm0, $0x1, v1  }
0x85: {  	[tilespmem:$0x18070] =	vst v9  }
0x86: {  	_ =	swait.ge [sflag:s16], $0x8000  }
0x87: {  	[sflag:s16] =	ssyncset.done $0x0  }
0x88: {  	s28 =	simm.s32 $0x8080;
	[sflag:s16] =	ssyncadd.s32 $0xFFFF8000  }
0x89: {  	v10 =	vld [tilespmem:s28+$0x0]  }
0x8a: {  	v11 =	vld [tilespmem:s28+$0xFFFFFF80]  }
0x8b: {  	v12 =	vld [tilespmem:s28+$0xFFFFFF90]  }
0x8c: {  	v13 =	vld [tilespmem:s28+$0x10]  }
0x8d: {  	v14 =	vld [tilespmem:s28+$0x20]  }
0x8e: {  	v17 =	vld [tilespmem:s28+$0x30]  }
0x8f: {  	v27 =	vimm.f32 $-Inf;
	v28 =	vimm.f32 $-Inf;
	v22 =	vld [tilespmem:s28+$0x40]  }
0x90: {  	v23 =	vimm.s32 $0x0;
	v20 =	vimm.f32 $-Inf;
	v26 =	vimm.f32 $-Inf;
	v29 =	vld [tilespmem:s28+$0xFFFFFFA0]  }
0x91: {  	v25 =	vimm.f32 $-Inf;
	v24 =	vimm.f32 $-Inf;
	v30 =	vld [tilespmem:s28+$0xFFFFFFB0];
	vm1 =	vgt.f32 v11, v20  }
0x92: {  	v9 =	vimm.s32 $0x0;
	v33 =	vld [tilespmem:s28+$0xFFFFFFC0];
	vm0 =	vgt.f32 v12, v20;
	v11 =	vsel vm1, v11, v20  }
0x93: {  	v31 =	vld [tilespmem:s28+$0xFFFFFFD0];
	v16 =	vsel vm0, v12, v20;
	v18 =	vsel vm0, s25, v9;
	vm0 =	vgt.f32 v10, v11  }
0x94: {  	s26 =	simm.s32 $0x1;
	v32 =	vld [tilespmem:s28+$0xFFFFFFE0];
	v19 =	vsel vm1, s25, v9;
	vm1 =	vgt.f32 v13, v16;
	v15 =	vsel vm0, v10, v11  }
0x95: {  	v34 =	vld [tilespmem:s28+$0xFFFFFFF0];
	v16 =	vsel vm1, v13, v16;
	v21 =	vsel vm1, s26, v18;
	v11 =	vimm.s32 $0x0  }
0x96: {  	s29 =	simm.s32 $0x2;
	v12 =	vld [tilespmem:s28+$0x50];
	v10 =	vimm.s32 $0x0;
	v18 =	vimm.s32 $0x0;
	v13 =	vimm.s32 $0x0  }
.LBB2_6:
0x97: {  	p0 =	sne.s32 s29, $0xFE;
	vm1 =	vgt.f32 v29, v20;
	vm2 =	vgt.f32 v30, v27;
	vm3 =	vgt.f32 v33, v28;
	v35 =	vld [tilespmem:s28+$0x60]  }
0x98: {  	v20 =	vsel vm1, v29, v20;
	v27 =	vsel vm2, v30, v27;
	v28 =	vsel vm3, v33, v28;
	v29 =	vld [tilespmem:s28+$0x70];
	s28 =	sadd.s32 $0x100, s28  }
0x99: {  	v36 =	vld [tilespmem:s28+$0x0];
	vm4 =	vgt.f32 v14, v20;
	vm5 =	vgt.f32 v17, v27;
	vm6 =	vgt.f32 v22, v28  }
0x9a: {  	v37 =	vld [tilespmem:s28+$0x10];
	v20 =	vsel vm4, v14, v20;
	v27 =	vsel vm5, v17, v27;
	v28 =	vsel vm6, v22, v28  }
0x9b: {  	vm7 =	vgt.f32 v31, v26;
	vm8 =	vgt.f32 v32, v25;
	v14 =	vld [tilespmem:s28+$0x20];
	vm9 =	vgt.f32 v34, v24  }
0x9c: {  	v22 =	vsel vm7, v31, v26;
	v25 =	vsel vm8, v32, v25;
	v17 =	vld [tilespmem:s28+$0x30];
	v24 =	vsel vm9, v34, v24  }
0x9d: {  	vm10 =	vgt.f32 v12, v22;
	vm11 =	vgt.f32 v35, v25;
	v31 =	vld [tilespmem:s28+$0xFFFFFF80];
	vm12 =	vgt.f32 v29, v24  }
0x9e: {  	v26 =	vsel vm10, v12, v22;
	v25 =	vsel vm11, v35, v25;
	v32 =	vld [tilespmem:s28+$0xFFFFFF90];
	v24 =	vsel vm12, v29, v24  }
0x9f: {  	v9 =	vsel vm7, s25, v9;
	v11 =	vsel vm8, s25, v11;
	v10 =	vsel vm9, s25, v10;
	v22 =	vld [tilespmem:s28+$0x40]  }
0xa0: {  	v9 =	vsel vm10, s26, v9;
	v11 =	vsel vm11, s26, v11;
	v10 =	vsel vm12, s26, v10;
	v29 =	vld [tilespmem:s28+$0xFFFFFFA0]  }
0xa1: {  	v18 =	vsel vm2, s25, v18;
	v13 =	vsel vm3, s25, v13;
	v12 =	vsel vm1, s25, v23;
	s25 =	smov.u32 s29;
	v30 =	vld [tilespmem:s28+$0xFFFFFFB0]  }
.Ltmp2:
0xa2: {  	v18 =	vsel vm5, s26, v18;
	v13 =	vsel vm6, s26, v13;
	v23 =	vsel vm4, s26, v12;
	v33 =	vld [tilespmem:s28+$0xFFFFFFC0];
	(pc) =	sbr.rel @p0 .LBB2_6-.Ltmp2, $4  }
0xa3: {  	v19 =	vsel vm0, s26, v19;
	vm1 =	vgt.f32 v31, v15;
	vm2 =	vgt.f32 v32, v16;
	v12 =	vld [tilespmem:s28+$0x50]  }
0xa4: {  	v15 =	vsel vm1, v31, v15;
	v16 =	vsel vm2, v32, v16;
	v21 =	vsel vm2, s29, v21;
	v31 =	vld [tilespmem:s28+$0xFFFFFFD0]  }
0xa5: {  	s26 =	sadd.s32 $0x1, s29;
	v19 =	vsel vm1, s29, v19;
	vm0 =	vgt.f32 v36, v15;
	v32 =	vld [tilespmem:s28+$0xFFFFFFE0];
	vm1 =	vgt.f32 v37, v16  }
0xa6: {  	s29 =	sadd.s32 $0x2, s29;
	v15 =	vsel vm0, v36, v15;
	v34 =	vld [tilespmem:s28+$0xFFFFFFF0];
	v16 =	vsel vm1, v37, v16;
	v21 =	vsel vm1, s26, v21  }
0xa7: {  	vm8 =	vgt.f32 v29, v20;
	vm6 =	vgt.f32 v30, v27;
	vm4 =	vgt.f32 v33, v28  }
0xa8: {  	v19 =	vsel vm0, s26, v19;
	v21 =	vshll.u32 v21, $0x7;
	vm0 =	veq.f32 v16, v15  }
0xa9: {  	vm13 =	vgt.f32 v16, v15;
	v20 =	vsel vm8, v29, v20;
	v27 =	vsel vm6, v30, v27  }
0xaa: {  	v28 =	vsel vm4, v33, v28;
	v19 =	vshll.u32 v19, $0x7;
	v21 =	vor.u32 v2, v21  }
0xab: {  	v23 =	vsel vm8, s25, v23;
	v18 =	vsel vm6, s25, v18;
	v13 =	vsel vm4, s25, v13  }
0xac: {  	vm9 =	vgt.f32 v14, v20;
	vm7 =	vgt.f32 v17, v27;
	vm5 =	vgt.f32 v22, v28  }
0xad: {  	vm3 =	vgt.f32 v31, v26;
	v19 =	vor.u32 v0, v19;
	v14 =	vsel vm9, v14, v20  }
0xae: {  	v17 =	vsel vm7, v17, v27;
	v20 =	vsel vm5, v22, v28;
	vm2 =	vgt.f32 v32, v25  }
0xaf: {  	v22 =	vsel vm3, v31, v26;
	vm12 =	vlt.s32 v21, v19;
	v23 =	vsel vm9, s26, v23  }
0xb0: {  	v18 =	vsel vm7, s26, v18;
	v13 =	vsel vm5, s26, v13;
	vm8 =	vmand vm0, vm12  }
0xb1: {  	v9 =	vsel vm3, s25, v9;
	v23 =	vshll.u32 v23, $0x7;
	vm8 =	vmor vm13, vm8  }
0xb2: {  	v15 =	vsel vm8, v16, v15;
	v16 =	vsel vm8, v21, v19;
	v19 =	vor.u32 v3, v23  }
0xb3: {  	vm1 =	vgt.f32 v34, v24;
	vm14 =	veq.f32 v14, v15;
	vm8 =	vlt.s32 v19, v16  }
0xb4: {  	v25 =	vsel vm2, v32, v25;
	vm15 =	vgt.f32 v14, v15;
	vm8 =	vmand vm14, vm8  }
0xb5: {  	vm0 =	vgt.f32 v12, v22;
	v18 =	vshll.u32 v18, $0x7;
	vm7 =	vmor vm15, vm8  }
0xb6: {  	v14 =	vsel vm7, v14, v15;
	v15 =	vsel vm7, v19, v16;
	v16 =	vor.u32 v4, v18  }
0xb7: {  	v13 =	vshll.u32 v13, $0x7;
	vm12 =	veq.f32 v17, v14;
	vm7 =	vlt.s32 v16, v15  }
0xb8: {  	v11 =	vsel vm2, s25, v11;
	vm13 =	vgt.f32 v17, v14;
	vm7 =	vmand vm12, vm7  }
0xb9: {  	v26 =	vld [tilespmem:s28+$0x60];
	v24 =	vsel vm1, v34, v24;
	v13 =	vor.u32 v5, v13;
	vm5 =	vmor vm13, vm7  }
0xba: {  	v9 =	vsel vm0, s26, v9;
	v14 =	vsel vm5, v17, v14;
	v15 =	vsel vm5, v16, v15  }
0xbb: {  	v12 =	vsel vm0, v12, v22;
	vm3 =	veq.f32 v20, v14;
	vm5 =	vlt.s32 v13, v15  }
0xbc: {  	v21 =	vld [tilespmem:s28+$0x70];
	v9 =	vshll.u32 v9, $0x7;
	vm15 =	vgt.f32 v20, v14;
	vm3 =	vmand vm3, vm5  }
0xbd: {  	v10 =	vsel vm1, s25, v10;
	v9 =	vor.u32 v6, v9;
	vm0 =	vmor vm15, vm3  }
0xbe: {  	vm11 =	vgt.f32 v26, v25;
	v14 =	vsel vm0, v20, v14;
	v13 =	vsel vm0, v13, v15  }
0xbf: {  	v11 =	vsel vm11, s26, v11;
	vm0 =	veq.f32 v12, v14;
	vm2 =	vlt.s32 v9, v13  }
0xc0: {  	v11 =	vshll.u32 v11, $0x7;
	vm3 =	vgt.f32 v12, v14;
	vm0 =	vmand vm0, vm2  }
0xc1: {  	vm14 =	vgt.f32 v21, v24;
	v11 =	vor.u32 v7, v11;
	vm0 =	vmor vm3, vm0  }
0xc2: {  	v15 =	vsel vm11, v26, v25;
	v12 =	vsel vm0, v12, v14;
	v9 =	vsel vm0, v9, v13  }
0xc3: {  	v10 =	vsel vm14, s26, v10;
	vm0 =	veq.f32 v15, v12;
	vm1 =	vlt.s32 v11, v9  }
0xc4: {  	v10 =	vshll.u32 v10, $0x7;
	vm2 =	vgt.f32 v15, v12;
	vm0 =	vmand vm0, vm1  }
0xc5: {  	v10 =	vor.u32 v8, v10;
	vm0 =	vmor vm2, vm0  }
0xc6: {  	v13 =	vsel vm14, v21, v24;
	v12 =	vsel vm0, v15, v12;
	v9 =	vsel vm0, v11, v9  }
0xc7: {  	vm0 =	veq.f32 v13, v12;
	vm1 =	vlt.s32 v10, v9  }
0xc8: {  	vm2 =	vgt.f32 v13, v12;
	vm0 =	vmand vm0, vm1  }
0xc9: {  	vm0 =	vmor vm2, vm0  }
0xca: {  	v11 =	vsel vm0, v13, v12  }
0xcb: {  	(xrf0) =	vmax.scan.msk.f32 $0xffff, v11;
	_ =	sdelay $0x5  }
0xcc: {  	v12, _, _ =	vpop (xrf0)  }
0xcd: {  	v12 =	vbroadcast v12, $0xF  }
0xce: {  	v9 =	vsel vm0, v10, v9  }
0xcf: {  	v9 =	vxor.u32 $0x80000000, v9;
	vm0 =	veq.f32 v11, v12  }
0xd0: {  	v9 =	vnsel vm0, $0xFFFFFFFF, v9  }
0xd1: {  	(xrf0) =	vmin.scan.msk.u32 $0xffff, v9;
	_ =	sdelay $0x5  }
0xd2: {  	v9, _, _ =	vpop (xrf0)  }
0xd3: {  	(v2sf) =	vpush v9, $0xF;
	_ =	sdelay $0xc  }
0xd4: {  	s26 =	simm.s32 $0x80  }
0xd5: {  	[tilespmem:s14], [sflag:$0x1] =	stream.strided.gather [hbm4b:s10+s26], $0x8000, s13, s26, $0x38;
	[tilespmem:$0x18200] =	vst v63  }
0xd6: {  	s25 =	spop (v2sf)  }
0xd7: {  	s28 =	sand.u32 $0x7F, s25  }
0xd8: {  	v9 =	vmov s28;
	s29 =	sadd.s32 $0xFFFFFFF0, s28  }
0xd9: {  	vm0 =	veq.s32 v9, v0;
	v9 =	vmov s29;
	s29 =	sadd.s32 $0xFFFFFFE0, s28  }
0xda: {  	v10 =	vsel vm0, $0x1, v1;
	vm0 =	veq.s32 v9, v0;
	v9 =	vmov s29;
	s29 =	sadd.s32 $0xFFFFFFD0, s28  }
0xdb: {  	[tilespmem:$0x18080] =	vst v10;
	v10 =	vsel vm0, $0x1, v1;
	vm0 =	veq.s32 v9, v0;
	v9 =	vmov s29;
	s29 =	sadd.s32 $0xFFFFFFC0, s28  }
0xdc: {  	[tilespmem:$0x18090] =	vst v10;
	v10 =	vsel vm0, $0x1, v1;
	vm0 =	veq.s32 v9, v0;
	v9 =	vmov s29;
	s29 =	sadd.s32 $0xFFFFFFB0, s28  }
0xdd: {  	[tilespmem:$0x180A0] =	vst v10;
	v10 =	vsel vm0, $0x1, v1;
	vm0 =	veq.s32 v9, v0;
	v9 =	vmov s29;
	s29 =	sadd.s32 $0xFFFFFFA0, s28  }
0xde: {  	s28 =	sadd.s32 $0xFFFFFF90, s28;
	[tilespmem:$0x180B0] =	vst v10;
	v10 =	vsel vm0, $0x1, v1;
	vm0 =	veq.s32 v9, v0;
	v9 =	vmov s29  }
0xdf: {  	[tilespmem:$0x180C0] =	vst v10;
	v10 =	vsel vm0, $0x1, v1;
	vm0 =	veq.s32 v9, v0;
	v9 =	vmov s28  }
0xe0: {  	[tilespmem:$0x180D0] =	vst v10;
	v10 =	vsel vm0, $0x1, v1;
	vm0 =	veq.s32 v9, v0  }
0xe1: {  	[tilespmem:$0x180E0] =	vst v10;
	v9 =	vsel vm0, $0x1, v1  }
0xe2: {  	[tilespmem:$0x180F0] =	vst v9  }
0xe3: {  	_ =	swait.ge [sflag:s16], $0x8000  }
0xe4: {  	[sflag:s16] =	ssyncset.done $0x0  }
0xe5: {  	[sflag:s16] =	ssyncadd.s32 $0xFFFF8000  }
0xe6: {  	v10 =	vld [tilespmem:s26+$0x0]  }
0xe7: {  	v11 =	vld [tilespmem:s26+$0xFFFFFF80]  }
0xe8: {  	v12 =	vld [tilespmem:s26+$0xFFFFFF90]  }
0xe9: {  	v13 =	vld [tilespmem:s26+$0x10]  }
0xea: {  	v14 =	vld [tilespmem:s26+$0x20]  }
0xeb: {  	v17 =	vld [tilespmem:s26+$0x30]  }
0xec: {  	v27 =	vimm.f32 $-Inf;
	v28 =	vimm.f32 $-Inf;
	v21 =	vld [tilespmem:s26+$0x40]  }
0xed: {  	v23 =	vimm.s32 $0x0;
	v20 =	vimm.f32 $-Inf;
	v26 =	vimm.f32 $-Inf;
	v29 =	vld [tilespmem:s26+$0xFFFFFFA0]  }
0xee: {  	v25 =	vimm.f32 $-Inf;
	v24 =	vimm.f32 $-Inf;
	v30 =	vld [tilespmem:s26+$0xFFFFFFB0];
	vm1 =	vgt.f32 v11, v20  }
0xef: {  	s28 =	simm.s32 $0x0;
	v9 =	vimm.s32 $0x0;
	v33 =	vld [tilespmem:s26+$0xFFFFFFC0];
	vm0 =	vgt.f32 v12, v20;
	v11 =	vsel vm1, v11, v20  }
0xf0: {  	v31 =	vld [tilespmem:s26+$0xFFFFFFD0];
	v16 =	vsel vm0, v12, v20;
	v18 =	vsel vm0, s28, v9;
	vm0 =	vgt.f32 v10, v11  }
0xf1: {  	s29 =	simm.s32 $0x1;
	v32 =	vld [tilespmem:s26+$0xFFFFFFE0];
	v19 =	vsel vm1, s28, v9;
	vm1 =	vgt.f32 v13, v16;
	v15 =	vsel vm0, v10, v11  }
0xf2: {  	v34 =	vld [tilespmem:s26+$0xFFFFFFF0];
	v16 =	vsel vm1, v13, v16;
	v22 =	vsel vm1, s29, v18;
	v11 =	vimm.s32 $0x0  }
0xf3: {  	s30 =	simm.s32 $0x2;
	v12 =	vld [tilespmem:s26+$0x50];
	v10 =	vimm.s32 $0x0;
	v18 =	vimm.s32 $0x0;
	v13 =	vimm.s32 $0x0  }
.LBB2_8:
0xf4: {  	p0 =	sne.s32 s30, $0xFE;
	vm1 =	vgt.f32 v29, v20;
	vm2 =	vgt.f32 v30, v27;
	vm3 =	vgt.f32 v33, v28;
	v35 =	vld [tilespmem:s26+$0x60]  }
0xf5: {  	v20 =	vsel vm1, v29, v20;
	v27 =	vsel vm2, v30, v27;
	v28 =	vsel vm3, v33, v28;
	v29 =	vld [tilespmem:s26+$0x70];
	s26 =	sadd.s32 $0x100, s26  }
0xf6: {  	v36 =	vld [tilespmem:s26+$0x0];
	vm4 =	vgt.f32 v14, v20;
	vm5 =	vgt.f32 v17, v27;
	vm6 =	vgt.f32 v21, v28  }
0xf7: {  	v37 =	vld [tilespmem:s26+$0x10];
	v20 =	vsel vm4, v14, v20;
	v27 =	vsel vm5, v17, v27;
	v28 =	vsel vm6, v21, v28  }
0xf8: {  	vm7 =	vgt.f32 v31, v26;
	vm8 =	vgt.f32 v32, v25;
	v14 =	vld [tilespmem:s26+$0x20];
	vm9 =	vgt.f32 v34, v24  }
0xf9: {  	v21 =	vsel vm7, v31, v26;
	v25 =	vsel vm8, v32, v25;
	v17 =	vld [tilespmem:s26+$0x30];
	v24 =	vsel vm9, v34, v24  }
0xfa: {  	vm10 =	vgt.f32 v12, v21;
	vm11 =	vgt.f32 v35, v25;
	v31 =	vld [tilespmem:s26+$0xFFFFFF80];
	vm12 =	vgt.f32 v29, v24  }
0xfb: {  	v26 =	vsel vm10, v12, v21;
	v25 =	vsel vm11, v35, v25;
	v32 =	vld [tilespmem:s26+$0xFFFFFF90];
	v24 =	vsel vm12, v29, v24  }
0xfc: {  	v9 =	vsel vm7, s28, v9;
	v11 =	vsel vm8, s28, v11;
	v10 =	vsel vm9, s28, v10;
	v21 =	vld [tilespmem:s26+$0x40]  }
0xfd: {  	v9 =	vsel vm10, s29, v9;
	v11 =	vsel vm11, s29, v11;
	v10 =	vsel vm12, s29, v10;
	v29 =	vld [tilespmem:s26+$0xFFFFFFA0]  }
0xfe: {  	v18 =	vsel vm2, s28, v18;
	v13 =	vsel vm3, s28, v13;
	v12 =	vsel vm1, s28, v23;
	s28 =	smov.u32 s30;
	v30 =	vld [tilespmem:s26+$0xFFFFFFB0]  }
.Ltmp3:
0xff: {  	v18 =	vsel vm5, s29, v18;
	v13 =	vsel vm6, s29, v13;
	v23 =	vsel vm4, s29, v12;
	v33 =	vld [tilespmem:s26+$0xFFFFFFC0];
	(pc) =	sbr.rel @p0 .LBB2_8-.Ltmp3, $4  }
0x100: {  	v19 =	vsel vm0, s29, v19;
	vm1 =	vgt.f32 v31, v15;
	vm2 =	vgt.f32 v32, v16;
	v12 =	vld [tilespmem:s26+$0x50]  }
0x101: {  	v15 =	vsel vm1, v31, v15;
	v16 =	vsel vm2, v32, v16;
	v22 =	vsel vm2, s30, v22;
	v31 =	vld [tilespmem:s26+$0xFFFFFFD0]  }
0x102: {  	s29 =	sadd.s32 $0x1, s30;
	v19 =	vsel vm1, s30, v19;
	vm0 =	vgt.f32 v36, v15;
	v32 =	vld [tilespmem:s26+$0xFFFFFFE0];
	vm1 =	vgt.f32 v37, v16  }
0x103: {  	s30 =	sadd.s32 $0x2, s30;
	v15 =	vsel vm0, v36, v15;
	v34 =	vld [tilespmem:s26+$0xFFFFFFF0];
	v16 =	vsel vm1, v37, v16;
	v22 =	vsel vm1, s29, v22  }
0x104: {  	vm8 =	vgt.f32 v29, v20;
	vm6 =	vgt.f32 v30, v27;
	vm4 =	vgt.f32 v33, v28  }
0x105: {  	v19 =	vsel vm0, s29, v19;
	v22 =	vshll.u32 v22, $0x7;
	vm0 =	veq.f32 v16, v15  }
0x106: {  	vm13 =	vgt.f32 v16, v15;
	v20 =	vsel vm8, v29, v20;
	v27 =	vsel vm6, v30, v27  }
0x107: {  	v28 =	vsel vm4, v33, v28;
	v19 =	vshll.u32 v19, $0x7;
	v22 =	vor.u32 v2, v22  }
0x108: {  	v23 =	vsel vm8, s28, v23;
	v18 =	vsel vm6, s28, v18;
	v13 =	vsel vm4, s28, v13  }
0x109: {  	vm9 =	vgt.f32 v14, v20;
	vm7 =	vgt.f32 v17, v27;
	vm5 =	vgt.f32 v21, v28  }
0x10a: {  	vm3 =	vgt.f32 v31, v26;
	v19 =	vor.u32 v0, v19;
	v14 =	vsel vm9, v14, v20  }
0x10b: {  	v17 =	vsel vm7, v17, v27;
	v20 =	vsel vm5, v21, v28;
	vm2 =	vgt.f32 v32, v25  }
0x10c: {  	v21 =	vsel vm3, v31, v26;
	vm12 =	vlt.s32 v22, v19;
	v23 =	vsel vm9, s29, v23  }
0x10d: {  	v18 =	vsel vm7, s29, v18;
	v13 =	vsel vm5, s29, v13;
	vm8 =	vmand vm0, vm12  }
0x10e: {  	v9 =	vsel vm3, s28, v9;
	v23 =	vshll.u32 v23, $0x7;
	vm8 =	vmor vm13, vm8  }
0x10f: {  	v15 =	vsel vm8, v16, v15;
	v16 =	vsel vm8, v22, v19;
	v19 =	vor.u32 v3, v23  }
0x110: {  	vm1 =	vgt.f32 v34, v24;
	vm14 =	veq.f32 v14, v15;
	vm8 =	vlt.s32 v19, v16  }
0x111: {  	v25 =	vsel vm2, v32, v25;
	vm15 =	vgt.f32 v14, v15;
	vm8 =	vmand vm14, vm8  }
0x112: {  	vm0 =	vgt.f32 v12, v21;
	v18 =	vshll.u32 v18, $0x7;
	vm7 =	vmor vm15, vm8  }
0x113: {  	v14 =	vsel vm7, v14, v15;
	v15 =	vsel vm7, v19, v16;
	v16 =	vor.u32 v4, v18  }
0x114: {  	v13 =	vshll.u32 v13, $0x7;
	vm12 =	veq.f32 v17, v14;
	vm7 =	vlt.s32 v16, v15  }
0x115: {  	v11 =	vsel vm2, s28, v11;
	vm13 =	vgt.f32 v17, v14;
	vm7 =	vmand vm12, vm7  }
0x116: {  	v26 =	vld [tilespmem:s26+$0x60];
	v24 =	vsel vm1, v34, v24;
	v13 =	vor.u32 v5, v13;
	vm5 =	vmor vm13, vm7  }
0x117: {  	v9 =	vsel vm0, s29, v9;
	v14 =	vsel vm5, v17, v14;
	v15 =	vsel vm5, v16, v15  }
0x118: {  	v12 =	vsel vm0, v12, v21;
	vm3 =	veq.f32 v20, v14;
	vm5 =	vlt.s32 v13, v15  }
0x119: {  	v22 =	vld [tilespmem:s26+$0x70];
	v9 =	vshll.u32 v9, $0x7;
	vm15 =	vgt.f32 v20, v14;
	vm3 =	vmand vm3, vm5  }
0x11a: {  	v10 =	vsel vm1, s28, v10;
	v9 =	vor.u32 v6, v9;
	vm0 =	vmor vm15, vm3  }
0x11b: {  	vm11 =	vgt.f32 v26, v25;
	v14 =	vsel vm0, v20, v14;
	v13 =	vsel vm0, v13, v15  }
0x11c: {  	v11 =	vsel vm11, s29, v11;
	vm0 =	veq.f32 v12, v14;
	vm2 =	vlt.s32 v9, v13  }
0x11d: {  	v11 =	vshll.u32 v11, $0x7;
	vm3 =	vgt.f32 v12, v14;
	vm0 =	vmand vm0, vm2  }
0x11e: {  	vm14 =	vgt.f32 v22, v24;
	v11 =	vor.u32 v7, v11;
	vm0 =	vmor vm3, vm0  }
0x11f: {  	v15 =	vsel vm11, v26, v25;
	v12 =	vsel vm0, v12, v14;
	v9 =	vsel vm0, v9, v13  }
0x120: {  	v10 =	vsel vm14, s29, v10;
	vm0 =	veq.f32 v15, v12;
	vm1 =	vlt.s32 v11, v9  }
0x121: {  	v10 =	vshll.u32 v10, $0x7;
	vm2 =	vgt.f32 v15, v12;
	vm0 =	vmand vm0, vm1  }
0x122: {  	v10 =	vor.u32 v8, v10;
	vm0 =	vmor vm2, vm0  }
0x123: {  	v13 =	vsel vm14, v22, v24;
	v12 =	vsel vm0, v15, v12;
	v9 =	vsel vm0, v11, v9  }
0x124: {  	vm0 =	veq.f32 v13, v12;
	vm1 =	vlt.s32 v10, v9  }
0x125: {  	vm2 =	vgt.f32 v13, v12;
	vm0 =	vmand vm0, vm1  }
0x126: {  	vm0 =	vmor vm2, vm0  }
0x127: {  	v11 =	vsel vm0, v13, v12  }
0x128: {  	(xrf0) =	vmax.scan.msk.f32 $0xffff, v11;
	_ =	sdelay $0x5  }
0x129: {  	v12, _, _ =	vpop (xrf0)  }
0x12a: {  	v12 =	vbroadcast v12, $0xF  }
0x12b: {  	v9 =	vsel vm0, v10, v9  }
0x12c: {  	v9 =	vxor.u32 $0x80000000, v9;
	vm0 =	veq.f32 v11, v12  }
0x12d: {  	v9 =	vnsel vm0, $0xFFFFFFFF, v9  }
0x12e: {  	(xrf0) =	vmin.scan.msk.u32 $0xffff, v9;
	_ =	sdelay $0x5  }
0x12f: {  	v9, _, _ =	vpop (xrf0)  }
0x130: {  	(v2sf) =	vpush v9, $0xF;
	_ =	sdelay $0xe  }
0x131: {  	s26 =	spop (v2sf)  }
0x132: {  	s28 =	sand.u32 $0x7F, s26  }
0x133: {  	v9 =	vmov s28;
	s29 =	sadd.s32 $0xFFFFFFF0, s28  }
0x134: {  	vm0 =	veq.s32 v9, v0;
	v9 =	vmov s29;
	s29 =	sadd.s32 $0xFFFFFFE0, s28  }
0x135: {  	v10 =	vsel vm0, $0x1, v1;
	vm0 =	veq.s32 v9, v0;
	v9 =	vmov s29;
	s29 =	sadd.s32 $0xFFFFFFD0, s28  }
0x136: {  	[tilespmem:$0x18100] =	vst v10;
	v10 =	vsel vm0, $0x1, v1;
	vm0 =	veq.s32 v9, v0;
	v9 =	vmov s29;
	s29 =	sadd.s32 $0xFFFFFFC0, s28  }
0x137: {  	[tilespmem:$0x18110] =	vst v10;
	v10 =	vsel vm0, $0x1, v1;
	vm0 =	veq.s32 v9, v0;
	v9 =	vmov s29;
	s29 =	sadd.s32 $0xFFFFFFB0, s28  }
0x138: {  	[tilespmem:$0x18120] =	vst v10;
	v10 =	vsel vm0, $0x1, v1;
	vm0 =	veq.s32 v9, v0;
	v9 =	vmov s29;
	s29 =	sadd.s32 $0xFFFFFFA0, s28  }
0x139: {  	s28 =	sadd.s32 $0xFFFFFF90, s28;
	[tilespmem:$0x18130] =	vst v10;
	v10 =	vsel vm0, $0x1, v1;
	vm0 =	veq.s32 v9, v0;
	v9 =	vmov s29  }
0x13a: {  	[tilespmem:$0x18140] =	vst v10;
	v10 =	vsel vm0, $0x1, v1;
	vm0 =	veq.s32 v9, v0;
	v9 =	vmov s28  }
0x13b: {  	[tilespmem:$0x18150] =	vst v10;
	v10 =	vsel vm0, $0x1, v1;
	vm0 =	veq.s32 v9, v0  }
0x13c: {  	[tilespmem:$0x18160] =	vst v10;
	v9 =	vsel vm0, $0x1, v1  }
0x13d: {  	[tilespmem:$0x18170] =	vst v9  }
0x13e: {  	_ =	swait.ge [sflag:s16], $0x8000  }
0x13f: {  	[sflag:s16] =	ssyncset.done $0x0  }
0x140: {  	s30 =	simm.s32 $0x8080;
	[sflag:s16] =	ssyncadd.s32 $0xFFFF8000  }
0x141: {  	v10 =	vld [tilespmem:s30+$0x0]  }
0x142: {  	v11 =	vld [tilespmem:s30+$0xFFFFFF80]  }
0x143: {  	v12 =	vld [tilespmem:s30+$0xFFFFFF90]  }
0x144: {  	v13 =	vld [tilespmem:s30+$0x10]  }
0x145: {  	v14 =	vld [tilespmem:s30+$0x20]  }
0x146: {  	v17 =	vld [tilespmem:s30+$0x30]  }
0x147: {  	v27 =	vimm.f32 $-Inf;
	v28 =	vimm.f32 $-Inf;
	v21 =	vld [tilespmem:s30+$0x40]  }
0x148: {  	v23 =	vimm.s32 $0x0;
	v20 =	vimm.f32 $-Inf;
	v26 =	vimm.f32 $-Inf;
	v29 =	vld [tilespmem:s30+$0xFFFFFFA0]  }
0x149: {  	v25 =	vimm.f32 $-Inf;
	v24 =	vimm.f32 $-Inf;
	v30 =	vld [tilespmem:s30+$0xFFFFFFB0];
	vm1 =	vgt.f32 v11, v20  }
0x14a: {  	s28 =	simm.s32 $0x0;
	v9 =	vimm.s32 $0x0;
	v33 =	vld [tilespmem:s30+$0xFFFFFFC0];
	vm0 =	vgt.f32 v12, v20;
	v11 =	vsel vm1, v11, v20  }
0x14b: {  	v31 =	vld [tilespmem:s30+$0xFFFFFFD0];
	v16 =	vsel vm0, v12, v20;
	v18 =	vsel vm0, s28, v9;
	vm0 =	vgt.f32 v10, v11  }
0x14c: {  	s29 =	simm.s32 $0x1;
	v32 =	vld [tilespmem:s30+$0xFFFFFFE0];
	v19 =	vsel vm1, s28, v9;
	vm1 =	vgt.f32 v13, v16;
	v15 =	vsel vm0, v10, v11  }
0x14d: {  	v34 =	vld [tilespmem:s30+$0xFFFFFFF0];
	v16 =	vsel vm1, v13, v16;
	v22 =	vsel vm1, s29, v18;
	v11 =	vimm.s32 $0x0  }
0x14e: {  	s31 =	simm.s32 $0x2;
	v12 =	vld [tilespmem:s30+$0x50];
	v10 =	vimm.s32 $0x0;
	v18 =	vimm.s32 $0x0;
	v13 =	vimm.s32 $0x0  }
.LBB2_10:
0x14f: {  	p0 =	sne.s32 s31, $0xFE;
	vm1 =	vgt.f32 v29, v20;
	vm2 =	vgt.f32 v30, v27;
	vm3 =	vgt.f32 v33, v28;
	v35 =	vld [tilespmem:s30+$0x60]  }
0x150: {  	v20 =	vsel vm1, v29, v20;
	v27 =	vsel vm2, v30, v27;
	v28 =	vsel vm3, v33, v28;
	v29 =	vld [tilespmem:s30+$0x70];
	s30 =	sadd.s32 $0x100, s30  }
0x151: {  	v36 =	vld [tilespmem:s30+$0x0];
	vm4 =	vgt.f32 v14, v20;
	vm5 =	vgt.f32 v17, v27;
	vm6 =	vgt.f32 v21, v28  }
0x152: {  	v37 =	vld [tilespmem:s30+$0x10];
	v20 =	vsel vm4, v14, v20;
	v27 =	vsel vm5, v17, v27;
	v28 =	vsel vm6, v21, v28  }
0x153: {  	vm7 =	vgt.f32 v31, v26;
	vm8 =	vgt.f32 v32, v25;
	v14 =	vld [tilespmem:s30+$0x20];
	vm9 =	vgt.f32 v34, v24  }
0x154: {  	v21 =	vsel vm7, v31, v26;
	v25 =	vsel vm8, v32, v25;
	v17 =	vld [tilespmem:s30+$0x30];
	v24 =	vsel vm9, v34, v24  }
0x155: {  	vm10 =	vgt.f32 v12, v21;
	vm11 =	vgt.f32 v35, v25;
	v31 =	vld [tilespmem:s30+$0xFFFFFF80];
	vm12 =	vgt.f32 v29, v24  }
0x156: {  	v26 =	vsel vm10, v12, v21;
	v25 =	vsel vm11, v35, v25;
	v32 =	vld [tilespmem:s30+$0xFFFFFF90];
	v24 =	vsel vm12, v29, v24  }
0x157: {  	v9 =	vsel vm7, s28, v9;
	v11 =	vsel vm8, s28, v11;
	v10 =	vsel vm9, s28, v10;
	v21 =	vld [tilespmem:s30+$0x40]  }
0x158: {  	v9 =	vsel vm10, s29, v9;
	v11 =	vsel vm11, s29, v11;
	v10 =	vsel vm12, s29, v10;
	v29 =	vld [tilespmem:s30+$0xFFFFFFA0]  }
0x159: {  	v18 =	vsel vm2, s28, v18;
	v13 =	vsel vm3, s28, v13;
	v12 =	vsel vm1, s28, v23;
	s28 =	smov.u32 s31;
	v30 =	vld [tilespmem:s30+$0xFFFFFFB0]  }
.Ltmp4:
0x15a: {  	v18 =	vsel vm5, s29, v18;
	v13 =	vsel vm6, s29, v13;
	v23 =	vsel vm4, s29, v12;
	v33 =	vld [tilespmem:s30+$0xFFFFFFC0];
	(pc) =	sbr.rel @p0 .LBB2_10-.Ltmp4, $4  }
0x15b: {  	v19 =	vsel vm0, s29, v19;
	vm1 =	vgt.f32 v31, v15;
	vm2 =	vgt.f32 v32, v16;
	v12 =	vld [tilespmem:s30+$0x50]  }
0x15c: {  	v15 =	vsel vm1, v31, v15;
	v16 =	vsel vm2, v32, v16;
	v22 =	vsel vm2, s31, v22;
	v31 =	vld [tilespmem:s30+$0xFFFFFFD0]  }
0x15d: {  	s29 =	sadd.s32 $0x1, s31;
	v19 =	vsel vm1, s31, v19;
	vm0 =	vgt.f32 v36, v15;
	v32 =	vld [tilespmem:s30+$0xFFFFFFE0];
	vm1 =	vgt.f32 v37, v16  }
0x15e: {  	s31 =	sadd.s32 $0x2, s31;
	v15 =	vsel vm0, v36, v15;
	v34 =	vld [tilespmem:s30+$0xFFFFFFF0];
	v16 =	vsel vm1, v37, v16;
	v22 =	vsel vm1, s29, v22  }
0x15f: {  	vm8 =	vgt.f32 v29, v20;
	vm6 =	vgt.f32 v30, v27  }
0x160: {  	vm4 =	vgt.f32 v33, v28;
	v19 =	vsel vm0, s29, v19;
	v22 =	vshll.u32 v22, $0x7  }
0x161: {  	vm15 =	veq.f32 v16, v15;
	vm13 =	vgt.f32 v16, v15;
	v20 =	vsel vm8, v29, v20  }
0x162: {  	v27 =	vsel vm6, v30, v27;
	v28 =	vsel vm4, v33, v28;
	v19 =	vshll.u32 v19, $0x7  }
0x163: {  	v22 =	vor.u32 v2, v22;
	v23 =	vsel vm8, s28, v23;
	v18 =	vsel vm6, s28, v18  }
0x164: {  	v13 =	vsel vm4, s28, v13;
	vm9 =	vgt.f32 v14, v20;
	vm7 =	vgt.f32 v17, v27  }
0x165: {  	vm5 =	vgt.f32 v21, v28;
	vm3 =	vgt.f32 v31, v26;
	v19 =	vor.u32 v0, v19  }
0x166: {  	v14 =	vsel vm9, v14, v20;
	v17 =	vsel vm7, v17, v27;
	v52 =	vsel vm5, v21, v28  }
0x167: {  	vm2 =	vgt.f32 v32, v25;
	v53 =	vsel vm3, v31, v26;
	vm12 =	vlt.s32 v22, v19  }
0x168: {  	v23 =	vsel vm9, s29, v23;
	v18 =	vsel vm7, s29, v18;
	vm8 =	vmand vm15, vm12  }
0x169: {  	v13 =	vsel vm5, s29, v13;
	v23 =	vshll.u32 v23, $0x7;
	vm8 =	vmor vm13, vm8  }
0x16a: {  	v57 =	vor.u32 v3, v23;
	v55 =	vsel vm8, v16, v15;
	v56 =	vsel vm8, v22, v19  }
0x16b: {  	v9 =	vsel vm3, s28, v9;
	vm14 =	veq.f32 v14, v55;
	vm8 =	vlt.s32 v57, v56  }
0x16c: {  	vm1 =	vgt.f32 v34, v24;
	vm15 =	vgt.f32 v14, v55;
	vm8 =	vmand vm14, vm8  }
0x16d: {  	v25 =	vsel vm2, v32, v25;
	v18 =	vshll.u32 v18, $0x7;
	vm7 =	vmor vm15, vm8  }
0x16e: {  	v54 =	vld [tilespmem:s30+$0x60];
	v60 =	vor.u32 v4, v18;
	v14 =	vsel vm7, v14, v55;
	v59 =	vsel vm7, v57, v56  }
0x16f: {  	vm0 =	vgt.f32 v12, v53;
	vm12 =	veq.f32 v17, v14;
	vm7 =	vlt.s32 v60, v59  }
0x170: {  	v13 =	vshll.u32 v13, $0x7;
	vm13 =	vgt.f32 v17, v14;
	vm7 =	vmand vm12, vm7  }
0x171: {  	v11 =	vsel vm2, s28, v11;
	v24 =	vsel vm1, v34, v24;
	vm5 =	vmor vm13, vm7  }
0x172: {  	v13 =	vor.u32 v5, v13;
	v14 =	vsel vm5, v17, v14;
	v15 =	vsel vm5, v60, v59  }
0x173: {  	vm6 =	vgt.f32 v54, v25;
	vm14 =	veq.f32 v52, v14;
	vm5 =	vlt.s32 v13, v15  }
0x174: {  	v9 =	vsel vm0, s29, v9;
	vm15 =	vgt.f32 v52, v14;
	vm3 =	vmand vm14, vm5  }
0x175: {  	v12 =	vsel vm0, v12, v53;
	v9 =	vshll.u32 v9, $0x7;
	vm9 =	vmor vm15, vm3  }
0x176: {  	v58 =	vld [tilespmem:s30+$0x70];
	v9 =	vor.u32 v6, v9;
	v14 =	vsel vm9, v52, v14;
	v13 =	vsel vm9, v13, v15  }
0x177: {  	v10 =	vsel vm1, s28, v10;
	vm10 =	veq.f32 v12, v14;
	vm11 =	vlt.s32 v9, v13  }
0x178: {  	v11 =	vsel vm6, s29, v11;
	vm12 =	vgt.f32 v12, v14;
	vm0 =	vmand vm10, vm11  }
0x179: {  	v61 =	vsel vm6, v54, v25;
	v11 =	vshll.u32 v11, $0x7;
	vm0 =	vmor vm12, vm0  }
0x17a: {  	v11 =	vor.u32 v7, v11;
	v12 =	vsel vm0, v12, v14;
	v9 =	vsel vm0, v9, v13  }
0x17b: {  	vm4 =	vgt.f32 v58, v24;
	vm13 =	veq.f32 v61, v12;
	vm14 =	vlt.s32 v11, v9  }
0x17c: {  	v10 =	vsel vm4, s29, v10;
	vm15 =	vgt.f32 v61, v12;
	vm0 =	vmand vm13, vm14  }
0x17d: {  	v62 =	vsel vm4, v58, v24;
	v10 =	vshll.u32 v10, $0x7;
	vm0 =	vmor vm15, vm0  }
0x17e: {  	v10 =	vor.u32 v8, v10;
	v12 =	vsel vm0, v61, v12;
	v9 =	vsel vm0, v11, v9  }
0x17f: {  	vm4 =	veq.f32 v62, v12;
	vm5 =	vlt.s32 v10, v9  }
0x180: {  	vm6 =	vgt.f32 v62, v12;
	vm0 =	vmand vm4, vm5  }
0x181: {  	vm0 =	vmor vm6, vm0  }
0x182: {  	v11 =	vsel vm0, v62, v12  }
0x183: {  	(xrf0) =	vmax.scan.msk.f32 $0xffff, v11;
	_ =	sdelay $0x5  }
0x184: {  	v63, _, _ =	vpop (xrf0)  }
0x185: {  	v12 =	vbroadcast v63, $0xF  }
0x186: {  	v9 =	vsel vm0, v10, v9  }
0x187: {  	v9 =	vxor.u32 $0x80000000, v9;
	vm7 =	veq.f32 v11, v12  }
0x188: {  	v9 =	vnsel vm7, $0xFFFFFFFF, v9  }
0x189: {  	(xrf0) =	vmin.scan.msk.u32 $0xffff, v9;
	_ =	sdelay $0x5  }
0x18a: {  	v9, _, _ =	vpop (xrf0)  }
0x18b: {  	(v2sf) =	vpush v9, $0xF;
	_ =	sdelay $0xe  }
0x18c: {  	s28 =	spop (v2sf)  }
0x18d: {  	s29 =	sand.u32 $0x7F, s28  }
0x18e: {  	v9 =	vmov s29;
	s31 =	sadd.s32 $0xFFFFFFF0, s29  }
0x18f: {  	vm8 =	veq.s32 v9, v0;
	v9 =	vmov s31;
	s31 =	sadd.s32 $0xFFFFFFE0, s29  }
0x190: {  	v10 =	vsel vm8, $0x1, v1;
	vm9 =	veq.s32 v9, v0;
	v9 =	vmov s31;
	s31 =	sadd.s32 $0xFFFFFFD0, s29  }
0x191: {  	[tilespmem:$0x18180] =	vst v10;
	v10 =	vsel vm9, $0x1, v1;
	vm10 =	veq.s32 v9, v0;
	v9 =	vmov s31;
	s31 =	sadd.s32 $0xFFFFFFC0, s29  }
0x192: {  	[tilespmem:$0x18190] =	vst v10;
	v10 =	vsel vm10, $0x1, v1;
	vm11 =	veq.s32 v9, v0;
	v9 =	vmov s31;
	s31 =	sadd.s32 $0xFFFFFFB0, s29  }
0x193: {  	[tilespmem:$0x181A0] =	vst v10;
	v10 =	vsel vm11, $0x1, v1;
	vm12 =	veq.s32 v9, v0;
	v9 =	vmov s31;
	s31 =	sadd.s32 $0xFFFFFFA0, s29  }
0x194: {  	s29 =	sadd.s32 $0xFFFFFF90, s29;
	[tilespmem:$0x181B0] =	vst v10;
	v10 =	vsel vm12, $0x1, v1;
	vm13 =	veq.s32 v9, v0;
	v9 =	vmov s31  }
0x195: {  	[tilespmem:$0x181C0] =	vst v10;
	v10 =	vsel vm13, $0x1, v1;
	vm14 =	veq.s32 v9, v0;
	v9 =	vmov s29  }
0x196: {  	[tilespmem:$0x181D0] =	vst v10;
	v10 =	vsel vm14, $0x1, v1;
	vm15 =	veq.s32 v9, v0  }
0x197: {  	[tilespmem:$0x181E0] =	vst v10;
	v9 =	vsel vm15, $0x1, v1  }
0x198: {  	[tilespmem:$0x181F0] =	vst v9  }
0x199: {  	_ =	swait.ge [sflag:s17], $0x8000  }
0x19a: {  	[sflag:s17] =	ssyncset.done $0x0  }
0x19b: {  	[sflag:s17] =	ssyncadd.s32 $0xFFFF8000  }
0x19c: {  	_ =	swait.ge [sflag:s17], $0x8000  }
0x19d: {  	[sflag:s17] =	ssyncset.done $0x0  }
0x19e: {  	[sflag:s17] =	ssyncadd.s32 $0xFFFF8000  }
0x19f: {  	_ =	swait.ge [sflag:s17], $0x8000  }
0x1a0: {  	[sflag:s17] =	ssyncset.done $0x0  }
0x1a1: {  	[sflag:s17] =	ssyncadd.s32 $0xFFFF8000  }
0x1a2: {  	_ =	swait.ge [sflag:s17], $0x8000  }
0x1a3: {  	s24 =	sand.u32 $0x1FFFFF80, s24;
	[sflag:s17] =	ssyncset.done $0x0  }
0x1a4: {  	s24 =	sadd.s32 s5, s24;
	s29 =	sand.u32 $0x1FFFFF80, s25;
	[sflag:s17] =	ssyncadd.s32 $0xFFFF8000  }
0x1a5: {  	[hbm4b:s24+s2] =	stream.linear.scatter [tilespmem:s18], [sflag:$0x3], $0x80, $0x38;
	[tilespmem:$0x18200] =	vst v63  }
0x1a6: {  	s30 =	sand.u32 $0x1FFFFF80, s26;
	s24 =	sadd.s32 s6, s29  }
0x1a7: {  	[hbm4b:s24+s2] =	stream.linear.scatter [tilespmem:s19], [sflag:$0x3], $0x80, $0x38;
	[tilespmem:$0x18200] =	vst v63  }
0x1a8: {  	s31 =	sand.u32 $0x1FFFFF80, s28;
	s24 =	sadd.s32 s7, s30  }
0x1a9: {  	[hbm4b:s24+s2] =	stream.linear.scatter [tilespmem:s20], [sflag:$0x3], $0x80, $0x38;
	[tilespmem:$0x18200] =	vst v63  }
0x1aa: {  	s24 =	sadd.s32 s8, s31  }
0x1ab: {  	[hbm4b:s24+s2] =	stream.linear.scatter [tilespmem:s21], [sflag:$0x3], $0x80, $0x38;
	[tilespmem:$0x18200] =	vst v63  }
0x1ac: {  	_ =	swait.ge [sflag:s22], $0x80  }
0x1ad: {  	[sflag:s22] =	ssyncset.done $0x0  }
0x1ae: {  	[sflag:s22] =	ssyncadd.s32 $0xFFFFFF80  }
0x1af: {  	_ =	swait.ge [sflag:s22], $0x80  }
0x1b0: {  	[sflag:s22] =	ssyncset.done $0x0  }
0x1b1: {  	s23 =	sadd.s32 $0x1, s23;
	[sflag:s22] =	ssyncadd.s32 $0xFFFFFF80  }
0x1b2: {  	p0 =	sne.s32 s23, s11;
	_ =	swait.ge [sflag:s22], $0x80  }
.Ltmp5:
0x1b3: {  	[sflag:s22] =	ssyncset.done $0x0;
	(pc) =	sbr.rel @p0 .LBB2_1-.Ltmp5, $4  }
0x1b4: {  	[sflag:s22] =	ssyncadd.s32 $0xFFFFFF80  }
0x1b5: {  	_ =	swait.ge [sflag:s22], $0x80  }
0x1b6: {  	[sflag:s22] =	ssyncset.done $0x0  }
0x1b7: {  	[sflag:s22] =	ssyncadd.s32 $0xFFFFFF80  }
0x1b8: {  	_ =	sfence.sel $0x180000  }
0x1b9: {  	[bflag:$0x0] =	sbarrier.arrive $0xFFFF  }
0x1ba: {  	p0 =	sne.s32 s1, $0x0;
	_ =	strace $0x90000047  }
0x1bb: {  	s0 =	sadd.s32 @!p0 $0x100000, s0;
	[bflag:$0x2] =	sbarrier.arrive $0xFFFF  }
0x1bc: {  	[sflag:s0] =	ssyncadd.tile.s32 @!p0 $0x1;
	_ =	shalt  }
.Lfunc_end2:
_tile_overlayer_lowered:
.L_overlay_start_2:
0x1bd: {  	(tag) =	ssettag $0x2  }
0x1be: {  	s0 =	rddreg [dreg:$0x0];
	s2 =	stileid.u32  }
0x1bf: {  	s1 =	rddreg [dreg:$0x1];
	p0 =	sne.s32 s2, $0x0  }
0x1c0: {  	s3 =	rddreg [dreg:$0x2];
	[bflag:$0x3] =	sbarrier.arrive $0xFFFF;
	s2 =	simm.s32 @!p0 $0x1C04  }
0x1c1: {  	[timem:s3], [sflag:s2] =	dma.local @!p0 [hbm:s0], s1  }
0x1c2: {  	s0 =	simm.s32 @!p0 $0x4  }
0x1c3: {  	_ =	swait.ge @!p0 [sflag:s0], s1  }
0x1c4: {  	s1 =	ssub.s32 @!p0 $0x0, s1;
	[sflag:s0] =	ssyncset.done @!p0 $0x0  }
0x1c5: {  	[sflag:s0] =	ssyncadd.s32 @!p0 s1  }
0x1c6: {  	[bflag:$0x3] =	sbarrier.arrive $0xFFFF  }
0x1c7: {  	_ =	shalt  }

</sc_bundles>
